<compile_context>
chip_gen: v7x
topology: tpu7x:2x2x1
jax: 0.10.2.dev20260603
libtpu: 0.0.44.dev20260713+nightly
codegen_flags: <defaults>
</compile_context>

<pallas_src>
import functools

import jax
import jax.numpy as jnp
from jax import lax
from jax.experimental import pallas as pl
from jax.experimental.pallas import tpu as pltpu
from jax.experimental.pallas import tpu_sc as plsc

N_COARSE = 5000
N_FINE = 10000
C_IN = 128
C_MID = 64
C_OUT = 128
K_KNN = 3
D_CAT = C_IN + C_MID
D_Z = C_OUT + C_MID

NC_SC = 2
NS_SC = 16
NW = NC_SC * NS_SC
CH = 125

_NEG_SLOPE = 0.01


def _leaky(v):
    return jnp.where(v > 0, v, _NEG_SLOPE * v)


def _ceil_to(x, m):
    return (x + m - 1) // m * m


NBUF = 2


def _make_segsum(n_src, d, e_pad, r_out, ch=CH, nbuf=NBUF):
    e_tile = e_pad // NW
    nch = e_tile // ch
    assert nch % nbuf == 0 and nch >= 2 * nbuf
    rpt = r_out // NS_SC
    mesh = plsc.VectorSubcoreMesh(core_axis_name="c", subcore_axis_name="s")

    @functools.partial(
        pl.kernel,
        out_type=jax.ShapeDtypeStruct((NC_SC, r_out, d), jnp.float32),
        mesh=mesh,
        scratch_types=[
            pltpu.VMEM((nch, ch), jnp.int32),
            pltpu.VMEM((nch, ch), jnp.int32),
            [pltpu.VMEM((ch, d), jnp.float32) for _ in range(nbuf)],
            pltpu.VMEM_SHARED((r_out, d), jnp.float32),
            pltpu.SemaphoreType.DMA,
            pltpu.SemaphoreType.DMA,
        ],
        compiler_params=pltpu.CompilerParams(use_tc_tiling_on_sc=False),
    )
    def segsum(feat_hbm, src_hbm, dst_hbm, zero_hbm, out_hbm,
               src_v, dst_v, rows, acc, semg, sems):
        cid = lax.axis_index("c")
        sid = lax.axis_index("s")
        wid = cid * NS_SC + sid
        pltpu.sync_copy(src_hbm.at[wid], src_v)
        pltpu.sync_copy(dst_hbm.at[wid], dst_v)
        pltpu.sync_copy(zero_hbm, acc.at[pl.ds(sid * rpt, rpt)])
        plsc.subcore_barrier()

        def fire_gather(c, b):
            pltpu.async_copy(feat_hbm.at[src_v.at[c]], rows[b], semg)

        def wait_gather(b):
            pltpu.make_async_copy(
                feat_hbm.at[src_v.at[0]], rows[b], semg).wait()

        def step(cc, b, first):
            wait_gather(b)
            pltpu.async_copy(rows[b], acc.at[dst_v.at[cc]], sems, add=True)
            if not first:
                pltpu.make_async_copy(
                    rows[b], acc.at[dst_v.at[0]], sems).wait()
            nxt = jnp.minimum(cc + nbuf - 1, nch - 1)
            fire_gather(nxt, (b - 1) % nbuf)

        for b in range(nbuf - 1):
            fire_gather(b, b)
        for cc in range(nbuf):
            step(cc, cc % nbuf, cc == 0)

        def body(i, carry):
            c = i * nbuf
            for b in range(nbuf):
                step(c + b, b, False)
            return carry

        lax.fori_loop(1, nch // nbuf, body, 0)
        for b in range(nbuf - 1):
            wait_gather(b)
        pltpu.make_async_copy(rows[0], acc.at[dst_v.at[0]], sems).wait()
        plsc.subcore_barrier()
        pltpu.sync_copy(acc.at[pl.ds(sid * rpt, rpt)],
                        out_hbm.at[cid, pl.ds(sid * rpt, rpt)])

    return segsum


def _make_gather(n_src, d, b_pad, ch=CH, nbuf=NBUF):
    b_tile = b_pad // NW
    nch = b_tile // ch
    assert nch % nbuf == 0 and nch >= 2 * nbuf
    mesh = plsc.VectorSubcoreMesh(core_axis_name="c", subcore_axis_name="s")

    @functools.partial(
        pl.kernel,
        out_type=jax.ShapeDtypeStruct((b_pad, d), jnp.float32),
        mesh=mesh,
        scratch_types=[
            pltpu.VMEM((nch, ch), jnp.int32),
            [pltpu.VMEM((ch, d), jnp.float32) for _ in range(nbuf)],
            pltpu.SemaphoreType.DMA,
            pltpu.SemaphoreType.DMA,
        ],
        compiler_params=pltpu.CompilerParams(use_tc_tiling_on_sc=False),
    )
    def gather(tab_hbm, idx_hbm, out_hbm, idx_v, rows, semg, sems):
        cid = lax.axis_index("c")
        sid = lax.axis_index("s")
        wid = cid * NS_SC + sid
        pltpu.sync_copy(idx_hbm.at[wid], idx_v)

        def fire_gather(c, b):
            pltpu.async_copy(tab_hbm.at[idx_v.at[c]], rows[b], semg)

        def wait_gather(b):
            pltpu.make_async_copy(
                tab_hbm.at[idx_v.at[0]], rows[b], semg).wait()

        def step(cc, b, first):
            wait_gather(b)
            base = (wid * b_tile + cc * ch)
            pltpu.async_copy(rows[b], out_hbm.at[pl.ds(base, ch)], sems)
            if not first:
                pltpu.make_async_copy(
                    rows[b], out_hbm.at[pl.ds(0, ch)], sems).wait()
            nxt = jnp.minimum(cc + nbuf - 1, nch - 1)
            fire_gather(nxt, (b - 1) % nbuf)

        for b in range(nbuf - 1):
            fire_gather(b, b)
        for cc in range(nbuf):
            step(cc, cc % nbuf, cc == 0)

        def body(i, carry):
            c = i * nbuf
            for b in range(nbuf):
                step(c + b, b, False)
            return carry

        lax.fori_loop(1, nch // nbuf, body, 0)
        for b in range(nbuf - 1):
            wait_gather(b)
        pltpu.make_async_copy(rows[0], out_hbm.at[pl.ds(0, ch)], sems).wait()

    return gather


def _mm_kernel(x_ref, w_ref, o_ref):
    o_ref[...] = jnp.dot(x_ref[...], w_ref[...],
                         preferred_element_type=jnp.float32)


def _matmul(x, w, bm):
    m, k = x.shape
    n = w.shape[1]
    return pl.pallas_call(
        _mm_kernel,
        grid=(m // bm,),
        in_specs=[
            pl.BlockSpec((bm, k), lambda i: (i, 0)),
            pl.BlockSpec((k, n), lambda i: (0, 0)),
        ],
        out_specs=pl.BlockSpec((bm, n), lambda i: (i, 0)),
        out_shape=jax.ShapeDtypeStruct((m, n), jnp.float32),
    )(x, w)


def _x1cat_kernel(p_ref, y1s_ref, b1_ref, x_ref, o_ref):
    agg = p_ref[0] + p_ref[1]
    x1 = _leaky(agg + y1s_ref[...] + b1_ref[...])
    o_ref[...] = jnp.concatenate([x_ref[...], x1], axis=1)


def _knn_kernel(pf_ref, pc_ref, idx_ref, wn_ref, *, bf, ncp):
    pf = pf_ref[...]
    pc = pc_ref[...]
    d2 = (jnp.sum(pf * pf, axis=1)[:, None]
          + jnp.sum(pc * pc, axis=1)[None, :]
          - 2.0 * jnp.dot(pf, pc.T, preferred_element_type=jnp.float32))
    col = lax.broadcasted_iota(jnp.int32, (bf, ncp), 1)
    ws = []
    ids = []
    for _ in range(K_KNN):
        m = jnp.min(d2, axis=1)
        am = jnp.min(jnp.where(d2 == m[:, None], col, jnp.int32(2**30)),
                     axis=1)
        ws.append(1.0 / jnp.clip(m, 1e-16, None))
        ids.append(am)
        d2 = jnp.where(col == am[:, None], jnp.float32(jnp.inf), d2)
    den = ws[0] + ws[1] + ws[2]
    zi = jnp.zeros((bf,), jnp.int32)
    zf = jnp.zeros((bf,), jnp.float32)
    idx_ref[...] = jnp.stack(ids + [zi] * (8 - K_KNN), axis=1)
    wn_ref[...] = jnp.stack([w / den for w in ws] + [zf] * (8 - K_KNN),
                            axis=1)


def _mix_kernel(g0_ref, g1_ref, g2_ref, wn_ref, wsm_ref, wss_ref, w2s_ref,
                bs_ref, b2_ref, z1_ref, z2_ref, ps_ref, p2_ref):
    wn = wn_ref[...]
    up = (wn[:, 0][:, None] * g0_ref[...]
          + wn[:, 1][:, None] * g1_ref[...]
          + wn[:, 2][:, None] * g2_ref[...])
    x_up0 = up[:, :C_IN]
    x1_up = up[:, C_IN:]
    z1_ref[...] = jnp.dot(x_up0, wsm_ref[...],
                          preferred_element_type=jnp.float32)
    z2_ref[...] = x1_up
    ps_ref[...] = (jnp.dot(x_up0, wss_ref[...],
                           preferred_element_type=jnp.float32) + bs_ref[...])
    p2_ref[...] = (jnp.dot(x1_up, w2s_ref[...],
                           preferred_element_type=jnp.float32) + b2_ref[...])


def _final_kernel(p1_ref, p2s_ref, ps_ref, p2_ref, w2m_ref, gamma_ref,
                  beta_ref, o_ref):
    agg_skip = p1_ref[0] + p1_ref[1]
    agg2 = jnp.dot(p2s_ref[0] + p2s_ref[1], w2m_ref[...],
                   preferred_element_type=jnp.float32)
    x_skip = _leaky(agg_skip + ps_ref[...])
    x2 = _leaky(agg2 + p2_ref[...])
    y = x2 + x_skip
    mu = jnp.mean(y, axis=0)
    var = jnp.mean((y - mu[None, :]) ** 2, axis=0)
    bn = (y - mu[None, :]) / jnp.sqrt(var + 1e-5)[None, :] * gamma_ref[...] \
        + beta_ref[...]
    o_ref[...] = _leaky(bn)


def kernel(x, edge_index_coarse, edge_index_fine, pos_fine, mask,
           W1m, W1s, b1, W2m, W2s, b2, Wsm, Wss, bs, gamma, beta):
    f32 = jnp.float32
    e_c = edge_index_coarse.shape[1]
    e_f = edge_index_fine.shape[1]

    ec_pad = _ceil_to(e_c, NW * CH * 2)
    ef_pad = _ceil_to(e_f, NW * CH * 2)
    rc = _ceil_to(N_COARSE + 1, NS_SC * 8)
    rf = _ceil_to(N_FINE + 1, NS_SC * 8)
    ch_g = CH
    b_int = _ceil_to(K_KNN * N_FINE, NW * ch_g * 2)

    def pad_edges(ei, e, e_pad, dummy):
        src = jnp.concatenate(
            [ei[0].astype(jnp.int32), jnp.zeros((e_pad - e,), jnp.int32)])
        dst = jnp.concatenate(
            [ei[1].astype(jnp.int32),
             jnp.full((e_pad - e,), dummy, jnp.int32)])
        return src, dst

    def shaped(a, e_pad, ch):
        return a.reshape(NW, e_pad // (NW * ch), ch)

    src_c, dst_c = pad_edges(edge_index_coarse, e_c, ec_pad, N_COARSE)
    src_f, dst_f = pad_edges(edge_index_fine, e_f, ef_pad, N_FINE)

    zero_c = jnp.zeros((rc // NS_SC, C_MID), f32)
    zero_f1 = jnp.zeros((rf // NS_SC, C_OUT), f32)
    zero_f2 = jnp.zeros((rf // NS_SC, C_MID), f32)

    w1 = jnp.concatenate([W1m, W1s], axis=1)
    y1 = _matmul(x, w1, bm=1000)
    y1m = y1[:, :C_MID]
    y1s = y1[:, C_MID:]

    segsum_c = _make_segsum(N_COARSE, C_MID, ec_pad, rc, ch=125, nbuf=2)
    pc_part = segsum_c(y1m, shaped(src_c, ec_pad, 125),
                       shaped(dst_c, ec_pad, 125), zero_c)
    pc_real = pc_part[:, :N_COARSE, :]

    xcat = pl.pallas_call(
        _x1cat_kernel,
        grid=(5,),
        in_specs=[
            pl.BlockSpec((NC_SC, 1000, C_MID), lambda i: (0, i, 0)),
            pl.BlockSpec((1000, C_MID), lambda i: (i, 0)),
            pl.BlockSpec((1, C_MID), lambda i: (0, 0)),
            pl.BlockSpec((1000, C_IN), lambda i: (i, 0)),
        ],
        out_specs=pl.BlockSpec((1000, D_CAT), lambda i: (i, 0)),
        out_shape=jax.ShapeDtypeStruct((N_COARSE, D_CAT), f32),
    )(pc_real, y1s, b1.reshape(1, C_MID), x)

    ncp = _ceil_to(N_COARSE, 8)
    pos_c = pos_fine[mask]
    pos_cp = jnp.concatenate(
        [pos_c, jnp.full((ncp - N_COARSE, 3), 1e6, f32)])
    bf = 1000
    idx8, wn8 = pl.pallas_call(
        functools.partial(_knn_kernel, bf=bf, ncp=ncp),
        grid=(N_FINE // bf,),
        in_specs=[
            pl.BlockSpec((bf, 3), lambda i: (i, 0)),
            pl.BlockSpec((ncp, 3), lambda i: (0, 0)),
        ],
        out_specs=[
            pl.BlockSpec((bf, 8), lambda i: (i, 0)),
            pl.BlockSpec((bf, 8), lambda i: (i, 0)),
        ],
        out_shape=[
            jax.ShapeDtypeStruct((N_FINE, 8), jnp.int32),
            jax.ShapeDtypeStruct((N_FINE, 8), f32),
        ],
    )(pos_fine, pos_cp)

    idx_all = jnp.concatenate(
        [idx8[:, 0], idx8[:, 1], idx8[:, 2],
         jnp.zeros((b_int - K_KNN * N_FINE,), jnp.int32)]
    ).reshape(NW, b_int // (NW * ch_g), ch_g)
    gather = _make_gather(N_COARSE, D_CAT, b_int, ch=ch_g, nbuf=2)
    g = gather(xcat, idx_all)
    g0 = g[:N_FINE]
    g1 = g[N_FINE:2 * N_FINE]
    g2 = g[2 * N_FINE:3 * N_FINE]

    z1, z2, pre_s, pre_2 = pl.pallas_call(
        _mix_kernel,
        grid=(N_FINE // bf,),
        in_specs=[
            pl.BlockSpec((bf, D_CAT), lambda i: (i, 0)),
            pl.BlockSpec((bf, D_CAT), lambda i: (i, 0)),
            pl.BlockSpec((bf, D_CAT), lambda i: (i, 0)),
            pl.BlockSpec((bf, 8), lambda i: (i, 0)),
            pl.BlockSpec((C_IN, C_OUT), lambda i: (0, 0)),
            pl.BlockSpec((C_IN, C_OUT), lambda i: (0, 0)),
            pl.BlockSpec((C_MID, C_OUT), lambda i: (0, 0)),
            pl.BlockSpec((1, C_OUT), lambda i: (0, 0)),
            pl.BlockSpec((1, C_OUT), lambda i: (0, 0)),
        ],
        out_specs=[
            pl.BlockSpec((bf, C_OUT), lambda i: (i, 0)),
            pl.BlockSpec((bf, C_MID), lambda i: (i, 0)),
            pl.BlockSpec((bf, C_OUT), lambda i: (i, 0)),
            pl.BlockSpec((bf, C_OUT), lambda i: (i, 0)),
        ],
        out_shape=[
            jax.ShapeDtypeStruct((N_FINE, C_OUT), f32),
            jax.ShapeDtypeStruct((N_FINE, C_MID), f32),
            jax.ShapeDtypeStruct((N_FINE, C_OUT), f32),
            jax.ShapeDtypeStruct((N_FINE, C_OUT), f32),
        ],
    )(g0, g1, g2, wn8, Wsm, Wss, W2s,
      bs.reshape(1, C_OUT), b2.reshape(1, C_OUT))

    segsum_f1 = _make_segsum(N_FINE, C_OUT, ef_pad, rf, ch=100, nbuf=2)
    pf1 = segsum_f1(z1, shaped(src_f, ef_pad, 100),
                    shaped(dst_f, ef_pad, 100), zero_f1)[:, :N_FINE, :]
    segsum_f2 = _make_segsum(N_FINE, C_MID, ef_pad, rf, ch=125, nbuf=2)
    pf2 = segsum_f2(z2, shaped(src_f, ef_pad, 125),
                    shaped(dst_f, ef_pad, 125), zero_f2)[:, :N_FINE, :]

    out = pl.pallas_call(
        _final_kernel,
        in_specs=[
            pl.BlockSpec((NC_SC, N_FINE, C_OUT), lambda: (0, 0, 0)),
            pl.BlockSpec((NC_SC, N_FINE, C_MID), lambda: (0, 0, 0)),
            pl.BlockSpec((N_FINE, C_OUT), lambda: (0, 0)),
            pl.BlockSpec((N_FINE, C_OUT), lambda: (0, 0)),
            pl.BlockSpec((C_MID, C_OUT), lambda: (0, 0)),
            pl.BlockSpec((1, C_OUT), lambda: (0, 0)),
            pl.BlockSpec((1, C_OUT), lambda: (0, 0)),
        ],
        out_specs=pl.BlockSpec((N_FINE, C_OUT), lambda: (0, 0)),
        out_shape=jax.ShapeDtypeStruct((N_FINE, C_OUT), f32),
    )(pf1, pf2, pre_s, pre_2, W2m,
      gamma.reshape(1, C_OUT), beta.reshape(1, C_OUT))
    return out

# --- scband reference (transcript-rebuilt; emitter-appended) ---
"""Pipeline reference for scband-res-up-34797825032222 (READ-ONLY COPY).

The authoritative reference and input builder live on the scoring server;
editing this copy changes nothing except your own understanding.
"""

import jax, jax.numpy as jnp
import numpy as np

N_COARSE = 5000
N_FINE = 10000
E_COARSE = 160000
E_FINE = 320000
C_IN = 128
C_MID = 64
C_OUT = 128
K_KNN = 3


def leaky_relu(x):
    return jnp.where(x > 0, x, 0.01 * x)


def mpl(x, edge_index, Wm, Ws, b, num_nodes):
    # MessagePassingLayer: gather source node features, linear message,
    # scatter-add to destination nodes, combine with self transform.
    src = edge_index[0]
    dst = edge_index[1]
    msg = x[src] @ Wm
    agg = jax.ops.segment_sum(msg, dst, num_segments=num_nodes)
    return leaky_relu(agg + x @ Ws + b)


def knn_interpolate(x, pos_x, pos_y, k=K_KNN):
    # torch_geometric-style knn_interpolate: inverse squared-distance weighted
    # average of k nearest coarse nodes for every fine node.
    d2 = (jnp.sum(pos_y ** 2, axis=1)[:, None]
          + jnp.sum(pos_x ** 2, axis=1)[None, :]
          - 2.0 * (pos_y @ pos_x.T))
    neg_d2, idx = jax.lax.top_k(-d2, k)
    w = 1.0 / jnp.clip(-neg_d2, 1e-16, None)
    num = jnp.sum(w[:, :, None] * x[idx], axis=1)
    den = jnp.sum(w, axis=1, keepdims=True)
    return num / den


def batch_norm(x, gamma, beta, eps=1e-5):
    mu = jnp.mean(x, axis=0)
    var = jnp.var(x, axis=0)
    return (x - mu) / jnp.sqrt(var + eps) * gamma + beta


def setup_inputs(seed: int = 0):
    key = jax.random.key(seed)
    ks = jax.random.split(key, 20)
    s = 0.05
    inp = {
        'x': jax.random.normal(ks[0], (N_COARSE, C_IN), dtype=jnp.float32),
        'edge_index_coarse': jax.random.randint(ks[1], (2, E_COARSE), 0, N_COARSE),
        'edge_index_fine': jax.random.randint(ks[2], (2, E_FINE), 0, N_FINE),
        'pos_fine': jax.random.uniform(ks[3], (N_FINE, 3), dtype=jnp.float32),
        'mask': jnp.sort(jax.random.randint(ks[4], (N_COARSE,), 0, N_FINE)),
        # mpl1: C_IN -> C_OUT//2
        'W1m': jax.random.normal(ks[5], (C_IN, C_MID), dtype=jnp.float32) * s,
        'W1s': jax.random.normal(ks[6], (C_IN, C_MID), dtype=jnp.float32) * s,
        'b1': jnp.zeros((C_MID,), dtype=jnp.float32),
        # mpl2: C_OUT//2 -> C_OUT
        'W2m': jax.random.normal(ks[7], (C_MID, C_OUT), dtype=jnp.float32) * s,
        'W2s': jax.random.normal(ks[8], (C_MID, C_OUT), dtype=jnp.float32) * s,
        'b2': jnp.zeros((C_OUT,), dtype=jnp.float32),
        # mpl_skip: C_IN -> C_OUT
        'Wsm': jax.random.normal(ks[9], (C_IN, C_OUT), dtype=jnp.float32) * s,
        'Wss': jax.random.normal(ks[10], (C_IN, C_OUT), dtype=jnp.float32) * s,
        'bs': jnp.zeros((C_OUT,), dtype=jnp.float32),
        # BatchNorm over nodes
        'gamma': jnp.ones((C_OUT,), dtype=jnp.float32),
        'beta': jnp.zeros((C_OUT,), dtype=jnp.float32),
    }
    return inp


def reference(x, edge_index_coarse, edge_index_fine, pos_fine, mask,
              W1m, W1s, b1, W2m, W2s, b2, Wsm, Wss, bs, gamma, beta):
    pos_coarse = pos_fine[mask]
    # skip branch: unpool (knn-interpolate) to fine graph, then mpl_skip
    x_up0 = knn_interpolate(x, pos_coarse, pos_fine)
    x_skip = mpl(x_up0, edge_index_fine, Wsm, Wss, bs, N_FINE)
    # main branch: mpl1 on coarse graph, unpool, mpl2 on fine graph
    x1 = mpl(x, edge_index_coarse, W1m, W1s, b1, N_COARSE)
    x1_up = knn_interpolate(x1, pos_coarse, pos_fine)
    x2 = mpl(x1_up, edge_index_fine, W2m, W2s, b2, N_FINE)
    # residual add + batch norm over nodes + LeakyReLU
    out = leaky_relu(batch_norm(x2 + x_skip, gamma, beta))
    return out

if __name__ == "__main__":
    import jax
    _d = setup_inputs()
    print(jax.jit(kernel)(*tuple(_d.values())))

</pallas_src>

<mosaic_0001>
#map = affine_map<(d0, d1) -> (0, 0)>
#map1 = affine_map<(d0, d1) -> (0, 0, 0)>
module attributes {stable_mosaic.version = 14 : i64} {
  func.func @segsum(%arg0: i32, %arg1: i32, %arg2: memref<10000x64xf32, #tpu.memory_space<hbm>>, %arg3: memref<32x80x125xi32, #tpu.memory_space<hbm>>, %arg4: memref<32x80x125xi32, #tpu.memory_space<hbm>>, %arg5: memref<632x64xf32, #tpu.memory_space<hbm>>, %arg6: memref<2x10112x64xf32, #tpu.memory_space<hbm>>, %arg7: memref<80x125xi32, #tpu.memory_space<vmem>>, %arg8: memref<80x125xi32, #tpu.memory_space<vmem>>, %arg9: memref<125x64xf32, #tpu.memory_space<vmem>>, %arg10: memref<125x64xf32, #tpu.memory_space<vmem>>, %arg11: memref<10112x64xf32, #tpu.memory_space<vmem_shared>>, %arg12: memref<!tpu.dma_semaphore, #tpu.memory_space<semaphore_mem>>, %arg13: memref<!tpu.dma_semaphore, #tpu.memory_space<semaphore_mem>>) attributes {dimension_semantics = [#tpu.dimension_semantics<core_parallel>, #tpu.dimension_semantics<subcore_parallel>], iteration_bounds = array<i64: 2, 16>, scalar_prefetch = 0 : i64, scratch_operands = 7 : i64, tpu.core_type = #tpu.core_type<sc_vector_subcore>, window_params = [{transform_indices = #map}, {transform_indices = #map1}, {transform_indices = #map1}, {transform_indices = #map}, {transform_indices = #map1}]} {
    %mul3A = arith.constant 16 : i32
    %mul3A_0 = arith.muli %arg0, %mul3A : i32
    %add3A = arith.addi %mul3A_0, %arg1 : i32
    "tpu.region"() ({
      %run_scoped3A = tpu.sem_alloc : memref<!tpu.dma_semaphore, #tpu.memory_space<semaphore_mem>>
      %dma_start3A_84 = arith.constant 0 : i32
      %dma_start3A_85 = arith.constant 0 : i32
      %dma_start3A_86 = tpu.memref_slice %arg3[%add3A, %dma_start3A_84, %dma_start3A_85] : memref<32x80x125xi32, #tpu.memory_space<hbm>> -> memref<1x80x125xi32, #tpu.memory_space<hbm>>
      %dma_start3A_87 = tpu.memref_squeeze %dma_start3A_86 : memref<1x80x125xi32, #tpu.memory_space<hbm>> -> memref<80x125xi32, #tpu.memory_space<hbm>>
      %dma_start3A_88 = arith.constant 0 : i32
      %dma_start3A_89 = arith.constant 0 : i32
      %dma_start3A_90 = tpu.memref_slice %arg3[%add3A, %dma_start3A_88, %dma_start3A_89] : memref<32x80x125xi32, #tpu.memory_space<hbm>> -> memref<1x80x125xi32, #tpu.memory_space<hbm>>
      %dma_start3A_91 = tpu.memref_squeeze %dma_start3A_90 : memref<1x80x125xi32, #tpu.memory_space<hbm>> -> memref<80x125xi32, #tpu.memory_space<hbm>>
      tpu.enqueue_dma source(%dma_start3A_91 : memref<80x125xi32, #tpu.memory_space<hbm>>) target(%arg7 : memref<80x125xi32, #tpu.memory_space<vmem>>) target_semaphore(%run_scoped3A : memref<!tpu.dma_semaphore, #tpu.memory_space<semaphore_mem>>)
      %dma_wait3A_92 = arith.constant 0 : i32
      %dma_wait3A_93 = arith.constant 0 : i32
      %dma_wait3A_94 = tpu.memref_slice %arg3[%add3A, %dma_wait3A_92, %dma_wait3A_93] : memref<32x80x125xi32, #tpu.memory_space<hbm>> -> memref<1x80x125xi32, #tpu.memory_space<hbm>>
      %dma_wait3A_95 = tpu.memref_squeeze %dma_wait3A_94 : memref<1x80x125xi32, #tpu.memory_space<hbm>> -> memref<80x125xi32, #tpu.memory_space<hbm>>
      %dma_wait3A_96 = arith.constant 0 : i32
      %dma_wait3A_97 = arith.constant 0 : i32
      %dma_wait3A_98 = tpu.memref_slice %arg3[%add3A, %dma_wait3A_96, %dma_wait3A_97] : memref<32x80x125xi32, #tpu.memory_space<hbm>> -> memref<1x80x125xi32, #tpu.memory_space<hbm>>
      %dma_wait3A_99 = tpu.memref_squeeze %dma_wait3A_98 : memref<1x80x125xi32, #tpu.memory_space<hbm>> -> memref<80x125xi32, #tpu.memory_space<hbm>>
      tpu.wait_dma2 semaphore(%run_scoped3A : memref<!tpu.dma_semaphore, #tpu.memory_space<semaphore_mem>>) src(%dma_wait3A_99 : memref<80x125xi32, #tpu.memory_space<hbm>>) dst(%arg7 : memref<80x125xi32, #tpu.memory_space<vmem>>)
      tpu.yield
    }) : () -> ()
    "tpu.region"() ({
      %run_scoped3A = tpu.sem_alloc : memref<!tpu.dma_semaphore, #tpu.memory_space<semaphore_mem>>
      %dma_start3A_84 = arith.constant 0 : i32
      %dma_start3A_85 = arith.constant 0 : i32
      %dma_start3A_86 = tpu.memref_slice %arg4[%add3A, %dma_start3A_84, %dma_start3A_85] : memref<32x80x125xi32, #tpu.memory_space<hbm>> -> memref<1x80x125xi32, #tpu.memory_space<hbm>>
      %dma_start3A_87 = tpu.memref_squeeze %dma_start3A_86 : memref<1x80x125xi32, #tpu.memory_space<hbm>> -> memref<80x125xi32, #tpu.memory_space<hbm>>
      %dma_start3A_88 = arith.constant 0 : i32
      %dma_start3A_89 = arith.constant 0 : i32
      %dma_start3A_90 = tpu.memref_slice %arg4[%add3A, %dma_start3A_88, %dma_start3A_89] : memref<32x80x125xi32, #tpu.memory_space<hbm>> -> memref<1x80x125xi32, #tpu.memory_space<hbm>>
      %dma_start3A_91 = tpu.memref_squeeze %dma_start3A_90 : memref<1x80x125xi32, #tpu.memory_space<hbm>> -> memref<80x125xi32, #tpu.memory_space<hbm>>
      tpu.enqueue_dma source(%dma_start3A_91 : memref<80x125xi32, #tpu.memory_space<hbm>>) target(%arg8 : memref<80x125xi32, #tpu.memory_space<vmem>>) target_semaphore(%run_scoped3A : memref<!tpu.dma_semaphore, #tpu.memory_space<semaphore_mem>>)
      %dma_wait3A_92 = arith.constant 0 : i32
      %dma_wait3A_93 = arith.constant 0 : i32
      %dma_wait3A_94 = tpu.memref_slice %arg4[%add3A, %dma_wait3A_92, %dma_wait3A_93] : memref<32x80x125xi32, #tpu.memory_space<hbm>> -> memref<1x80x125xi32, #tpu.memory_space<hbm>>
      %dma_wait3A_95 = tpu.memref_squeeze %dma_wait3A_94 : memref<1x80x125xi32, #tpu.memory_space<hbm>> -> memref<80x125xi32, #tpu.memory_space<hbm>>
      %dma_wait3A_96 = arith.constant 0 : i32
      %dma_wait3A_97 = arith.constant 0 : i32
      %dma_wait3A_98 = tpu.memref_slice %arg4[%add3A, %dma_wait3A_96, %dma_wait3A_97] : memref<32x80x125xi32, #tpu.memory_space<hbm>> -> memref<1x80x125xi32, #tpu.memory_space<hbm>>
      %dma_wait3A_99 = tpu.memref_squeeze %dma_wait3A_98 : memref<1x80x125xi32, #tpu.memory_space<hbm>> -> memref<80x125xi32, #tpu.memory_space<hbm>>
      tpu.wait_dma2 semaphore(%run_scoped3A : memref<!tpu.dma_semaphore, #tpu.memory_space<semaphore_mem>>) src(%dma_wait3A_99 : memref<80x125xi32, #tpu.memory_space<hbm>>) dst(%arg8 : memref<80x125xi32, #tpu.memory_space<vmem>>)
      tpu.yield
    }) : () -> ()
    %mul3A_1 = arith.constant 632 : i32
    %mul3A_2 = arith.muli %arg1, %mul3A_1 : i32
    "tpu.region"() ({
      %run_scoped3A = tpu.sem_alloc : memref<!tpu.dma_semaphore, #tpu.memory_space<semaphore_mem>>
      %dma_start3A_84 = arith.constant 0 : i32
      %dma_start3A_85 = tpu.memref_slice %arg11[%mul3A_2, %dma_start3A_84] : memref<10112x64xf32, #tpu.memory_space<vmem_shared>> -> memref<632x64xf32, #tpu.memory_space<vmem_shared>>
      tpu.enqueue_dma source(%arg5 : memref<632x64xf32, #tpu.memory_space<hbm>>) target(%dma_start3A_85 : memref<632x64xf32, #tpu.memory_space<vmem_shared>>) target_semaphore(%run_scoped3A : memref<!tpu.dma_semaphore, #tpu.memory_space<semaphore_mem>>)
      %dma_wait3A_86 = arith.constant 0 : i32
      %dma_wait3A_87 = tpu.memref_slice %arg11[%mul3A_2, %dma_wait3A_86] : memref<10112x64xf32, #tpu.memory_space<vmem_shared>> -> memref<632x64xf32, #tpu.memory_space<vmem_shared>>
      tpu.wait_dma2 semaphore(%run_scoped3A : memref<!tpu.dma_semaphore, #tpu.memory_space<semaphore_mem>>) src(%arg5 : memref<632x64xf32, #tpu.memory_space<hbm>>) dst(%dma_wait3A_87 : memref<632x64xf32, #tpu.memory_space<vmem_shared>>)
      tpu.yield
    }) : () -> ()
    %barrier3A = arith.constant 0 : index
    tpu.barrier barrier_id(%barrier3A)
    %dma_start3A = arith.constant 0 : i32
    %dma_start3A_3 = arith.constant 0 : i32
    %dma_start3A_4 = tpu.memref_slice %arg7[%dma_start3A, %dma_start3A_3] : memref<80x125xi32, #tpu.memory_space<vmem>> -> memref<1x125xi32, #tpu.memory_space<vmem>>
    %dma_start3A_5 = tpu.memref_squeeze %dma_start3A_4 : memref<1x125xi32, #tpu.memory_space<vmem>> -> memref<125xi32, #tpu.memory_space<vmem>>
    %dma_start3A_6 = arith.constant 0 : i32
    %dma_start3A_7 = arith.constant 0 : i32
    %dma_start3A_8 = tpu.memref_slice %arg2[%dma_start3A_6, %dma_start3A_7] : memref<10000x64xf32, #tpu.memory_space<hbm>> -> memref<10000x64xf32, #tpu.memory_space<hbm>>
    tpu.enqueue_indirect_dma source(%dma_start3A_8 : memref<10000x64xf32, #tpu.memory_space<hbm>>) target(%arg9 : memref<125x64xf32, #tpu.memory_space<vmem>>) offsets(%dma_start3A_5 : memref<125xi32, #tpu.memory_space<vmem>>) semaphore(%arg12 : memref<!tpu.dma_semaphore, #tpu.memory_space<semaphore_mem>>)
    %dma_wait3A = arith.constant 0 : i32
    %dma_wait3A_9 = arith.constant 0 : i32
    %dma_wait3A_10 = tpu.memref_slice %arg7[%dma_wait3A, %dma_wait3A_9] : memref<80x125xi32, #tpu.memory_space<vmem>> -> memref<1x125xi32, #tpu.memory_space<vmem>>
    %dma_wait3A_11 = tpu.memref_squeeze %dma_wait3A_10 : memref<1x125xi32, #tpu.memory_space<vmem>> -> memref<125xi32, #tpu.memory_space<vmem>>
    %dma_wait3A_12 = arith.constant 0 : i32
    %dma_wait3A_13 = arith.constant 0 : i32
    %dma_wait3A_14 = tpu.memref_slice %arg2[%dma_wait3A_12, %dma_wait3A_13] : memref<10000x64xf32, #tpu.memory_space<hbm>> -> memref<10000x64xf32, #tpu.memory_space<hbm>>
    tpu.wait_indirect_dma semaphore(%arg12 : memref<!tpu.dma_semaphore, #tpu.memory_space<semaphore_mem>>) src(%dma_wait3A_14 : memref<10000x64xf32, #tpu.memory_space<hbm>>) dst(%arg9 : memref<125x64xf32, #tpu.memory_space<vmem>>)
    %dma_start3A_15 = arith.constant 0 : i32
    %dma_start3A_16 = arith.constant 0 : i32
    %dma_start3A_17 = tpu.memref_slice %arg8[%dma_start3A_15, %dma_start3A_16] : memref<80x125xi32, #tpu.memory_space<vmem>> -> memref<1x125xi32, #tpu.memory_space<vmem>>
    %dma_start3A_18 = tpu.memref_squeeze %dma_start3A_17 : memref<1x125xi32, #tpu.memory_space<vmem>> -> memref<125xi32, #tpu.memory_space<vmem>>
    %dma_start3A_19 = arith.constant 0 : i32
    %dma_start3A_20 = arith.constant 0 : i32
    %dma_start3A_21 = tpu.memref_slice %arg11[%dma_start3A_19, %dma_start3A_20] : memref<10112x64xf32, #tpu.memory_space<vmem_shared>> -> memref<10112x64xf32, #tpu.memory_space<vmem_shared>>
    tpu.enqueue_indirect_dma source(%arg9 : memref<125x64xf32, #tpu.memory_space<vmem>>) target(%dma_start3A_21 : memref<10112x64xf32, #tpu.memory_space<vmem_shared>>) offsets(%dma_start3A_18 : memref<125xi32, #tpu.memory_space<vmem>>) semaphore(%arg13 : memref<!tpu.dma_semaphore, #tpu.memory_space<semaphore_mem>>) {add = true}
    %min3A = arith.constant 1 : i32
    %min3A_22 = arith.constant 79 : i32
    %min3A_23 = arith.minsi %min3A, %min3A_22 : i32
    %dma_start3A_24 = arith.constant 0 : i32
    %dma_start3A_25 = tpu.memref_slice %arg7[%min3A_23, %dma_start3A_24] : memref<80x125xi32, #tpu.memory_space<vmem>> -> memref<1x125xi32, #tpu.memory_space<vmem>>
    %dma_start3A_26 = tpu.memref_squeeze %dma_start3A_25 : memref<1x125xi32, #tpu.memory_space<vmem>> -> memref<125xi32, #tpu.memory_space<vmem>>
    %dma_start3A_27 = arith.constant 0 : i32
    %dma_start3A_28 = arith.constant 0 : i32
    %dma_start3A_29 = tpu.memref_slice %arg2[%dma_start3A_27, %dma_start3A_28] : memref<10000x64xf32, #tpu.memory_space<hbm>> -> memref<10000x64xf32, #tpu.memory_space<hbm>>
    tpu.enqueue_indirect_dma source(%dma_start3A_29 : memref<10000x64xf32, #tpu.memory_space<hbm>>) target(%arg10 : memref<125x64xf32, #tpu.memory_space<vmem>>) offsets(%dma_start3A_26 : memref<125xi32, #tpu.memory_space<vmem>>) semaphore(%arg12 : memref<!tpu.dma_semaphore, #tpu.memory_space<semaphore_mem>>)
    %dma_wait3A_30 = arith.constant 0 : i32
    %dma_wait3A_31 = arith.constant 0 : i32
    %dma_wait3A_32 = tpu.memref_slice %arg7[%dma_wait3A_30, %dma_wait3A_31] : memref<80x125xi32, #tpu.memory_space<vmem>> -> memref<1x125xi32, #tpu.memory_space<vmem>>
    %dma_wait3A_33 = tpu.memref_squeeze %dma_wait3A_32 : memref<1x125xi32, #tpu.memory_space<vmem>> -> memref<125xi32, #tpu.memory_space<vmem>>
    %dma_wait3A_34 = arith.constant 0 : i32
    %dma_wait3A_35 = arith.constant 0 : i32
    %dma_wait3A_36 = tpu.memref_slice %arg2[%dma_wait3A_34, %dma_wait3A_35] : memref<10000x64xf32, #tpu.memory_space<hbm>> -> memref<10000x64xf32, #tpu.memory_space<hbm>>
    tpu.wait_indirect_dma semaphore(%arg12 : memref<!tpu.dma_semaphore, #tpu.memory_space<semaphore_mem>>) src(%dma_wait3A_36 : memref<10000x64xf32, #tpu.memory_space<hbm>>) dst(%arg10 : memref<125x64xf32, #tpu.memory_space<vmem>>)
    %dma_start3A_37 = arith.constant 1 : i32
    %dma_start3A_38 = arith.constant 0 : i32
    %dma_start3A_39 = tpu.memref_slice %arg8[%dma_start3A_37, %dma_start3A_38] : memref<80x125xi32, #tpu.memory_space<vmem>> -> memref<1x125xi32, #tpu.memory_space<vmem>>
    %dma_start3A_40 = tpu.memref_squeeze %dma_start3A_39 : memref<1x125xi32, #tpu.memory_space<vmem>> -> memref<125xi32, #tpu.memory_space<vmem>>
    %dma_start3A_41 = arith.constant 0 : i32
    %dma_start3A_42 = arith.constant 0 : i32
    %dma_start3A_43 = tpu.memref_slice %arg11[%dma_start3A_41, %dma_start3A_42] : memref<10112x64xf32, #tpu.memory_space<vmem_shared>> -> memref<10112x64xf32, #tpu.memory_space<vmem_shared>>
    tpu.enqueue_indirect_dma source(%arg10 : memref<125x64xf32, #tpu.memory_space<vmem>>) target(%dma_start3A_43 : memref<10112x64xf32, #tpu.memory_space<vmem_shared>>) offsets(%dma_start3A_40 : memref<125xi32, #tpu.memory_space<vmem>>) semaphore(%arg13 : memref<!tpu.dma_semaphore, #tpu.memory_space<semaphore_mem>>) {add = true}
    %dma_wait3A_44 = arith.constant 0 : i32
    %dma_wait3A_45 = arith.constant 0 : i32
    %dma_wait3A_46 = tpu.memref_slice %arg8[%dma_wait3A_44, %dma_wait3A_45] : memref<80x125xi32, #tpu.memory_space<vmem>> -> memref<1x125xi32, #tpu.memory_space<vmem>>
    %dma_wait3A_47 = tpu.memref_squeeze %dma_wait3A_46 : memref<1x125xi32, #tpu.memory_space<vmem>> -> memref<125xi32, #tpu.memory_space<vmem>>
    %dma_wait3A_48 = arith.constant 0 : i32
    %dma_wait3A_49 = arith.constant 0 : i32
    %dma_wait3A_50 = tpu.memref_slice %arg11[%dma_wait3A_48, %dma_wait3A_49] : memref<10112x64xf32, #tpu.memory_space<vmem_shared>> -> memref<10112x64xf32, #tpu.memory_space<vmem_shared>>
    tpu.wait_indirect_dma semaphore(%arg13 : memref<!tpu.dma_semaphore, #tpu.memory_space<semaphore_mem>>) src(%arg10 : memref<125x64xf32, #tpu.memory_space<vmem>>) dst(%dma_wait3A_50 : memref<10112x64xf32, #tpu.memory_space<vmem_shared>>)
    %min3A_51 = arith.constant 2 : i32
    %min3A_52 = arith.constant 79 : i32
    %min3A_53 = arith.minsi %min3A_51, %min3A_52 : i32
    %dma_start3A_54 = arith.constant 0 : i32
    %dma_start3A_55 = tpu.memref_slice %arg7[%min3A_53, %dma_start3A_54] : memref<80x125xi32, #tpu.memory_space<vmem>> -> memref<1x125xi32, #tpu.memory_space<vmem>>
    %dma_start3A_56 = tpu.memref_squeeze %dma_start3A_55 : memref<1x125xi32, #tpu.memory_space<vmem>> -> memref<125xi32, #tpu.memory_space<vmem>>
    %dma_start3A_57 = arith.constant 0 : i32
    %dma_start3A_58 = arith.constant 0 : i32
    %dma_start3A_59 = tpu.memref_slice %arg2[%dma_start3A_57, %dma_start3A_58] : memref<10000x64xf32, #tpu.memory_space<hbm>> -> memref<10000x64xf32, #tpu.memory_space<hbm>>
    tpu.enqueue_indirect_dma source(%dma_start3A_59 : memref<10000x64xf32, #tpu.memory_space<hbm>>) target(%arg9 : memref<125x64xf32, #tpu.memory_space<vmem>>) offsets(%dma_start3A_56 : memref<125xi32, #tpu.memory_space<vmem>>) semaphore(%arg12 : memref<!tpu.dma_semaphore, #tpu.memory_space<semaphore_mem>>)
    %scan3A = arith.constant 0 : i32
    %scan3A_60 = arith.constant 1 : i32
    %scan3A_61 = arith.constant 39 : i32
    %scan3A_62 = arith.addi %scan3A_60, %scan3A_61 : i32
    %scan3A_63 = arith.constant 1 : i32
    scf.for %scan3A_84 = %scan3A_60 to %scan3A_62 step %scan3A_63  : i32 {
      %mul3A_85 = arith.constant 2 : i32
      %mul3A_86 = arith.muli %scan3A_84, %mul3A_85 : i32
      %add3A_87 = arith.constant 0 : i32
      %add3A_88 = arith.addi %mul3A_86, %add3A_87 : i32
      %dma_wait3A_89 = arith.constant 0 : i32
      %dma_wait3A_90 = arith.constant 0 : i32
      %dma_wait3A_91 = tpu.memref_slice %arg7[%dma_wait3A_89, %dma_wait3A_90] : memref<80x125xi32, #tpu.memory_space<vmem>> -> memref<1x125xi32, #tpu.memory_space<vmem>>
      %dma_wait3A_92 = tpu.memref_squeeze %dma_wait3A_91 : memref<1x125xi32, #tpu.memory_space<vmem>> -> memref<125xi32, #tpu.memory_space<vmem>>
      %dma_wait3A_93 = arith.constant 0 : i32
      %dma_wait3A_94 = arith.constant 0 : i32
      %dma_wait3A_95 = tpu.memref_slice %arg2[%dma_wait3A_93, %dma_wait3A_94] : memref<10000x64xf32, #tpu.memory_space<hbm>> -> memref<10000x64xf32, #tpu.memory_space<hbm>>
      tpu.wait_indirect_dma semaphore(%arg12 : memref<!tpu.dma_semaphore, #tpu.memory_space<semaphore_mem>>) src(%dma_wait3A_95 : memref<10000x64xf32, #tpu.memory_space<hbm>>) dst(%arg9 : memref<125x64xf32, #tpu.memory_space<vmem>>)
      %dma_start3A_96 = arith.constant 0 : i32
      %dma_start3A_97 = tpu.memref_slice %arg8[%add3A_88, %dma_start3A_96] : memref<80x125xi32, #tpu.memory_space<vmem>> -> memref<1x125xi32, #tpu.memory_space<vmem>>
      %dma_start3A_98 = tpu.memref_squeeze %dma_start3A_97 : memref<1x125xi32, #tpu.memory_space<vmem>> -> memref<125xi32, #tpu.memory_space<vmem>>
      %dma_start3A_99 = arith.constant 0 : i32
      %dma_start3A_100 = arith.constant 0 : i32
      %dma_start3A_101 = tpu.memref_slice %arg11[%dma_start3A_99, %dma_start3A_100] : memref<10112x64xf32, #tpu.memory_space<vmem_shared>> -> memref<10112x64xf32, #tpu.memory_space<vmem_shared>>
      tpu.enqueue_indirect_dma source(%arg9 : memref<125x64xf32, #tpu.memory_space<vmem>>) target(%dma_start3A_101 : memref<10112x64xf32, #tpu.memory_space<vmem_shared>>) offsets(%dma_start3A_98 : memref<125xi32, #tpu.memory_space<vmem>>) semaphore(%arg13 : memref<!tpu.dma_semaphore, #tpu.memory_space<semaphore_mem>>) {add = true}
      %dma_wait3A_102 = arith.constant 0 : i32
      %dma_wait3A_103 = arith.constant 0 : i32
      %dma_wait3A_104 = tpu.memref_slice %arg8[%dma_wait3A_102, %dma_wait3A_103] : memref<80x125xi32, #tpu.memory_space<vmem>> -> memref<1x125xi32, #tpu.memory_space<vmem>>
      %dma_wait3A_105 = tpu.memref_squeeze %dma_wait3A_104 : memref<1x125xi32, #tpu.memory_space<vmem>> -> memref<125xi32, #tpu.memory_space<vmem>>
      %dma_wait3A_106 = arith.constant 0 : i32
      %dma_wait3A_107 = arith.constant 0 : i32
      %dma_wait3A_108 = tpu.memref_slice %arg11[%dma_wait3A_106, %dma_wait3A_107] : memref<10112x64xf32, #tpu.memory_space<vmem_shared>> -> memref<10112x64xf32, #tpu.memory_space<vmem_shared>>
      tpu.wait_indirect_dma semaphore(%arg13 : memref<!tpu.dma_semaphore, #tpu.memory_space<semaphore_mem>>) src(%arg9 : memref<125x64xf32, #tpu.memory_space<vmem>>) dst(%dma_wait3A_108 : memref<10112x64xf32, #tpu.memory_space<vmem_shared>>)
      %add3A_109 = arith.constant 2 : i32
      %add3A_110 = arith.addi %add3A_88, %add3A_109 : i32
      %sub3A = arith.constant 1 : i32
      %sub3A_111 = arith.subi %add3A_110, %sub3A : i32
      %min3A_112 = arith.constant 79 : i32
      %min3A_113 = arith.minsi %sub3A_111, %min3A_112 : i32
      %dma_start3A_114 = arith.constant 0 : i32
      %dma_start3A_115 = tpu.memref_slice %arg7[%min3A_113, %dma_start3A_114] : memref<80x125xi32, #tpu.memory_space<vmem>> -> memref<1x125xi32, #tpu.memory_space<vmem>>
      %dma_start3A_116 = tpu.memref_squeeze %dma_start3A_115 : memref<1x125xi32, #tpu.memory_space<vmem>> -> memref<125xi32, #tpu.memory_space<vmem>>
      %dma_start3A_117 = arith.constant 0 : i32
      %dma_start3A_118 = arith.constant 0 : i32
      %dma_start3A_119 = tpu.memref_slice %arg2[%dma_start3A_117, %dma_start3A_118] : memref<10000x64xf32, #tpu.memory_space<hbm>> -> memref<10000x64xf32, #tpu.memory_space<hbm>>
      tpu.enqueue_indirect_dma source(%dma_start3A_119 : memref<10000x64xf32, #tpu.memory_space<hbm>>) target(%arg10 : memref<125x64xf32, #tpu.memory_space<vmem>>) offsets(%dma_start3A_116 : memref<125xi32, #tpu.memory_space<vmem>>) semaphore(%arg12 : memref<!tpu.dma_semaphore, #tpu.memory_space<semaphore_mem>>)
      %add3A_120 = arith.constant 1 : i32
      %add3A_121 = arith.addi %mul3A_86, %add3A_120 : i32
      %dma_wait3A_122 = arith.constant 0 : i32
      %dma_wait3A_123 = arith.constant 0 : i32
      %dma_wait3A_124 = tpu.memref_slice %arg7[%dma_wait3A_122, %dma_wait3A_123] : memref<80x125xi32, #tpu.memory_space<vmem>> -> memref<1x125xi32, #tpu.memory_space<vmem>>
      %dma_wait3A_125 = tpu.memref_squeeze %dma_wait3A_124 : memref<1x125xi32, #tpu.memory_space<vmem>> -> memref<125xi32, #tpu.memory_space<vmem>>
      %dma_wait3A_126 = arith.constant 0 : i32
      %dma_wait3A_127 = arith.constant 0 : i32
      %dma_wait3A_128 = tpu.memref_slice %arg2[%dma_wait3A_126, %dma_wait3A_127] : memref<10000x64xf32, #tpu.memory_space<hbm>> -> memref<10000x64xf32, #tpu.memory_space<hbm>>
      tpu.wait_indirect_dma semaphore(%arg12 : memref<!tpu.dma_semaphore, #tpu.memory_space<semaphore_mem>>) src(%dma_wait3A_128 : memref<10000x64xf32, #tpu.memory_space<hbm>>) dst(%arg10 : memref<125x64xf32, #tpu.memory_space<vmem>>)
      %dma_start3A_129 = arith.constant 0 : i32
      %dma_start3A_130 = tpu.memref_slice %arg8[%add3A_121, %dma_start3A_129] : memref<80x125xi32, #tpu.memory_space<vmem>> -> memref<1x125xi32, #tpu.memory_space<vmem>>
      %dma_start3A_131 = tpu.memref_squeeze %dma_start3A_130 : memref<1x125xi32, #tpu.memory_space<vmem>> -> memref<125xi32, #tpu.memory_space<vmem>>
      %dma_start3A_132 = arith.constant 0 : i32
      %dma_start3A_133 = arith.constant 0 : i32
      %dma_start3A_134 = tpu.memref_slice %arg11[%dma_start3A_132, %dma_start3A_133] : memref<10112x64xf32, #tpu.memory_space<vmem_shared>> -> memref<10112x64xf32, #tpu.memory_space<vmem_shared>>
      tpu.enqueue_indirect_dma source(%arg10 : memref<125x64xf32, #tpu.memory_space<vmem>>) target(%dma_start3A_134 : memref<10112x64xf32, #tpu.memory_space<vmem_shared>>) offsets(%dma_start3A_131 : memref<125xi32, #tpu.memory_space<vmem>>) semaphore(%arg13 : memref<!tpu.dma_semaphore, #tpu.memory_space<semaphore_mem>>) {add = true}
      %dma_wait3A_135 = arith.constant 0 : i32
      %dma_wait3A_136 = arith.constant 0 : i32
      %dma_wait3A_137 = tpu.memref_slice %arg8[%dma_wait3A_135, %dma_wait3A_136] : memref<80x125xi32, #tpu.memory_space<vmem>> -> memref<1x125xi32, #tpu.memory_space<vmem>>
      %dma_wait3A_138 = tpu.memref_squeeze %dma_wait3A_137 : memref<1x125xi32, #tpu.memory_space<vmem>> -> memref<125xi32, #tpu.memory_space<vmem>>
      %dma_wait3A_139 = arith.constant 0 : i32
      %dma_wait3A_140 = arith.constant 0 : i32
      %dma_wait3A_141 = tpu.memref_slice %arg11[%dma_wait3A_139, %dma_wait3A_140] : memref<10112x64xf32, #tpu.memory_space<vmem_shared>> -> memref<10112x64xf32, #tpu.memory_space<vmem_shared>>
      tpu.wait_indirect_dma semaphore(%arg13 : memref<!tpu.dma_semaphore, #tpu.memory_space<semaphore_mem>>) src(%arg10 : memref<125x64xf32, #tpu.memory_space<vmem>>) dst(%dma_wait3A_141 : memref<10112x64xf32, #tpu.memory_space<vmem_shared>>)
      %add3A_142 = arith.constant 2 : i32
      %add3A_143 = arith.addi %add3A_121, %add3A_142 : i32
      %sub3A_144 = arith.constant 1 : i32
      %sub3A_145 = arith.subi %add3A_143, %sub3A_144 : i32
      %min3A_146 = arith.constant 79 : i32
      %min3A_147 = arith.minsi %sub3A_145, %min3A_146 : i32
      %dma_start3A_148 = arith.constant 0 : i32
      %dma_start3A_149 = tpu.memref_slice %arg7[%min3A_147, %dma_start3A_148] : memref<80x125xi32, #tpu.memory_space<vmem>> -> memref<1x125xi32, #tpu.memory_space<vmem>>
      %dma_start3A_150 = tpu.memref_squeeze %dma_start3A_149 : memref<1x125xi32, #tpu.memory_space<vmem>> -> memref<125xi32, #tpu.memory_space<vmem>>
      %dma_start3A_151 = arith.constant 0 : i32
      %dma_start3A_152 = arith.constant 0 : i32
      %dma_start3A_153 = tpu.memref_slice %arg2[%dma_start3A_151, %dma_start3A_152] : memref<10000x64xf32, #tpu.memory_space<hbm>> -> memref<10000x64xf32, #tpu.memory_space<hbm>>
      tpu.enqueue_indirect_dma source(%dma_start3A_153 : memref<10000x64xf32, #tpu.memory_space<hbm>>) target(%arg9 : memref<125x64xf32, #tpu.memory_space<vmem>>) offsets(%dma_start3A_150 : memref<125xi32, #tpu.memory_space<vmem>>) semaphore(%arg12 : memref<!tpu.dma_semaphore, #tpu.memory_space<semaphore_mem>>)
    }
    %scan3A_64 = arith.constant 39 : i32
    %dma_wait3A_65 = arith.constant 0 : i32
    %dma_wait3A_66 = arith.constant 0 : i32
    %dma_wait3A_67 = tpu.memref_slice %arg7[%dma_wait3A_65, %dma_wait3A_66] : memref<80x125xi32, #tpu.memory_space<vmem>> -> memref<1x125xi32, #tpu.memory_space<vmem>>
    %dma_wait3A_68 = tpu.memref_squeeze %dma_wait3A_67 : memref<1x125xi32, #tpu.memory_space<vmem>> -> memref<125xi32, #tpu.memory_space<vmem>>
    %dma_wait3A_69 = arith.constant 0 : i32
    %dma_wait3A_70 = arith.constant 0 : i32
    %dma_wait3A_71 = tpu.memref_slice %arg2[%dma_wait3A_69, %dma_wait3A_70] : memref<10000x64xf32, #tpu.memory_space<hbm>> -> memref<10000x64xf32, #tpu.memory_space<hbm>>
    tpu.wait_indirect_dma semaphore(%arg12 : memref<!tpu.dma_semaphore, #tpu.memory_space<semaphore_mem>>) src(%dma_wait3A_71 : memref<10000x64xf32, #tpu.memory_space<hbm>>) dst(%arg9 : memref<125x64xf32, #tpu.memory_space<vmem>>)
    %dma_wait3A_72 = arith.constant 0 : i32
    %dma_wait3A_73 = arith.constant 0 : i32
    %dma_wait3A_74 = tpu.memref_slice %arg8[%dma_wait3A_72, %dma_wait3A_73] : memref<80x125xi32, #tpu.memory_space<vmem>> -> memref<1x125xi32, #tpu.memory_space<vmem>>
    %dma_wait3A_75 = tpu.memref_squeeze %dma_wait3A_74 : memref<1x125xi32, #tpu.memory_space<vmem>> -> memref<125xi32, #tpu.memory_space<vmem>>
    %dma_wait3A_76 = arith.constant 0 : i32
    %dma_wait3A_77 = arith.constant 0 : i32
    %dma_wait3A_78 = tpu.memref_slice %arg11[%dma_wait3A_76, %dma_wait3A_77] : memref<10112x64xf32, #tpu.memory_space<vmem_shared>> -> memref<10112x64xf32, #tpu.memory_space<vmem_shared>>
    tpu.wait_indirect_dma semaphore(%arg13 : memref<!tpu.dma_semaphore, #tpu.memory_space<semaphore_mem>>) src(%arg9 : memref<125x64xf32, #tpu.memory_space<vmem>>) dst(%dma_wait3A_78 : memref<10112x64xf32, #tpu.memory_space<vmem_shared>>)
    %barrier3A_79 = arith.constant 0 : index
    tpu.barrier barrier_id(%barrier3A_79)
    %mul3A_80 = arith.constant 632 : i32
    %mul3A_81 = arith.muli %arg1, %mul3A_80 : i32
    %mul3A_82 = arith.constant 632 : i32
    %mul3A_83 = arith.muli %arg1, %mul3A_82 : i32
    "tpu.region"() ({
      %run_scoped3A = tpu.sem_alloc : memref<!tpu.dma_semaphore, #tpu.memory_space<semaphore_mem>>
      %dma_start3A_84 = arith.constant 0 : i32
      %dma_start3A_85 = tpu.memref_slice %arg6[%arg0, %mul3A_83, %dma_start3A_84] : memref<2x10112x64xf32, #tpu.memory_space<hbm>> -> memref<1x632x64xf32, #tpu.memory_space<hbm>>
      %dma_start3A_86 = tpu.memref_squeeze %dma_start3A_85 : memref<1x632x64xf32, #tpu.memory_space<hbm>> -> memref<632x64xf32, #tpu.memory_space<hbm>>
      %dma_start3A_87 = arith.constant 0 : i32
      %dma_start3A_88 = tpu.memref_slice %arg11[%mul3A_81, %dma_start3A_87] : memref<10112x64xf32, #tpu.memory_space<vmem_shared>> -> memref<632x64xf32, #tpu.memory_space<vmem_shared>>
      tpu.enqueue_dma source(%dma_start3A_88 : memref<632x64xf32, #tpu.memory_space<vmem_shared>>) target(%dma_start3A_86 : memref<632x64xf32, #tpu.memory_space<hbm>>) target_semaphore(%run_scoped3A : memref<!tpu.dma_semaphore, #tpu.memory_space<semaphore_mem>>)
      %dma_wait3A_89 = arith.constant 0 : i32
      %dma_wait3A_90 = tpu.memref_slice %arg6[%arg0, %mul3A_83, %dma_wait3A_89] : memref<2x10112x64xf32, #tpu.memory_space<hbm>> -> memref<1x632x64xf32, #tpu.memory_space<hbm>>
      %dma_wait3A_91 = tpu.memref_squeeze %dma_wait3A_90 : memref<1x632x64xf32, #tpu.memory_space<hbm>> -> memref<632x64xf32, #tpu.memory_space<hbm>>
      %dma_wait3A_92 = arith.constant 0 : i32
      %dma_wait3A_93 = tpu.memref_slice %arg11[%mul3A_81, %dma_wait3A_92] : memref<10112x64xf32, #tpu.memory_space<vmem_shared>> -> memref<632x64xf32, #tpu.memory_space<vmem_shared>>
      tpu.wait_dma2 semaphore(%run_scoped3A : memref<!tpu.dma_semaphore, #tpu.memory_space<semaphore_mem>>) src(%dma_wait3A_93 : memref<632x64xf32, #tpu.memory_space<vmem_shared>>) dst(%dma_wait3A_91 : memref<632x64xf32, #tpu.memory_space<hbm>>)
      tpu.yield
    }) : () -> ()
    return
  }
}

#map = affine_map<(d0, d1) -> (0, 0)>
#map1 = affine_map<(d0, d1) -> (0, 0, 0)>
module attributes {stable_mosaic.version = 14 : i64} {
  func.func @gather(%arg0: i32, %arg1: i32, %arg2: memref<5000x192xf32, #tpu.memory_space<hbm>>, %arg3: memref<32x8x125xi32, #tpu.memory_space<hbm>>, %arg4: memref<32000x192xf32, #tpu.memory_space<hbm>>, %arg5: memref<8x125xi32, #tpu.memory_space<vmem>>, %arg6: memref<125x192xf32, #tpu.memory_space<vmem>>, %arg7: memref<125x192xf32, #tpu.memory_space<vmem>>, %arg8: memref<!tpu.dma_semaphore, #tpu.memory_space<semaphore_mem>>, %arg9: memref<!tpu.dma_semaphore, #tpu.memory_space<semaphore_mem>>) attributes {dimension_semantics = [#tpu.dimension_semantics<core_parallel>, #tpu.dimension_semantics<subcore_parallel>], iteration_bounds = array<i64: 2, 16>, scalar_prefetch = 0 : i64, scratch_operands = 5 : i64, tpu.core_type = #tpu.core_type<sc_vector_subcore>, window_params = [{transform_indices = #map}, {transform_indices = #map1}, {transform_indices = #map}]} {
    %mul3A = arith.constant 16 : i32
    %mul3A_0 = arith.muli %arg0, %mul3A : i32
    %add3A = arith.addi %mul3A_0, %arg1 : i32
    "tpu.region"() ({
      %run_scoped3A = tpu.sem_alloc : memref<!tpu.dma_semaphore, #tpu.memory_space<semaphore_mem>>
      %dma_start3A_77 = arith.constant 0 : i32
      %dma_start3A_78 = arith.constant 0 : i32
      %dma_start3A_79 = tpu.memref_slice %arg3[%add3A, %dma_start3A_77, %dma_start3A_78] : memref<32x8x125xi32, #tpu.memory_space<hbm>> -> memref<1x8x125xi32, #tpu.memory_space<hbm>>
      %dma_start3A_80 = tpu.memref_squeeze %dma_start3A_79 : memref<1x8x125xi32, #tpu.memory_space<hbm>> -> memref<8x125xi32, #tpu.memory_space<hbm>>
      %dma_start3A_81 = arith.constant 0 : i32
      %dma_start3A_82 = arith.constant 0 : i32
      %dma_start3A_83 = tpu.memref_slice %arg3[%add3A, %dma_start3A_81, %dma_start3A_82] : memref<32x8x125xi32, #tpu.memory_space<hbm>> -> memref<1x8x125xi32, #tpu.memory_space<hbm>>
      %dma_start3A_84 = tpu.memref_squeeze %dma_start3A_83 : memref<1x8x125xi32, #tpu.memory_space<hbm>> -> memref<8x125xi32, #tpu.memory_space<hbm>>
      tpu.enqueue_dma source(%dma_start3A_84 : memref<8x125xi32, #tpu.memory_space<hbm>>) target(%arg5 : memref<8x125xi32, #tpu.memory_space<vmem>>) target_semaphore(%run_scoped3A : memref<!tpu.dma_semaphore, #tpu.memory_space<semaphore_mem>>)
      %dma_wait3A_85 = arith.constant 0 : i32
      %dma_wait3A_86 = arith.constant 0 : i32
      %dma_wait3A_87 = tpu.memref_slice %arg3[%add3A, %dma_wait3A_85, %dma_wait3A_86] : memref<32x8x125xi32, #tpu.memory_space<hbm>> -> memref<1x8x125xi32, #tpu.memory_space<hbm>>
      %dma_wait3A_88 = tpu.memref_squeeze %dma_wait3A_87 : memref<1x8x125xi32, #tpu.memory_space<hbm>> -> memref<8x125xi32, #tpu.memory_space<hbm>>
      %dma_wait3A_89 = arith.constant 0 : i32
      %dma_wait3A_90 = arith.constant 0 : i32
      %dma_wait3A_91 = tpu.memref_slice %arg3[%add3A, %dma_wait3A_89, %dma_wait3A_90] : memref<32x8x125xi32, #tpu.memory_space<hbm>> -> memref<1x8x125xi32, #tpu.memory_space<hbm>>
      %dma_wait3A_92 = tpu.memref_squeeze %dma_wait3A_91 : memref<1x8x125xi32, #tpu.memory_space<hbm>> -> memref<8x125xi32, #tpu.memory_space<hbm>>
      tpu.wait_dma2 semaphore(%run_scoped3A : memref<!tpu.dma_semaphore, #tpu.memory_space<semaphore_mem>>) src(%dma_wait3A_92 : memref<8x125xi32, #tpu.memory_space<hbm>>) dst(%arg5 : memref<8x125xi32, #tpu.memory_space<vmem>>)
      tpu.yield
    }) : () -> ()
    %dma_start3A = arith.constant 0 : i32
    %dma_start3A_1 = arith.constant 0 : i32
    %dma_start3A_2 = tpu.memref_slice %arg5[%dma_start3A, %dma_start3A_1] : memref<8x125xi32, #tpu.memory_space<vmem>> -> memref<1x125xi32, #tpu.memory_space<vmem>>
    %dma_start3A_3 = tpu.memref_squeeze %dma_start3A_2 : memref<1x125xi32, #tpu.memory_space<vmem>> -> memref<125xi32, #tpu.memory_space<vmem>>
    %dma_start3A_4 = arith.constant 0 : i32
    %dma_start3A_5 = arith.constant 0 : i32
    %dma_start3A_6 = tpu.memref_slice %arg2[%dma_start3A_4, %dma_start3A_5] : memref<5000x192xf32, #tpu.memory_space<hbm>> -> memref<5000x192xf32, #tpu.memory_space<hbm>>
    tpu.enqueue_indirect_dma source(%dma_start3A_6 : memref<5000x192xf32, #tpu.memory_space<hbm>>) target(%arg6 : memref<125x192xf32, #tpu.memory_space<vmem>>) offsets(%dma_start3A_3 : memref<125xi32, #tpu.memory_space<vmem>>) semaphore(%arg8 : memref<!tpu.dma_semaphore, #tpu.memory_space<semaphore_mem>>)
    %dma_wait3A = arith.constant 0 : i32
    %dma_wait3A_7 = arith.constant 0 : i32
    %dma_wait3A_8 = tpu.memref_slice %arg5[%dma_wait3A, %dma_wait3A_7] : memref<8x125xi32, #tpu.memory_space<vmem>> -> memref<1x125xi32, #tpu.memory_space<vmem>>
    %dma_wait3A_9 = tpu.memref_squeeze %dma_wait3A_8 : memref<1x125xi32, #tpu.memory_space<vmem>> -> memref<125xi32, #tpu.memory_space<vmem>>
    %dma_wait3A_10 = arith.constant 0 : i32
    %dma_wait3A_11 = arith.constant 0 : i32
    %dma_wait3A_12 = tpu.memref_slice %arg2[%dma_wait3A_10, %dma_wait3A_11] : memref<5000x192xf32, #tpu.memory_space<hbm>> -> memref<5000x192xf32, #tpu.memory_space<hbm>>
    tpu.wait_indirect_dma semaphore(%arg8 : memref<!tpu.dma_semaphore, #tpu.memory_space<semaphore_mem>>) src(%dma_wait3A_12 : memref<5000x192xf32, #tpu.memory_space<hbm>>) dst(%arg6 : memref<125x192xf32, #tpu.memory_space<vmem>>)
    %mul3A_13 = arith.constant 1000 : i32
    %mul3A_14 = arith.muli %add3A, %mul3A_13 : i32
    %add3A_15 = arith.constant 0 : i32
    %add3A_16 = arith.addi %mul3A_14, %add3A_15 : i32
    %dma_start3A_17 = arith.constant 0 : i32
    %dma_start3A_18 = tpu.memref_slice %arg4[%add3A_16, %dma_start3A_17] : memref<32000x192xf32, #tpu.memory_space<hbm>> -> memref<125x192xf32, #tpu.memory_space<hbm>>
    %dma_start3A_19 = arith.constant 0 : i32
    %dma_start3A_20 = tpu.memref_slice %arg4[%add3A_16, %dma_start3A_19] : memref<32000x192xf32, #tpu.memory_space<hbm>> -> memref<125x192xf32, #tpu.memory_space<hbm>>
    tpu.enqueue_dma source(%arg6 : memref<125x192xf32, #tpu.memory_space<vmem>>) target(%dma_start3A_20 : memref<125x192xf32, #tpu.memory_space<hbm>>) target_semaphore(%arg9 : memref<!tpu.dma_semaphore, #tpu.memory_space<semaphore_mem>>)
    %min3A = arith.constant 1 : i32
    %min3A_21 = arith.constant 7 : i32
    %min3A_22 = arith.minsi %min3A, %min3A_21 : i32
    %dma_start3A_23 = arith.constant 0 : i32
    %dma_start3A_24 = tpu.memref_slice %arg5[%min3A_22, %dma_start3A_23] : memref<8x125xi32, #tpu.memory_space<vmem>> -> memref<1x125xi32, #tpu.memory_space<vmem>>
    %dma_start3A_25 = tpu.memref_squeeze %dma_start3A_24 : memref<1x125xi32, #tpu.memory_space<vmem>> -> memref<125xi32, #tpu.memory_space<vmem>>
    %dma_start3A_26 = arith.constant 0 : i32
    %dma_start3A_27 = arith.constant 0 : i32
    %dma_start3A_28 = tpu.memref_slice %arg2[%dma_start3A_26, %dma_start3A_27] : memref<5000x192xf32, #tpu.memory_space<hbm>> -> memref<5000x192xf32, #tpu.memory_space<hbm>>
    tpu.enqueue_indirect_dma source(%dma_start3A_28 : memref<5000x192xf32, #tpu.memory_space<hbm>>) target(%arg7 : memref<125x192xf32, #tpu.memory_space<vmem>>) offsets(%dma_start3A_25 : memref<125xi32, #tpu.memory_space<vmem>>) semaphore(%arg8 : memref<!tpu.dma_semaphore, #tpu.memory_space<semaphore_mem>>)
    %dma_wait3A_29 = arith.constant 0 : i32
    %dma_wait3A_30 = arith.constant 0 : i32
    %dma_wait3A_31 = tpu.memref_slice %arg5[%dma_wait3A_29, %dma_wait3A_30] : memref<8x125xi32, #tpu.memory_space<vmem>> -> memref<1x125xi32, #tpu.memory_space<vmem>>
    %dma_wait3A_32 = tpu.memref_squeeze %dma_wait3A_31 : memref<1x125xi32, #tpu.memory_space<vmem>> -> memref<125xi32, #tpu.memory_space<vmem>>
    %dma_wait3A_33 = arith.constant 0 : i32
    %dma_wait3A_34 = arith.constant 0 : i32
    %dma_wait3A_35 = tpu.memref_slice %arg2[%dma_wait3A_33, %dma_wait3A_34] : memref<5000x192xf32, #tpu.memory_space<hbm>> -> memref<5000x192xf32, #tpu.memory_space<hbm>>
    tpu.wait_indirect_dma semaphore(%arg8 : memref<!tpu.dma_semaphore, #tpu.memory_space<semaphore_mem>>) src(%dma_wait3A_35 : memref<5000x192xf32, #tpu.memory_space<hbm>>) dst(%arg7 : memref<125x192xf32, #tpu.memory_space<vmem>>)
    %mul3A_36 = arith.constant 1000 : i32
    %mul3A_37 = arith.muli %add3A, %mul3A_36 : i32
    %add3A_38 = arith.constant 125 : i32
    %add3A_39 = arith.addi %mul3A_37, %add3A_38 : i32
    %dma_start3A_40 = arith.constant 0 : i32
    %dma_start3A_41 = tpu.memref_slice %arg4[%add3A_39, %dma_start3A_40] : memref<32000x192xf32, #tpu.memory_space<hbm>> -> memref<125x192xf32, #tpu.memory_space<hbm>>
    %dma_start3A_42 = arith.constant 0 : i32
    %dma_start3A_43 = tpu.memref_slice %arg4[%add3A_39, %dma_start3A_42] : memref<32000x192xf32, #tpu.memory_space<hbm>> -> memref<125x192xf32, #tpu.memory_space<hbm>>
    tpu.enqueue_dma source(%arg7 : memref<125x192xf32, #tpu.memory_space<vmem>>) target(%dma_start3A_43 : memref<125x192xf32, #tpu.memory_space<hbm>>) target_semaphore(%arg9 : memref<!tpu.dma_semaphore, #tpu.memory_space<semaphore_mem>>)
    %dma_wait3A_44 = arith.constant 0 : i32
    %dma_wait3A_45 = arith.constant 0 : i32
    %dma_wait3A_46 = tpu.memref_slice %arg4[%dma_wait3A_44, %dma_wait3A_45] : memref<32000x192xf32, #tpu.memory_space<hbm>> -> memref<125x192xf32, #tpu.memory_space<hbm>>
    %dma_wait3A_47 = arith.constant 0 : i32
    %dma_wait3A_48 = arith.constant 0 : i32
    %dma_wait3A_49 = tpu.memref_slice %arg4[%dma_wait3A_47, %dma_wait3A_48] : memref<32000x192xf32, #tpu.memory_space<hbm>> -> memref<125x192xf32, #tpu.memory_space<hbm>>
    tpu.wait_dma2 semaphore(%arg9 : memref<!tpu.dma_semaphore, #tpu.memory_space<semaphore_mem>>) src(%arg7 : memref<125x192xf32, #tpu.memory_space<vmem>>) dst(%dma_wait3A_49 : memref<125x192xf32, #tpu.memory_space<hbm>>)
    %min3A_50 = arith.constant 2 : i32
    %min3A_51 = arith.constant 7 : i32
    %min3A_52 = arith.minsi %min3A_50, %min3A_51 : i32
    %dma_start3A_53 = arith.constant 0 : i32
    %dma_start3A_54 = tpu.memref_slice %arg5[%min3A_52, %dma_start3A_53] : memref<8x125xi32, #tpu.memory_space<vmem>> -> memref<1x125xi32, #tpu.memory_space<vmem>>
    %dma_start3A_55 = tpu.memref_squeeze %dma_start3A_54 : memref<1x125xi32, #tpu.memory_space<vmem>> -> memref<125xi32, #tpu.memory_space<vmem>>
    %dma_start3A_56 = arith.constant 0 : i32
    %dma_start3A_57 = arith.constant 0 : i32
    %dma_start3A_58 = tpu.memref_slice %arg2[%dma_start3A_56, %dma_start3A_57] : memref<5000x192xf32, #tpu.memory_space<hbm>> -> memref<5000x192xf32, #tpu.memory_space<hbm>>
    tpu.enqueue_indirect_dma source(%dma_start3A_58 : memref<5000x192xf32, #tpu.memory_space<hbm>>) target(%arg6 : memref<125x192xf32, #tpu.memory_space<vmem>>) offsets(%dma_start3A_55 : memref<125xi32, #tpu.memory_space<vmem>>) semaphore(%arg8 : memref<!tpu.dma_semaphore, #tpu.memory_space<semaphore_mem>>)
    %scan3A = arith.constant 0 : i32
    %scan3A_59 = arith.constant 1 : i32
    %scan3A_60 = arith.constant 3 : i32
    %scan3A_61 = arith.addi %scan3A_59, %scan3A_60 : i32
    %scan3A_62 = arith.constant 1 : i32
    scf.for %scan3A_77 = %scan3A_59 to %scan3A_61 step %scan3A_62  : i32 {
      %mul3A_78 = arith.constant 2 : i32
      %mul3A_79 = arith.muli %scan3A_77, %mul3A_78 : i32
      %add3A_80 = arith.constant 0 : i32
      %add3A_81 = arith.addi %mul3A_79, %add3A_80 : i32
      %dma_wait3A_82 = arith.constant 0 : i32
      %dma_wait3A_83 = arith.constant 0 : i32
      %dma_wait3A_84 = tpu.memref_slice %arg5[%dma_wait3A_82, %dma_wait3A_83] : memref<8x125xi32, #tpu.memory_space<vmem>> -> memref<1x125xi32, #tpu.memory_space<vmem>>
      %dma_wait3A_85 = tpu.memref_squeeze %dma_wait3A_84 : memref<1x125xi32, #tpu.memory_space<vmem>> -> memref<125xi32, #tpu.memory_space<vmem>>
      %dma_wait3A_86 = arith.constant 0 : i32
      %dma_wait3A_87 = arith.constant 0 : i32
      %dma_wait3A_88 = tpu.memref_slice %arg2[%dma_wait3A_86, %dma_wait3A_87] : memref<5000x192xf32, #tpu.memory_space<hbm>> -> memref<5000x192xf32, #tpu.memory_space<hbm>>
      tpu.wait_indirect_dma semaphore(%arg8 : memref<!tpu.dma_semaphore, #tpu.memory_space<semaphore_mem>>) src(%dma_wait3A_88 : memref<5000x192xf32, #tpu.memory_space<hbm>>) dst(%arg6 : memref<125x192xf32, #tpu.memory_space<vmem>>)
      %mul3A_89 = arith.constant 1000 : i32
      %mul3A_90 = arith.muli %add3A, %mul3A_89 : i32
      %mul3A_91 = arith.constant 125 : i32
      %mul3A_92 = arith.muli %add3A_81, %mul3A_91 : i32
      %add3A_93 = arith.addi %mul3A_90, %mul3A_92 : i32
      %dma_start3A_94 = arith.constant 0 : i32
      %dma_start3A_95 = tpu.memref_slice %arg4[%add3A_93, %dma_start3A_94] : memref<32000x192xf32, #tpu.memory_space<hbm>> -> memref<125x192xf32, #tpu.memory_space<hbm>>
      %dma_start3A_96 = arith.constant 0 : i32
      %dma_start3A_97 = tpu.memref_slice %arg4[%add3A_93, %dma_start3A_96] : memref<32000x192xf32, #tpu.memory_space<hbm>> -> memref<125x192xf32, #tpu.memory_space<hbm>>
      tpu.enqueue_dma source(%arg6 : memref<125x192xf32, #tpu.memory_space<vmem>>) target(%dma_start3A_97 : memref<125x192xf32, #tpu.memory_space<hbm>>) target_semaphore(%arg9 : memref<!tpu.dma_semaphore, #tpu.memory_space<semaphore_mem>>)
      %dma_wait3A_98 = arith.constant 0 : i32
      %dma_wait3A_99 = arith.constant 0 : i32
      %dma_wait3A_100 = tpu.memref_slice %arg4[%dma_wait3A_98, %dma_wait3A_99] : memref<32000x192xf32, #tpu.memory_space<hbm>> -> memref<125x192xf32, #tpu.memory_space<hbm>>
      %dma_wait3A_101 = arith.constant 0 : i32
      %dma_wait3A_102 = arith.constant 0 : i32
      %dma_wait3A_103 = tpu.memref_slice %arg4[%dma_wait3A_101, %dma_wait3A_102] : memref<32000x192xf32, #tpu.memory_space<hbm>> -> memref<125x192xf32, #tpu.memory_space<hbm>>
      tpu.wait_dma2 semaphore(%arg9 : memref<!tpu.dma_semaphore, #tpu.memory_space<semaphore_mem>>) src(%arg6 : memref<125x192xf32, #tpu.memory_space<vmem>>) dst(%dma_wait3A_103 : memref<125x192xf32, #tpu.memory_space<hbm>>)
      %add3A_104 = arith.constant 2 : i32
      %add3A_105 = arith.addi %add3A_81, %add3A_104 : i32
      %sub3A = arith.constant 1 : i32
      %sub3A_106 = arith.subi %add3A_105, %sub3A : i32
      %min3A_107 = arith.constant 7 : i32
      %min3A_108 = arith.minsi %sub3A_106, %min3A_107 : i32
      %dma_start3A_109 = arith.constant 0 : i32
      %dma_start3A_110 = tpu.memref_slice %arg5[%min3A_108, %dma_start3A_109] : memref<8x125xi32, #tpu.memory_space<vmem>> -> memref<1x125xi32, #tpu.memory_space<vmem>>
      %dma_start3A_111 = tpu.memref_squeeze %dma_start3A_110 : memref<1x125xi32, #tpu.memory_space<vmem>> -> memref<125xi32, #tpu.memory_space<vmem>>
      %dma_start3A_112 = arith.constant 0 : i32
      %dma_start3A_113 = arith.constant 0 : i32
      %dma_start3A_114 = tpu.memref_slice %arg2[%dma_start3A_112, %dma_start3A_113] : memref<5000x192xf32, #tpu.memory_space<hbm>> -> memref<5000x192xf32, #tpu.memory_space<hbm>>
      tpu.enqueue_indirect_dma source(%dma_start3A_114 : memref<5000x192xf32, #tpu.memory_space<hbm>>) target(%arg7 : memref<125x192xf32, #tpu.memory_space<vmem>>) offsets(%dma_start3A_111 : memref<125xi32, #tpu.memory_space<vmem>>) semaphore(%arg8 : memref<!tpu.dma_semaphore, #tpu.memory_space<semaphore_mem>>)
      %add3A_115 = arith.constant 1 : i32
      %add3A_116 = arith.addi %mul3A_79, %add3A_115 : i32
      %dma_wait3A_117 = arith.constant 0 : i32
      %dma_wait3A_118 = arith.constant 0 : i32
      %dma_wait3A_119 = tpu.memref_slice %arg5[%dma_wait3A_117, %dma_wait3A_118] : memref<8x125xi32, #tpu.memory_space<vmem>> -> memref<1x125xi32, #tpu.memory_space<vmem>>
      %dma_wait3A_120 = tpu.memref_squeeze %dma_wait3A_119 : memref<1x125xi32, #tpu.memory_space<vmem>> -> memref<125xi32, #tpu.memory_space<vmem>>
      %dma_wait3A_121 = arith.constant 0 : i32
      %dma_wait3A_122 = arith.constant 0 : i32
      %dma_wait3A_123 = tpu.memref_slice %arg2[%dma_wait3A_121, %dma_wait3A_122] : memref<5000x192xf32, #tpu.memory_space<hbm>> -> memref<5000x192xf32, #tpu.memory_space<hbm>>
      tpu.wait_indirect_dma semaphore(%arg8 : memref<!tpu.dma_semaphore, #tpu.memory_space<semaphore_mem>>) src(%dma_wait3A_123 : memref<5000x192xf32, #tpu.memory_space<hbm>>) dst(%arg7 : memref<125x192xf32, #tpu.memory_space<vmem>>)
      %mul3A_124 = arith.constant 1000 : i32
      %mul3A_125 = arith.muli %add3A, %mul3A_124 : i32
      %mul3A_126 = arith.constant 125 : i32
      %mul3A_127 = arith.muli %add3A_116, %mul3A_126 : i32
      %add3A_128 = arith.addi %mul3A_125, %mul3A_127 : i32
      %dma_start3A_129 = arith.constant 0 : i32
      %dma_start3A_130 = tpu.memref_slice %arg4[%add3A_128, %dma_start3A_129] : memref<32000x192xf32, #tpu.memory_space<hbm>> -> memref<125x192xf32, #tpu.memory_space<hbm>>
      %dma_start3A_131 = arith.constant 0 : i32
      %dma_start3A_132 = tpu.memref_slice %arg4[%add3A_128, %dma_start3A_131] : memref<32000x192xf32, #tpu.memory_space<hbm>> -> memref<125x192xf32, #tpu.memory_space<hbm>>
      tpu.enqueue_dma source(%arg7 : memref<125x192xf32, #tpu.memory_space<vmem>>) target(%dma_start3A_132 : memref<125x192xf32, #tpu.memory_space<hbm>>) target_semaphore(%arg9 : memref<!tpu.dma_semaphore, #tpu.memory_space<semaphore_mem>>)
      %dma_wait3A_133 = arith.constant 0 : i32
      %dma_wait3A_134 = arith.constant 0 : i32
      %dma_wait3A_135 = tpu.memref_slice %arg4[%dma_wait3A_133, %dma_wait3A_134] : memref<32000x192xf32, #tpu.memory_space<hbm>> -> memref<125x192xf32, #tpu.memory_space<hbm>>
      %dma_wait3A_136 = arith.constant 0 : i32
      %dma_wait3A_137 = arith.constant 0 : i32
      %dma_wait3A_138 = tpu.memref_slice %arg4[%dma_wait3A_136, %dma_wait3A_137] : memref<32000x192xf32, #tpu.memory_space<hbm>> -> memref<125x192xf32, #tpu.memory_space<hbm>>
      tpu.wait_dma2 semaphore(%arg9 : memref<!tpu.dma_semaphore, #tpu.memory_space<semaphore_mem>>) src(%arg7 : memref<125x192xf32, #tpu.memory_space<vmem>>) dst(%dma_wait3A_138 : memref<125x192xf32, #tpu.memory_space<hbm>>)
      %add3A_139 = arith.constant 2 : i32
      %add3A_140 = arith.addi %add3A_116, %add3A_139 : i32
      %sub3A_141 = arith.constant 1 : i32
      %sub3A_142 = arith.subi %add3A_140, %sub3A_141 : i32
      %min3A_143 = arith.constant 7 : i32
      %min3A_144 = arith.minsi %sub3A_142, %min3A_143 : i32
      %dma_start3A_145 = arith.constant 0 : i32
      %dma_start3A_146 = tpu.memref_slice %arg5[%min3A_144, %dma_start3A_145] : memref<8x125xi32, #tpu.memory_space<vmem>> -> memref<1x125xi32, #tpu.memory_space<vmem>>
      %dma_start3A_147 = tpu.memref_squeeze %dma_start3A_146 : memref<1x125xi32, #tpu.memory_space<vmem>> -> memref<125xi32, #tpu.memory_space<vmem>>
      %dma_start3A_148 = arith.constant 0 : i32
      %dma_start3A_149 = arith.constant 0 : i32
      %dma_start3A_150 = tpu.memref_slice %arg2[%dma_start3A_148, %dma_start3A_149] : memref<5000x192xf32, #tpu.memory_space<hbm>> -> memref<5000x192xf32, #tpu.memory_space<hbm>>
      tpu.enqueue_indirect_dma source(%dma_start3A_150 : memref<5000x192xf32, #tpu.memory_space<hbm>>) target(%arg6 : memref<125x192xf32, #tpu.memory_space<vmem>>) offsets(%dma_start3A_147 : memref<125xi32, #tpu.memory_space<vmem>>) semaphore(%arg8 : memref<!tpu.dma_semaphore, #tpu.memory_space<semaphore_mem>>)
    }
    %scan3A_63 = arith.constant 3 : i32
    %dma_wait3A_64 = arith.constant 0 : i32
    %dma_wait3A_65 = arith.constant 0 : i32
    %dma_wait3A_66 = tpu.memref_slice %arg5[%dma_wait3A_64, %dma_wait3A_65] : memref<8x125xi32, #tpu.memory_space<vmem>> -> memref<1x125xi32, #tpu.memory_space<vmem>>
    %dma_wait3A_67 = tpu.memref_squeeze %dma_wait3A_66 : memref<1x125xi32, #tpu.memory_space<vmem>> -> memref<125xi32, #tpu.memory_space<vmem>>
    %dma_wait3A_68 = arith.constant 0 : i32
    %dma_wait3A_69 = arith.constant 0 : i32
    %dma_wait3A_70 = tpu.memref_slice %arg2[%dma_wait3A_68, %dma_wait3A_69] : memref<5000x192xf32, #tpu.memory_space<hbm>> -> memref<5000x192xf32, #tpu.memory_space<hbm>>
    tpu.wait_indirect_dma semaphore(%arg8 : memref<!tpu.dma_semaphore, #tpu.memory_space<semaphore_mem>>) src(%dma_wait3A_70 : memref<5000x192xf32, #tpu.memory_space<hbm>>) dst(%arg6 : memref<125x192xf32, #tpu.memory_space<vmem>>)
    %dma_wait3A_71 = arith.constant 0 : i32
    %dma_wait3A_72 = arith.constant 0 : i32
    %dma_wait3A_73 = tpu.memref_slice %arg4[%dma_wait3A_71, %dma_wait3A_72] : memref<32000x192xf32, #tpu.memory_space<hbm>> -> memref<125x192xf32, #tpu.memory_space<hbm>>
    %dma_wait3A_74 = arith.constant 0 : i32
    %dma_wait3A_75 = arith.constant 0 : i32
    %dma_wait3A_76 = tpu.memref_slice %arg4[%dma_wait3A_74, %dma_wait3A_75] : memref<32000x192xf32, #tpu.memory_space<hbm>> -> memref<125x192xf32, #tpu.memory_space<hbm>>
    tpu.wait_dma2 semaphore(%arg9 : memref<!tpu.dma_semaphore, #tpu.memory_space<semaphore_mem>>) src(%arg6 : memref<125x192xf32, #tpu.memory_space<vmem>>) dst(%dma_wait3A_76 : memref<125x192xf32, #tpu.memory_space<hbm>>)
    return
  }
}

#map = affine_map<(d0, d1) -> (0, 0)>
#map1 = affine_map<(d0, d1) -> (0, 0, 0)>
module attributes {stable_mosaic.version = 14 : i64} {
  func.func @segsum(%arg0: i32, %arg1: i32, %arg2: memref<5000x64xf32, #tpu.memory_space<hbm>>, %arg3: memref<32x40x125xi32, #tpu.memory_space<hbm>>, %arg4: memref<32x40x125xi32, #tpu.memory_space<hbm>>, %arg5: memref<320x64xf32, #tpu.memory_space<hbm>>, %arg6: memref<2x5120x64xf32, #tpu.memory_space<hbm>>, %arg7: memref<40x125xi32, #tpu.memory_space<vmem>>, %arg8: memref<40x125xi32, #tpu.memory_space<vmem>>, %arg9: memref<125x64xf32, #tpu.memory_space<vmem>>, %arg10: memref<125x64xf32, #tpu.memory_space<vmem>>, %arg11: memref<5120x64xf32, #tpu.memory_space<vmem_shared>>, %arg12: memref<!tpu.dma_semaphore, #tpu.memory_space<semaphore_mem>>, %arg13: memref<!tpu.dma_semaphore, #tpu.memory_space<semaphore_mem>>) attributes {dimension_semantics = [#tpu.dimension_semantics<core_parallel>, #tpu.dimension_semantics<subcore_parallel>], iteration_bounds = array<i64: 2, 16>, scalar_prefetch = 0 : i64, scratch_operands = 7 : i64, tpu.core_type = #tpu.core_type<sc_vector_subcore>, window_params = [{transform_indices = #map}, {transform_indices = #map1}, {transform_indices = #map1}, {transform_indices = #map}, {transform_indices = #map1}]} {
    %mul3A = arith.constant 16 : i32
    %mul3A_0 = arith.muli %arg0, %mul3A : i32
    %add3A = arith.addi %mul3A_0, %arg1 : i32
    "tpu.region"() ({
      %run_scoped3A = tpu.sem_alloc : memref<!tpu.dma_semaphore, #tpu.memory_space<semaphore_mem>>
      %dma_start3A_84 = arith.constant 0 : i32
      %dma_start3A_85 = arith.constant 0 : i32
      %dma_start3A_86 = tpu.memref_slice %arg3[%add3A, %dma_start3A_84, %dma_start3A_85] : memref<32x40x125xi32, #tpu.memory_space<hbm>> -> memref<1x40x125xi32, #tpu.memory_space<hbm>>
      %dma_start3A_87 = tpu.memref_squeeze %dma_start3A_86 : memref<1x40x125xi32, #tpu.memory_space<hbm>> -> memref<40x125xi32, #tpu.memory_space<hbm>>
      %dma_start3A_88 = arith.constant 0 : i32
      %dma_start3A_89 = arith.constant 0 : i32
      %dma_start3A_90 = tpu.memref_slice %arg3[%add3A, %dma_start3A_88, %dma_start3A_89] : memref<32x40x125xi32, #tpu.memory_space<hbm>> -> memref<1x40x125xi32, #tpu.memory_space<hbm>>
      %dma_start3A_91 = tpu.memref_squeeze %dma_start3A_90 : memref<1x40x125xi32, #tpu.memory_space<hbm>> -> memref<40x125xi32, #tpu.memory_space<hbm>>
      tpu.enqueue_dma source(%dma_start3A_91 : memref<40x125xi32, #tpu.memory_space<hbm>>) target(%arg7 : memref<40x125xi32, #tpu.memory_space<vmem>>) target_semaphore(%run_scoped3A : memref<!tpu.dma_semaphore, #tpu.memory_space<semaphore_mem>>)
      %dma_wait3A_92 = arith.constant 0 : i32
      %dma_wait3A_93 = arith.constant 0 : i32
      %dma_wait3A_94 = tpu.memref_slice %arg3[%add3A, %dma_wait3A_92, %dma_wait3A_93] : memref<32x40x125xi32, #tpu.memory_space<hbm>> -> memref<1x40x125xi32, #tpu.memory_space<hbm>>
      %dma_wait3A_95 = tpu.memref_squeeze %dma_wait3A_94 : memref<1x40x125xi32, #tpu.memory_space<hbm>> -> memref<40x125xi32, #tpu.memory_space<hbm>>
      %dma_wait3A_96 = arith.constant 0 : i32
      %dma_wait3A_97 = arith.constant 0 : i32
      %dma_wait3A_98 = tpu.memref_slice %arg3[%add3A, %dma_wait3A_96, %dma_wait3A_97] : memref<32x40x125xi32, #tpu.memory_space<hbm>> -> memref<1x40x125xi32, #tpu.memory_space<hbm>>
      %dma_wait3A_99 = tpu.memref_squeeze %dma_wait3A_98 : memref<1x40x125xi32, #tpu.memory_space<hbm>> -> memref<40x125xi32, #tpu.memory_space<hbm>>
      tpu.wait_dma2 semaphore(%run_scoped3A : memref<!tpu.dma_semaphore, #tpu.memory_space<semaphore_mem>>) src(%dma_wait3A_99 : memref<40x125xi32, #tpu.memory_space<hbm>>) dst(%arg7 : memref<40x125xi32, #tpu.memory_space<vmem>>)
      tpu.yield
    }) : () -> ()
    "tpu.region"() ({
      %run_scoped3A = tpu.sem_alloc : memref<!tpu.dma_semaphore, #tpu.memory_space<semaphore_mem>>
      %dma_start3A_84 = arith.constant 0 : i32
      %dma_start3A_85 = arith.constant 0 : i32
      %dma_start3A_86 = tpu.memref_slice %arg4[%add3A, %dma_start3A_84, %dma_start3A_85] : memref<32x40x125xi32, #tpu.memory_space<hbm>> -> memref<1x40x125xi32, #tpu.memory_space<hbm>>
      %dma_start3A_87 = tpu.memref_squeeze %dma_start3A_86 : memref<1x40x125xi32, #tpu.memory_space<hbm>> -> memref<40x125xi32, #tpu.memory_space<hbm>>
      %dma_start3A_88 = arith.constant 0 : i32
      %dma_start3A_89 = arith.constant 0 : i32
      %dma_start3A_90 = tpu.memref_slice %arg4[%add3A, %dma_start3A_88, %dma_start3A_89] : memref<32x40x125xi32, #tpu.memory_space<hbm>> -> memref<1x40x125xi32, #tpu.memory_space<hbm>>
      %dma_start3A_91 = tpu.memref_squeeze %dma_start3A_90 : memref<1x40x125xi32, #tpu.memory_space<hbm>> -> memref<40x125xi32, #tpu.memory_space<hbm>>
      tpu.enqueue_dma source(%dma_start3A_91 : memref<40x125xi32, #tpu.memory_space<hbm>>) target(%arg8 : memref<40x125xi32, #tpu.memory_space<vmem>>) target_semaphore(%run_scoped3A : memref<!tpu.dma_semaphore, #tpu.memory_space<semaphore_mem>>)
      %dma_wait3A_92 = arith.constant 0 : i32
      %dma_wait3A_93 = arith.constant 0 : i32
      %dma_wait3A_94 = tpu.memref_slice %arg4[%add3A, %dma_wait3A_92, %dma_wait3A_93] : memref<32x40x125xi32, #tpu.memory_space<hbm>> -> memref<1x40x125xi32, #tpu.memory_space<hbm>>
      %dma_wait3A_95 = tpu.memref_squeeze %dma_wait3A_94 : memref<1x40x125xi32, #tpu.memory_space<hbm>> -> memref<40x125xi32, #tpu.memory_space<hbm>>
      %dma_wait3A_96 = arith.constant 0 : i32
      %dma_wait3A_97 = arith.constant 0 : i32
      %dma_wait3A_98 = tpu.memref_slice %arg4[%add3A, %dma_wait3A_96, %dma_wait3A_97] : memref<32x40x125xi32, #tpu.memory_space<hbm>> -> memref<1x40x125xi32, #tpu.memory_space<hbm>>
      %dma_wait3A_99 = tpu.memref_squeeze %dma_wait3A_98 : memref<1x40x125xi32, #tpu.memory_space<hbm>> -> memref<40x125xi32, #tpu.memory_space<hbm>>
      tpu.wait_dma2 semaphore(%run_scoped3A : memref<!tpu.dma_semaphore, #tpu.memory_space<semaphore_mem>>) src(%dma_wait3A_99 : memref<40x125xi32, #tpu.memory_space<hbm>>) dst(%arg8 : memref<40x125xi32, #tpu.memory_space<vmem>>)
      tpu.yield
    }) : () -> ()
    %mul3A_1 = arith.constant 320 : i32
    %mul3A_2 = arith.muli %arg1, %mul3A_1 : i32
    "tpu.region"() ({
      %run_scoped3A = tpu.sem_alloc : memref<!tpu.dma_semaphore, #tpu.memory_space<semaphore_mem>>
      %dma_start3A_84 = arith.constant 0 : i32
      %dma_start3A_85 = tpu.memref_slice %arg11[%mul3A_2, %dma_start3A_84] : memref<5120x64xf32, #tpu.memory_space<vmem_shared>> -> memref<320x64xf32, #tpu.memory_space<vmem_shared>>
      tpu.enqueue_dma source(%arg5 : memref<320x64xf32, #tpu.memory_space<hbm>>) target(%dma_start3A_85 : memref<320x64xf32, #tpu.memory_space<vmem_shared>>) target_semaphore(%run_scoped3A : memref<!tpu.dma_semaphore, #tpu.memory_space<semaphore_mem>>)
      %dma_wait3A_86 = arith.constant 0 : i32
      %dma_wait3A_87 = tpu.memref_slice %arg11[%mul3A_2, %dma_wait3A_86] : memref<5120x64xf32, #tpu.memory_space<vmem_shared>> -> memref<320x64xf32, #tpu.memory_space<vmem_shared>>
      tpu.wait_dma2 semaphore(%run_scoped3A : memref<!tpu.dma_semaphore, #tpu.memory_space<semaphore_mem>>) src(%arg5 : memref<320x64xf32, #tpu.memory_space<hbm>>) dst(%dma_wait3A_87 : memref<320x64xf32, #tpu.memory_space<vmem_shared>>)
      tpu.yield
    }) : () -> ()
    %barrier3A = arith.constant 0 : index
    tpu.barrier barrier_id(%barrier3A)
    %dma_start3A = arith.constant 0 : i32
    %dma_start3A_3 = arith.constant 0 : i32
    %dma_start3A_4 = tpu.memref_slice %arg7[%dma_start3A, %dma_start3A_3] : memref<40x125xi32, #tpu.memory_space<vmem>> -> memref<1x125xi32, #tpu.memory_space<vmem>>
    %dma_start3A_5 = tpu.memref_squeeze %dma_start3A_4 : memref<1x125xi32, #tpu.memory_space<vmem>> -> memref<125xi32, #tpu.memory_space<vmem>>
    %dma_start3A_6 = arith.constant 0 : i32
    %dma_start3A_7 = arith.constant 0 : i32
    %dma_start3A_8 = tpu.memref_slice %arg2[%dma_start3A_6, %dma_start3A_7] : memref<5000x64xf32, #tpu.memory_space<hbm>> -> memref<5000x64xf32, #tpu.memory_space<hbm>>
    tpu.enqueue_indirect_dma source(%dma_start3A_8 : memref<5000x64xf32, #tpu.memory_space<hbm>>) target(%arg9 : memref<125x64xf32, #tpu.memory_space<vmem>>) offsets(%dma_start3A_5 : memref<125xi32, #tpu.memory_space<vmem>>) semaphore(%arg12 : memref<!tpu.dma_semaphore, #tpu.memory_space<semaphore_mem>>)
    %dma_wait3A = arith.constant 0 : i32
    %dma_wait3A_9 = arith.constant 0 : i32
    %dma_wait3A_10 = tpu.memref_slice %arg7[%dma_wait3A, %dma_wait3A_9] : memref<40x125xi32, #tpu.memory_space<vmem>> -> memref<1x125xi32, #tpu.memory_space<vmem>>
    %dma_wait3A_11 = tpu.memref_squeeze %dma_wait3A_10 : memref<1x125xi32, #tpu.memory_space<vmem>> -> memref<125xi32, #tpu.memory_space<vmem>>
    %dma_wait3A_12 = arith.constant 0 : i32
    %dma_wait3A_13 = arith.constant 0 : i32
    %dma_wait3A_14 = tpu.memref_slice %arg2[%dma_wait3A_12, %dma_wait3A_13] : memref<5000x64xf32, #tpu.memory_space<hbm>> -> memref<5000x64xf32, #tpu.memory_space<hbm>>
    tpu.wait_indirect_dma semaphore(%arg12 : memref<!tpu.dma_semaphore, #tpu.memory_space<semaphore_mem>>) src(%dma_wait3A_14 : memref<5000x64xf32, #tpu.memory_space<hbm>>) dst(%arg9 : memref<125x64xf32, #tpu.memory_space<vmem>>)
    %dma_start3A_15 = arith.constant 0 : i32
    %dma_start3A_16 = arith.constant 0 : i32
    %dma_start3A_17 = tpu.memref_slice %arg8[%dma_start3A_15, %dma_start3A_16] : memref<40x125xi32, #tpu.memory_space<vmem>> -> memref<1x125xi32, #tpu.memory_space<vmem>>
    %dma_start3A_18 = tpu.memref_squeeze %dma_start3A_17 : memref<1x125xi32, #tpu.memory_space<vmem>> -> memref<125xi32, #tpu.memory_space<vmem>>
    %dma_start3A_19 = arith.constant 0 : i32
    %dma_start3A_20 = arith.constant 0 : i32
    %dma_start3A_21 = tpu.memref_slice %arg11[%dma_start3A_19, %dma_start3A_20] : memref<5120x64xf32, #tpu.memory_space<vmem_shared>> -> memref<5120x64xf32, #tpu.memory_space<vmem_shared>>
    tpu.enqueue_indirect_dma source(%arg9 : memref<125x64xf32, #tpu.memory_space<vmem>>) target(%dma_start3A_21 : memref<5120x64xf32, #tpu.memory_space<vmem_shared>>) offsets(%dma_start3A_18 : memref<125xi32, #tpu.memory_space<vmem>>) semaphore(%arg13 : memref<!tpu.dma_semaphore, #tpu.memory_space<semaphore_mem>>) {add = true}
    %min3A = arith.constant 1 : i32
    %min3A_22 = arith.constant 39 : i32
    %min3A_23 = arith.minsi %min3A, %min3A_22 : i32
    %dma_start3A_24 = arith.constant 0 : i32
    %dma_start3A_25 = tpu.memref_slice %arg7[%min3A_23, %dma_start3A_24] : memref<40x125xi32, #tpu.memory_space<vmem>> -> memref<1x125xi32, #tpu.memory_space<vmem>>
    %dma_start3A_26 = tpu.memref_squeeze %dma_start3A_25 : memref<1x125xi32, #tpu.memory_space<vmem>> -> memref<125xi32, #tpu.memory_space<vmem>>
    %dma_start3A_27 = arith.constant 0 : i32
    %dma_start3A_28 = arith.constant 0 : i32
    %dma_start3A_29 = tpu.memref_slice %arg2[%dma_start3A_27, %dma_start3A_28] : memref<5000x64xf32, #tpu.memory_space<hbm>> -> memref<5000x64xf32, #tpu.memory_space<hbm>>
    tpu.enqueue_indirect_dma source(%dma_start3A_29 : memref<5000x64xf32, #tpu.memory_space<hbm>>) target(%arg10 : memref<125x64xf32, #tpu.memory_space<vmem>>) offsets(%dma_start3A_26 : memref<125xi32, #tpu.memory_space<vmem>>) semaphore(%arg12 : memref<!tpu.dma_semaphore, #tpu.memory_space<semaphore_mem>>)
    %dma_wait3A_30 = arith.constant 0 : i32
    %dma_wait3A_31 = arith.constant 0 : i32
    %dma_wait3A_32 = tpu.memref_slice %arg7[%dma_wait3A_30, %dma_wait3A_31] : memref<40x125xi32, #tpu.memory_space<vmem>> -> memref<1x125xi32, #tpu.memory_space<vmem>>
    %dma_wait3A_33 = tpu.memref_squeeze %dma_wait3A_32 : memref<1x125xi32, #tpu.memory_space<vmem>> -> memref<125xi32, #tpu.memory_space<vmem>>
    %dma_wait3A_34 = arith.constant 0 : i32
    %dma_wait3A_35 = arith.constant 0 : i32
    %dma_wait3A_36 = tpu.memref_slice %arg2[%dma_wait3A_34, %dma_wait3A_35] : memref<5000x64xf32, #tpu.memory_space<hbm>> -> memref<5000x64xf32, #tpu.memory_space<hbm>>
    tpu.wait_indirect_dma semaphore(%arg12 : memref<!tpu.dma_semaphore, #tpu.memory_space<semaphore_mem>>) src(%dma_wait3A_36 : memref<5000x64xf32, #tpu.memory_space<hbm>>) dst(%arg10 : memref<125x64xf32, #tpu.memory_space<vmem>>)
    %dma_start3A_37 = arith.constant 1 : i32
    %dma_start3A_38 = arith.constant 0 : i32
    %dma_start3A_39 = tpu.memref_slice %arg8[%dma_start3A_37, %dma_start3A_38] : memref<40x125xi32, #tpu.memory_space<vmem>> -> memref<1x125xi32, #tpu.memory_space<vmem>>
    %dma_start3A_40 = tpu.memref_squeeze %dma_start3A_39 : memref<1x125xi32, #tpu.memory_space<vmem>> -> memref<125xi32, #tpu.memory_space<vmem>>
    %dma_start3A_41 = arith.constant 0 : i32
    %dma_start3A_42 = arith.constant 0 : i32
    %dma_start3A_43 = tpu.memref_slice %arg11[%dma_start3A_41, %dma_start3A_42] : memref<5120x64xf32, #tpu.memory_space<vmem_shared>> -> memref<5120x64xf32, #tpu.memory_space<vmem_shared>>
    tpu.enqueue_indirect_dma source(%arg10 : memref<125x64xf32, #tpu.memory_space<vmem>>) target(%dma_start3A_43 : memref<5120x64xf32, #tpu.memory_space<vmem_shared>>) offsets(%dma_start3A_40 : memref<125xi32, #tpu.memory_space<vmem>>) semaphore(%arg13 : memref<!tpu.dma_semaphore, #tpu.memory_space<semaphore_mem>>) {add = true}
    %dma_wait3A_44 = arith.constant 0 : i32
    %dma_wait3A_45 = arith.constant 0 : i32
    %dma_wait3A_46 = tpu.memref_slice %arg8[%dma_wait3A_44, %dma_wait3A_45] : memref<40x125xi32, #tpu.memory_space<vmem>> -> memref<1x125xi32, #tpu.memory_space<vmem>>
    %dma_wait3A_47 = tpu.memref_squeeze %dma_wait3A_46 : memref<1x125xi32, #tpu.memory_space<vmem>> -> memref<125xi32, #tpu.memory_space<vmem>>
    %dma_wait3A_48 = arith.constant 0 : i32
    %dma_wait3A_49 = arith.constant 0 : i32
    %dma_wait3A_50 = tpu.memref_slice %arg11[%dma_wait3A_48, %dma_wait3A_49] : memref<5120x64xf32, #tpu.memory_space<vmem_shared>> -> memref<5120x64xf32, #tpu.memory_space<vmem_shared>>
    tpu.wait_indirect_dma semaphore(%arg13 : memref<!tpu.dma_semaphore, #tpu.memory_space<semaphore_mem>>) src(%arg10 : memref<125x64xf32, #tpu.memory_space<vmem>>) dst(%dma_wait3A_50 : memref<5120x64xf32, #tpu.memory_space<vmem_shared>>)
    %min3A_51 = arith.constant 2 : i32
    %min3A_52 = arith.constant 39 : i32
    %min3A_53 = arith.minsi %min3A_51, %min3A_52 : i32
    %dma_start3A_54 = arith.constant 0 : i32
    %dma_start3A_55 = tpu.memref_slice %arg7[%min3A_53, %dma_start3A_54] : memref<40x125xi32, #tpu.memory_space<vmem>> -> memref<1x125xi32, #tpu.memory_space<vmem>>
    %dma_start3A_56 = tpu.memref_squeeze %dma_start3A_55 : memref<1x125xi32, #tpu.memory_space<vmem>> -> memref<125xi32, #tpu.memory_space<vmem>>
    %dma_start3A_57 = arith.constant 0 : i32
    %dma_start3A_58 = arith.constant 0 : i32
    %dma_start3A_59 = tpu.memref_slice %arg2[%dma_start3A_57, %dma_start3A_58] : memref<5000x64xf32, #tpu.memory_space<hbm>> -> memref<5000x64xf32, #tpu.memory_space<hbm>>
    tpu.enqueue_indirect_dma source(%dma_start3A_59 : memref<5000x64xf32, #tpu.memory_space<hbm>>) target(%arg9 : memref<125x64xf32, #tpu.memory_space<vmem>>) offsets(%dma_start3A_56 : memref<125xi32, #tpu.memory_space<vmem>>) semaphore(%arg12 : memref<!tpu.dma_semaphore, #tpu.memory_space<semaphore_mem>>)
    %scan3A = arith.constant 0 : i32
    %scan3A_60 = arith.constant 1 : i32
    %scan3A_61 = arith.constant 19 : i32
    %scan3A_62 = arith.addi %scan3A_60, %scan3A_61 : i32
    %scan3A_63 = arith.constant 1 : i32
    scf.for %scan3A_84 = %scan3A_60 to %scan3A_62 step %scan3A_63  : i32 {
      %mul3A_85 = arith.constant 2 : i32
      %mul3A_86 = arith.muli %scan3A_84, %mul3A_85 : i32
      %add3A_87 = arith.constant 0 : i32
      %add3A_88 = arith.addi %mul3A_86, %add3A_87 : i32
      %dma_wait3A_89 = arith.constant 0 : i32
      %dma_wait3A_90 = arith.constant 0 : i32
      %dma_wait3A_91 = tpu.memref_slice %arg7[%dma_wait3A_89, %dma_wait3A_90] : memref<40x125xi32, #tpu.memory_space<vmem>> -> memref<1x125xi32, #tpu.memory_space<vmem>>
      %dma_wait3A_92 = tpu.memref_squeeze %dma_wait3A_91 : memref<1x125xi32, #tpu.memory_space<vmem>> -> memref<125xi32, #tpu.memory_space<vmem>>
      %dma_wait3A_93 = arith.constant 0 : i32
      %dma_wait3A_94 = arith.constant 0 : i32
      %dma_wait3A_95 = tpu.memref_slice %arg2[%dma_wait3A_93, %dma_wait3A_94] : memref<5000x64xf32, #tpu.memory_space<hbm>> -> memref<5000x64xf32, #tpu.memory_space<hbm>>
      tpu.wait_indirect_dma semaphore(%arg12 : memref<!tpu.dma_semaphore, #tpu.memory_space<semaphore_mem>>) src(%dma_wait3A_95 : memref<5000x64xf32, #tpu.memory_space<hbm>>) dst(%arg9 : memref<125x64xf32, #tpu.memory_space<vmem>>)
      %dma_start3A_96 = arith.constant 0 : i32
      %dma_start3A_97 = tpu.memref_slice %arg8[%add3A_88, %dma_start3A_96] : memref<40x125xi32, #tpu.memory_space<vmem>> -> memref<1x125xi32, #tpu.memory_space<vmem>>
      %dma_start3A_98 = tpu.memref_squeeze %dma_start3A_97 : memref<1x125xi32, #tpu.memory_space<vmem>> -> memref<125xi32, #tpu.memory_space<vmem>>
      %dma_start3A_99 = arith.constant 0 : i32
      %dma_start3A_100 = arith.constant 0 : i32
      %dma_start3A_101 = tpu.memref_slice %arg11[%dma_start3A_99, %dma_start3A_100] : memref<5120x64xf32, #tpu.memory_space<vmem_shared>> -> memref<5120x64xf32, #tpu.memory_space<vmem_shared>>
      tpu.enqueue_indirect_dma source(%arg9 : memref<125x64xf32, #tpu.memory_space<vmem>>) target(%dma_start3A_101 : memref<5120x64xf32, #tpu.memory_space<vmem_shared>>) offsets(%dma_start3A_98 : memref<125xi32, #tpu.memory_space<vmem>>) semaphore(%arg13 : memref<!tpu.dma_semaphore, #tpu.memory_space<semaphore_mem>>) {add = true}
      %dma_wait3A_102 = arith.constant 0 : i32
      %dma_wait3A_103 = arith.constant 0 : i32
      %dma_wait3A_104 = tpu.memref_slice %arg8[%dma_wait3A_102, %dma_wait3A_103] : memref<40x125xi32, #tpu.memory_space<vmem>> -> memref<1x125xi32, #tpu.memory_space<vmem>>
      %dma_wait3A_105 = tpu.memref_squeeze %dma_wait3A_104 : memref<1x125xi32, #tpu.memory_space<vmem>> -> memref<125xi32, #tpu.memory_space<vmem>>
      %dma_wait3A_106 = arith.constant 0 : i32
      %dma_wait3A_107 = arith.constant 0 : i32
      %dma_wait3A_108 = tpu.memref_slice %arg11[%dma_wait3A_106, %dma_wait3A_107] : memref<5120x64xf32, #tpu.memory_space<vmem_shared>> -> memref<5120x64xf32, #tpu.memory_space<vmem_shared>>
      tpu.wait_indirect_dma semaphore(%arg13 : memref<!tpu.dma_semaphore, #tpu.memory_space<semaphore_mem>>) src(%arg9 : memref<125x64xf32, #tpu.memory_space<vmem>>) dst(%dma_wait3A_108 : memref<5120x64xf32, #tpu.memory_space<vmem_shared>>)
      %add3A_109 = arith.constant 2 : i32
      %add3A_110 = arith.addi %add3A_88, %add3A_109 : i32
      %sub3A = arith.constant 1 : i32
      %sub3A_111 = arith.subi %add3A_110, %sub3A : i32
      %min3A_112 = arith.constant 39 : i32
      %min3A_113 = arith.minsi %sub3A_111, %min3A_112 : i32
      %dma_start3A_114 = arith.constant 0 : i32
      %dma_start3A_115 = tpu.memref_slice %arg7[%min3A_113, %dma_start3A_114] : memref<40x125xi32, #tpu.memory_space<vmem>> -> memref<1x125xi32, #tpu.memory_space<vmem>>
      %dma_start3A_116 = tpu.memref_squeeze %dma_start3A_115 : memref<1x125xi32, #tpu.memory_space<vmem>> -> memref<125xi32, #tpu.memory_space<vmem>>
      %dma_start3A_117 = arith.constant 0 : i32
      %dma_start3A_118 = arith.constant 0 : i32
      %dma_start3A_119 = tpu.memref_slice %arg2[%dma_start3A_117, %dma_start3A_118] : memref<5000x64xf32, #tpu.memory_space<hbm>> -> memref<5000x64xf32, #tpu.memory_space<hbm>>
      tpu.enqueue_indirect_dma source(%dma_start3A_119 : memref<5000x64xf32, #tpu.memory_space<hbm>>) target(%arg10 : memref<125x64xf32, #tpu.memory_space<vmem>>) offsets(%dma_start3A_116 : memref<125xi32, #tpu.memory_space<vmem>>) semaphore(%arg12 : memref<!tpu.dma_semaphore, #tpu.memory_space<semaphore_mem>>)
      %add3A_120 = arith.constant 1 : i32
      %add3A_121 = arith.addi %mul3A_86, %add3A_120 : i32
      %dma_wait3A_122 = arith.constant 0 : i32
      %dma_wait3A_123 = arith.constant 0 : i32
      %dma_wait3A_124 = tpu.memref_slice %arg7[%dma_wait3A_122, %dma_wait3A_123] : memref<40x125xi32, #tpu.memory_space<vmem>> -> memref<1x125xi32, #tpu.memory_space<vmem>>
      %dma_wait3A_125 = tpu.memref_squeeze %dma_wait3A_124 : memref<1x125xi32, #tpu.memory_space<vmem>> -> memref<125xi32, #tpu.memory_space<vmem>>
      %dma_wait3A_126 = arith.constant 0 : i32
      %dma_wait3A_127 = arith.constant 0 : i32
      %dma_wait3A_128 = tpu.memref_slice %arg2[%dma_wait3A_126, %dma_wait3A_127] : memref<5000x64xf32, #tpu.memory_space<hbm>> -> memref<5000x64xf32, #tpu.memory_space<hbm>>
      tpu.wait_indirect_dma semaphore(%arg12 : memref<!tpu.dma_semaphore, #tpu.memory_space<semaphore_mem>>) src(%dma_wait3A_128 : memref<5000x64xf32, #tpu.memory_space<hbm>>) dst(%arg10 : memref<125x64xf32, #tpu.memory_space<vmem>>)
      %dma_start3A_129 = arith.constant 0 : i32
      %dma_start3A_130 = tpu.memref_slice %arg8[%add3A_121, %dma_start3A_129] : memref<40x125xi32, #tpu.memory_space<vmem>> -> memref<1x125xi32, #tpu.memory_space<vmem>>
      %dma_start3A_131 = tpu.memref_squeeze %dma_start3A_130 : memref<1x125xi32, #tpu.memory_space<vmem>> -> memref<125xi32, #tpu.memory_space<vmem>>
      %dma_start3A_132 = arith.constant 0 : i32
      %dma_start3A_133 = arith.constant 0 : i32
      %dma_start3A_134 = tpu.memref_slice %arg11[%dma_start3A_132, %dma_start3A_133] : memref<5120x64xf32, #tpu.memory_space<vmem_shared>> -> memref<5120x64xf32, #tpu.memory_space<vmem_shared>>
      tpu.enqueue_indirect_dma source(%arg10 : memref<125x64xf32, #tpu.memory_space<vmem>>) target(%dma_start3A_134 : memref<5120x64xf32, #tpu.memory_space<vmem_shared>>) offsets(%dma_start3A_131 : memref<125xi32, #tpu.memory_space<vmem>>) semaphore(%arg13 : memref<!tpu.dma_semaphore, #tpu.memory_space<semaphore_mem>>) {add = true}
      %dma_wait3A_135 = arith.constant 0 : i32
      %dma_wait3A_136 = arith.constant 0 : i32
      %dma_wait3A_137 = tpu.memref_slice %arg8[%dma_wait3A_135, %dma_wait3A_136] : memref<40x125xi32, #tpu.memory_space<vmem>> -> memref<1x125xi32, #tpu.memory_space<vmem>>
      %dma_wait3A_138 = tpu.memref_squeeze %dma_wait3A_137 : memref<1x125xi32, #tpu.memory_space<vmem>> -> memref<125xi32, #tpu.memory_space<vmem>>
      %dma_wait3A_139 = arith.constant 0 : i32
      %dma_wait3A_140 = arith.constant 0 : i32
      %dma_wait3A_141 = tpu.memref_slice %arg11[%dma_wait3A_139, %dma_wait3A_140] : memref<5120x64xf32, #tpu.memory_space<vmem_shared>> -> memref<5120x64xf32, #tpu.memory_space<vmem_shared>>
      tpu.wait_indirect_dma semaphore(%arg13 : memref<!tpu.dma_semaphore, #tpu.memory_space<semaphore_mem>>) src(%arg10 : memref<125x64xf32, #tpu.memory_space<vmem>>) dst(%dma_wait3A_141 : memref<5120x64xf32, #tpu.memory_space<vmem_shared>>)
      %add3A_142 = arith.constant 2 : i32
      %add3A_143 = arith.addi %add3A_121, %add3A_142 : i32
      %sub3A_144 = arith.constant 1 : i32
      %sub3A_145 = arith.subi %add3A_143, %sub3A_144 : i32
      %min3A_146 = arith.constant 39 : i32
      %min3A_147 = arith.minsi %sub3A_145, %min3A_146 : i32
      %dma_start3A_148 = arith.constant 0 : i32
      %dma_start3A_149 = tpu.memref_slice %arg7[%min3A_147, %dma_start3A_148] : memref<40x125xi32, #tpu.memory_space<vmem>> -> memref<1x125xi32, #tpu.memory_space<vmem>>
      %dma_start3A_150 = tpu.memref_squeeze %dma_start3A_149 : memref<1x125xi32, #tpu.memory_space<vmem>> -> memref<125xi32, #tpu.memory_space<vmem>>
      %dma_start3A_151 = arith.constant 0 : i32
      %dma_start3A_152 = arith.constant 0 : i32
      %dma_start3A_153 = tpu.memref_slice %arg2[%dma_start3A_151, %dma_start3A_152] : memref<5000x64xf32, #tpu.memory_space<hbm>> -> memref<5000x64xf32, #tpu.memory_space<hbm>>
      tpu.enqueue_indirect_dma source(%dma_start3A_153 : memref<5000x64xf32, #tpu.memory_space<hbm>>) target(%arg9 : memref<125x64xf32, #tpu.memory_space<vmem>>) offsets(%dma_start3A_150 : memref<125xi32, #tpu.memory_space<vmem>>) semaphore(%arg12 : memref<!tpu.dma_semaphore, #tpu.memory_space<semaphore_mem>>)
    }
    %scan3A_64 = arith.constant 19 : i32
    %dma_wait3A_65 = arith.constant 0 : i32
    %dma_wait3A_66 = arith.constant 0 : i32
    %dma_wait3A_67 = tpu.memref_slice %arg7[%dma_wait3A_65, %dma_wait3A_66] : memref<40x125xi32, #tpu.memory_space<vmem>> -> memref<1x125xi32, #tpu.memory_space<vmem>>
    %dma_wait3A_68 = tpu.memref_squeeze %dma_wait3A_67 : memref<1x125xi32, #tpu.memory_space<vmem>> -> memref<125xi32, #tpu.memory_space<vmem>>
    %dma_wait3A_69 = arith.constant 0 : i32
    %dma_wait3A_70 = arith.constant 0 : i32
    %dma_wait3A_71 = tpu.memref_slice %arg2[%dma_wait3A_69, %dma_wait3A_70] : memref<5000x64xf32, #tpu.memory_space<hbm>> -> memref<5000x64xf32, #tpu.memory_space<hbm>>
    tpu.wait_indirect_dma semaphore(%arg12 : memref<!tpu.dma_semaphore, #tpu.memory_space<semaphore_mem>>) src(%dma_wait3A_71 : memref<5000x64xf32, #tpu.memory_space<hbm>>) dst(%arg9 : memref<125x64xf32, #tpu.memory_space<vmem>>)
    %dma_wait3A_72 = arith.constant 0 : i32
    %dma_wait3A_73 = arith.constant 0 : i32
    %dma_wait3A_74 = tpu.memref_slice %arg8[%dma_wait3A_72, %dma_wait3A_73] : memref<40x125xi32, #tpu.memory_space<vmem>> -> memref<1x125xi32, #tpu.memory_space<vmem>>
    %dma_wait3A_75 = tpu.memref_squeeze %dma_wait3A_74 : memref<1x125xi32, #tpu.memory_space<vmem>> -> memref<125xi32, #tpu.memory_space<vmem>>
    %dma_wait3A_76 = arith.constant 0 : i32
    %dma_wait3A_77 = arith.constant 0 : i32
    %dma_wait3A_78 = tpu.memref_slice %arg11[%dma_wait3A_76, %dma_wait3A_77] : memref<5120x64xf32, #tpu.memory_space<vmem_shared>> -> memref<5120x64xf32, #tpu.memory_space<vmem_shared>>
    tpu.wait_indirect_dma semaphore(%arg13 : memref<!tpu.dma_semaphore, #tpu.memory_space<semaphore_mem>>) src(%arg9 : memref<125x64xf32, #tpu.memory_space<vmem>>) dst(%dma_wait3A_78 : memref<5120x64xf32, #tpu.memory_space<vmem_shared>>)
    %barrier3A_79 = arith.constant 0 : index
    tpu.barrier barrier_id(%barrier3A_79)
    %mul3A_80 = arith.constant 320 : i32
    %mul3A_81 = arith.muli %arg1, %mul3A_80 : i32
    %mul3A_82 = arith.constant 320 : i32
    %mul3A_83 = arith.muli %arg1, %mul3A_82 : i32
    "tpu.region"() ({
      %run_scoped3A = tpu.sem_alloc : memref<!tpu.dma_semaphore, #tpu.memory_space<semaphore_mem>>
      %dma_start3A_84 = arith.constant 0 : i32
      %dma_start3A_85 = tpu.memref_slice %arg6[%arg0, %mul3A_83, %dma_start3A_84] : memref<2x5120x64xf32, #tpu.memory_space<hbm>> -> memref<1x320x64xf32, #tpu.memory_space<hbm>>
      %dma_start3A_86 = tpu.memref_squeeze %dma_start3A_85 : memref<1x320x64xf32, #tpu.memory_space<hbm>> -> memref<320x64xf32, #tpu.memory_space<hbm>>
      %dma_start3A_87 = arith.constant 0 : i32
      %dma_start3A_88 = tpu.memref_slice %arg11[%mul3A_81, %dma_start3A_87] : memref<5120x64xf32, #tpu.memory_space<vmem_shared>> -> memref<320x64xf32, #tpu.memory_space<vmem_shared>>
      tpu.enqueue_dma source(%dma_start3A_88 : memref<320x64xf32, #tpu.memory_space<vmem_shared>>) target(%dma_start3A_86 : memref<320x64xf32, #tpu.memory_space<hbm>>) target_semaphore(%run_scoped3A : memref<!tpu.dma_semaphore, #tpu.memory_space<semaphore_mem>>)
      %dma_wait3A_89 = arith.constant 0 : i32
      %dma_wait3A_90 = tpu.memref_slice %arg6[%arg0, %mul3A_83, %dma_wait3A_89] : memref<2x5120x64xf32, #tpu.memory_space<hbm>> -> memref<1x320x64xf32, #tpu.memory_space<hbm>>
      %dma_wait3A_91 = tpu.memref_squeeze %dma_wait3A_90 : memref<1x320x64xf32, #tpu.memory_space<hbm>> -> memref<320x64xf32, #tpu.memory_space<hbm>>
      %dma_wait3A_92 = arith.constant 0 : i32
      %dma_wait3A_93 = tpu.memref_slice %arg11[%mul3A_81, %dma_wait3A_92] : memref<5120x64xf32, #tpu.memory_space<vmem_shared>> -> memref<320x64xf32, #tpu.memory_space<vmem_shared>>
      tpu.wait_dma2 semaphore(%run_scoped3A : memref<!tpu.dma_semaphore, #tpu.memory_space<semaphore_mem>>) src(%dma_wait3A_93 : memref<320x64xf32, #tpu.memory_space<vmem_shared>>) dst(%dma_wait3A_91 : memref<320x64xf32, #tpu.memory_space<hbm>>)
      tpu.yield
    }) : () -> ()
    return
  }
}

#map = affine_map<(d0, d1) -> (0, 0)>
#map1 = affine_map<(d0, d1) -> (0, 0, 0)>
module attributes {stable_mosaic.version = 14 : i64} {
  func.func @segsum(%arg0: i32, %arg1: i32, %arg2: memref<10000x128xf32, #tpu.memory_space<hbm>>, %arg3: memref<32x100x100xi32, #tpu.memory_space<hbm>>, %arg4: memref<32x100x100xi32, #tpu.memory_space<hbm>>, %arg5: memref<632x128xf32, #tpu.memory_space<hbm>>, %arg6: memref<2x10112x128xf32, #tpu.memory_space<hbm>>, %arg7: memref<100x100xi32, #tpu.memory_space<vmem>>, %arg8: memref<100x100xi32, #tpu.memory_space<vmem>>, %arg9: memref<100x128xf32, #tpu.memory_space<vmem>>, %arg10: memref<100x128xf32, #tpu.memory_space<vmem>>, %arg11: memref<10112x128xf32, #tpu.memory_space<vmem_shared>>, %arg12: memref<!tpu.dma_semaphore, #tpu.memory_space<semaphore_mem>>, %arg13: memref<!tpu.dma_semaphore, #tpu.memory_space<semaphore_mem>>) attributes {dimension_semantics = [#tpu.dimension_semantics<core_parallel>, #tpu.dimension_semantics<subcore_parallel>], iteration_bounds = array<i64: 2, 16>, scalar_prefetch = 0 : i64, scratch_operands = 7 : i64, tpu.core_type = #tpu.core_type<sc_vector_subcore>, window_params = [{transform_indices = #map}, {transform_indices = #map1}, {transform_indices = #map1}, {transform_indices = #map}, {transform_indices = #map1}]} {
    %mul3A = arith.constant 16 : i32
    %mul3A_0 = arith.muli %arg0, %mul3A : i32
    %add3A = arith.addi %mul3A_0, %arg1 : i32
    "tpu.region"() ({
      %run_scoped3A = tpu.sem_alloc : memref<!tpu.dma_semaphore, #tpu.memory_space<semaphore_mem>>
      %dma_start3A_84 = arith.constant 0 : i32
      %dma_start3A_85 = arith.constant 0 : i32
      %dma_start3A_86 = tpu.memref_slice %arg3[%add3A, %dma_start3A_84, %dma_start3A_85] : memref<32x100x100xi32, #tpu.memory_space<hbm>> -> memref<1x100x100xi32, #tpu.memory_space<hbm>>
      %dma_start3A_87 = tpu.memref_squeeze %dma_start3A_86 : memref<1x100x100xi32, #tpu.memory_space<hbm>> -> memref<100x100xi32, #tpu.memory_space<hbm>>
      %dma_start3A_88 = arith.constant 0 : i32
      %dma_start3A_89 = arith.constant 0 : i32
      %dma_start3A_90 = tpu.memref_slice %arg3[%add3A, %dma_start3A_88, %dma_start3A_89] : memref<32x100x100xi32, #tpu.memory_space<hbm>> -> memref<1x100x100xi32, #tpu.memory_space<hbm>>
      %dma_start3A_91 = tpu.memref_squeeze %dma_start3A_90 : memref<1x100x100xi32, #tpu.memory_space<hbm>> -> memref<100x100xi32, #tpu.memory_space<hbm>>
      tpu.enqueue_dma source(%dma_start3A_91 : memref<100x100xi32, #tpu.memory_space<hbm>>) target(%arg7 : memref<100x100xi32, #tpu.memory_space<vmem>>) target_semaphore(%run_scoped3A : memref<!tpu.dma_semaphore, #tpu.memory_space<semaphore_mem>>)
      %dma_wait3A_92 = arith.constant 0 : i32
      %dma_wait3A_93 = arith.constant 0 : i32
      %dma_wait3A_94 = tpu.memref_slice %arg3[%add3A, %dma_wait3A_92, %dma_wait3A_93] : memref<32x100x100xi32, #tpu.memory_space<hbm>> -> memref<1x100x100xi32, #tpu.memory_space<hbm>>
      %dma_wait3A_95 = tpu.memref_squeeze %dma_wait3A_94 : memref<1x100x100xi32, #tpu.memory_space<hbm>> -> memref<100x100xi32, #tpu.memory_space<hbm>>
      %dma_wait3A_96 = arith.constant 0 : i32
      %dma_wait3A_97 = arith.constant 0 : i32
      %dma_wait3A_98 = tpu.memref_slice %arg3[%add3A, %dma_wait3A_96, %dma_wait3A_97] : memref<32x100x100xi32, #tpu.memory_space<hbm>> -> memref<1x100x100xi32, #tpu.memory_space<hbm>>
      %dma_wait3A_99 = tpu.memref_squeeze %dma_wait3A_98 : memref<1x100x100xi32, #tpu.memory_space<hbm>> -> memref<100x100xi32, #tpu.memory_space<hbm>>
      tpu.wait_dma2 semaphore(%run_scoped3A : memref<!tpu.dma_semaphore, #tpu.memory_space<semaphore_mem>>) src(%dma_wait3A_99 : memref<100x100xi32, #tpu.memory_space<hbm>>) dst(%arg7 : memref<100x100xi32, #tpu.memory_space<vmem>>)
      tpu.yield
    }) : () -> ()
    "tpu.region"() ({
      %run_scoped3A = tpu.sem_alloc : memref<!tpu.dma_semaphore, #tpu.memory_space<semaphore_mem>>
      %dma_start3A_84 = arith.constant 0 : i32
      %dma_start3A_85 = arith.constant 0 : i32
      %dma_start3A_86 = tpu.memref_slice %arg4[%add3A, %dma_start3A_84, %dma_start3A_85] : memref<32x100x100xi32, #tpu.memory_space<hbm>> -> memref<1x100x100xi32, #tpu.memory_space<hbm>>
      %dma_start3A_87 = tpu.memref_squeeze %dma_start3A_86 : memref<1x100x100xi32, #tpu.memory_space<hbm>> -> memref<100x100xi32, #tpu.memory_space<hbm>>
      %dma_start3A_88 = arith.constant 0 : i32
      %dma_start3A_89 = arith.constant 0 : i32
      %dma_start3A_90 = tpu.memref_slice %arg4[%add3A, %dma_start3A_88, %dma_start3A_89] : memref<32x100x100xi32, #tpu.memory_space<hbm>> -> memref<1x100x100xi32, #tpu.memory_space<hbm>>
      %dma_start3A_91 = tpu.memref_squeeze %dma_start3A_90 : memref<1x100x100xi32, #tpu.memory_space<hbm>> -> memref<100x100xi32, #tpu.memory_space<hbm>>
      tpu.enqueue_dma source(%dma_start3A_91 : memref<100x100xi32, #tpu.memory_space<hbm>>) target(%arg8 : memref<100x100xi32, #tpu.memory_space<vmem>>) target_semaphore(%run_scoped3A : memref<!tpu.dma_semaphore, #tpu.memory_space<semaphore_mem>>)
      %dma_wait3A_92 = arith.constant 0 : i32
      %dma_wait3A_93 = arith.constant 0 : i32
      %dma_wait3A_94 = tpu.memref_slice %arg4[%add3A, %dma_wait3A_92, %dma_wait3A_93] : memref<32x100x100xi32, #tpu.memory_space<hbm>> -> memref<1x100x100xi32, #tpu.memory_space<hbm>>
      %dma_wait3A_95 = tpu.memref_squeeze %dma_wait3A_94 : memref<1x100x100xi32, #tpu.memory_space<hbm>> -> memref<100x100xi32, #tpu.memory_space<hbm>>
      %dma_wait3A_96 = arith.constant 0 : i32
      %dma_wait3A_97 = arith.constant 0 : i32
      %dma_wait3A_98 = tpu.memref_slice %arg4[%add3A, %dma_wait3A_96, %dma_wait3A_97] : memref<32x100x100xi32, #tpu.memory_space<hbm>> -> memref<1x100x100xi32, #tpu.memory_space<hbm>>
      %dma_wait3A_99 = tpu.memref_squeeze %dma_wait3A_98 : memref<1x100x100xi32, #tpu.memory_space<hbm>> -> memref<100x100xi32, #tpu.memory_space<hbm>>
      tpu.wait_dma2 semaphore(%run_scoped3A : memref<!tpu.dma_semaphore, #tpu.memory_space<semaphore_mem>>) src(%dma_wait3A_99 : memref<100x100xi32, #tpu.memory_space<hbm>>) dst(%arg8 : memref<100x100xi32, #tpu.memory_space<vmem>>)
      tpu.yield
    }) : () -> ()
    %mul3A_1 = arith.constant 632 : i32
    %mul3A_2 = arith.muli %arg1, %mul3A_1 : i32
    "tpu.region"() ({
      %run_scoped3A = tpu.sem_alloc : memref<!tpu.dma_semaphore, #tpu.memory_space<semaphore_mem>>
      %dma_start3A_84 = arith.constant 0 : i32
      %dma_start3A_85 = tpu.memref_slice %arg11[%mul3A_2, %dma_start3A_84] : memref<10112x128xf32, #tpu.memory_space<vmem_shared>> -> memref<632x128xf32, #tpu.memory_space<vmem_shared>>
      tpu.enqueue_dma source(%arg5 : memref<632x128xf32, #tpu.memory_space<hbm>>) target(%dma_start3A_85 : memref<632x128xf32, #tpu.memory_space<vmem_shared>>) target_semaphore(%run_scoped3A : memref<!tpu.dma_semaphore, #tpu.memory_space<semaphore_mem>>)
      %dma_wait3A_86 = arith.constant 0 : i32
      %dma_wait3A_87 = tpu.memref_slice %arg11[%mul3A_2, %dma_wait3A_86] : memref<10112x128xf32, #tpu.memory_space<vmem_shared>> -> memref<632x128xf32, #tpu.memory_space<vmem_shared>>
      tpu.wait_dma2 semaphore(%run_scoped3A : memref<!tpu.dma_semaphore, #tpu.memory_space<semaphore_mem>>) src(%arg5 : memref<632x128xf32, #tpu.memory_space<hbm>>) dst(%dma_wait3A_87 : memref<632x128xf32, #tpu.memory_space<vmem_shared>>)
      tpu.yield
    }) : () -> ()
    %barrier3A = arith.constant 0 : index
    tpu.barrier barrier_id(%barrier3A)
    %dma_start3A = arith.constant 0 : i32
    %dma_start3A_3 = arith.constant 0 : i32
    %dma_start3A_4 = tpu.memref_slice %arg7[%dma_start3A, %dma_start3A_3] : memref<100x100xi32, #tpu.memory_space<vmem>> -> memref<1x100xi32, #tpu.memory_space<vmem>>
    %dma_start3A_5 = tpu.memref_squeeze %dma_start3A_4 : memref<1x100xi32, #tpu.memory_space<vmem>> -> memref<100xi32, #tpu.memory_space<vmem>>
    %dma_start3A_6 = arith.constant 0 : i32
    %dma_start3A_7 = arith.constant 0 : i32
    %dma_start3A_8 = tpu.memref_slice %arg2[%dma_start3A_6, %dma_start3A_7] : memref<10000x128xf32, #tpu.memory_space<hbm>> -> memref<10000x128xf32, #tpu.memory_space<hbm>>
    tpu.enqueue_indirect_dma source(%dma_start3A_8 : memref<10000x128xf32, #tpu.memory_space<hbm>>) target(%arg9 : memref<100x128xf32, #tpu.memory_space<vmem>>) offsets(%dma_start3A_5 : memref<100xi32, #tpu.memory_space<vmem>>) semaphore(%arg12 : memref<!tpu.dma_semaphore, #tpu.memory_space<semaphore_mem>>)
    %dma_wait3A = arith.constant 0 : i32
    %dma_wait3A_9 = arith.constant 0 : i32
    %dma_wait3A_10 = tpu.memref_slice %arg7[%dma_wait3A, %dma_wait3A_9] : memref<100x100xi32, #tpu.memory_space<vmem>> -> memref<1x100xi32, #tpu.memory_space<vmem>>
    %dma_wait3A_11 = tpu.memref_squeeze %dma_wait3A_10 : memref<1x100xi32, #tpu.memory_space<vmem>> -> memref<100xi32, #tpu.memory_space<vmem>>
    %dma_wait3A_12 = arith.constant 0 : i32
    %dma_wait3A_13 = arith.constant 0 : i32
    %dma_wait3A_14 = tpu.memref_slice %arg2[%dma_wait3A_12, %dma_wait3A_13] : memref<10000x128xf32, #tpu.memory_space<hbm>> -> memref<10000x128xf32, #tpu.memory_space<hbm>>
    tpu.wait_indirect_dma semaphore(%arg12 : memref<!tpu.dma_semaphore, #tpu.memory_space<semaphore_mem>>) src(%dma_wait3A_14 : memref<10000x128xf32, #tpu.memory_space<hbm>>) dst(%arg9 : memref<100x128xf32, #tpu.memory_space<vmem>>)
    %dma_start3A_15 = arith.constant 0 : i32
    %dma_start3A_16 = arith.constant 0 : i32
    %dma_start3A_17 = tpu.memref_slice %arg8[%dma_start3A_15, %dma_start3A_16] : memref<100x100xi32, #tpu.memory_space<vmem>> -> memref<1x100xi32, #tpu.memory_space<vmem>>
    %dma_start3A_18 = tpu.memref_squeeze %dma_start3A_17 : memref<1x100xi32, #tpu.memory_space<vmem>> -> memref<100xi32, #tpu.memory_space<vmem>>
    %dma_start3A_19 = arith.constant 0 : i32
    %dma_start3A_20 = arith.constant 0 : i32
    %dma_start3A_21 = tpu.memref_slice %arg11[%dma_start3A_19, %dma_start3A_20] : memref<10112x128xf32, #tpu.memory_space<vmem_shared>> -> memref<10112x128xf32, #tpu.memory_space<vmem_shared>>
    tpu.enqueue_indirect_dma source(%arg9 : memref<100x128xf32, #tpu.memory_space<vmem>>) target(%dma_start3A_21 : memref<10112x128xf32, #tpu.memory_space<vmem_shared>>) offsets(%dma_start3A_18 : memref<100xi32, #tpu.memory_space<vmem>>) semaphore(%arg13 : memref<!tpu.dma_semaphore, #tpu.memory_space<semaphore_mem>>) {add = true}
    %min3A = arith.constant 1 : i32
    %min3A_22 = arith.constant 99 : i32
    %min3A_23 = arith.minsi %min3A, %min3A_22 : i32
    %dma_start3A_24 = arith.constant 0 : i32
    %dma_start3A_25 = tpu.memref_slice %arg7[%min3A_23, %dma_start3A_24] : memref<100x100xi32, #tpu.memory_space<vmem>> -> memref<1x100xi32, #tpu.memory_space<vmem>>
    %dma_start3A_26 = tpu.memref_squeeze %dma_start3A_25 : memref<1x100xi32, #tpu.memory_space<vmem>> -> memref<100xi32, #tpu.memory_space<vmem>>
    %dma_start3A_27 = arith.constant 0 : i32
    %dma_start3A_28 = arith.constant 0 : i32
    %dma_start3A_29 = tpu.memref_slice %arg2[%dma_start3A_27, %dma_start3A_28] : memref<10000x128xf32, #tpu.memory_space<hbm>> -> memref<10000x128xf32, #tpu.memory_space<hbm>>
    tpu.enqueue_indirect_dma source(%dma_start3A_29 : memref<10000x128xf32, #tpu.memory_space<hbm>>) target(%arg10 : memref<100x128xf32, #tpu.memory_space<vmem>>) offsets(%dma_start3A_26 : memref<100xi32, #tpu.memory_space<vmem>>) semaphore(%arg12 : memref<!tpu.dma_semaphore, #tpu.memory_space<semaphore_mem>>)
    %dma_wait3A_30 = arith.constant 0 : i32
    %dma_wait3A_31 = arith.constant 0 : i32
    %dma_wait3A_32 = tpu.memref_slice %arg7[%dma_wait3A_30, %dma_wait3A_31] : memref<100x100xi32, #tpu.memory_space<vmem>> -> memref<1x100xi32, #tpu.memory_space<vmem>>
    %dma_wait3A_33 = tpu.memref_squeeze %dma_wait3A_32 : memref<1x100xi32, #tpu.memory_space<vmem>> -> memref<100xi32, #tpu.memory_space<vmem>>
    %dma_wait3A_34 = arith.constant 0 : i32
    %dma_wait3A_35 = arith.constant 0 : i32
    %dma_wait3A_36 = tpu.memref_slice %arg2[%dma_wait3A_34, %dma_wait3A_35] : memref<10000x128xf32, #tpu.memory_space<hbm>> -> memref<10000x128xf32, #tpu.memory_space<hbm>>
    tpu.wait_indirect_dma semaphore(%arg12 : memref<!tpu.dma_semaphore, #tpu.memory_space<semaphore_mem>>) src(%dma_wait3A_36 : memref<10000x128xf32, #tpu.memory_space<hbm>>) dst(%arg10 : memref<100x128xf32, #tpu.memory_space<vmem>>)
    %dma_start3A_37 = arith.constant 1 : i32
    %dma_start3A_38 = arith.constant 0 : i32
    %dma_start3A_39 = tpu.memref_slice %arg8[%dma_start3A_37, %dma_start3A_38] : memref<100x100xi32, #tpu.memory_space<vmem>> -> memref<1x100xi32, #tpu.memory_space<vmem>>
    %dma_start3A_40 = tpu.memref_squeeze %dma_start3A_39 : memref<1x100xi32, #tpu.memory_space<vmem>> -> memref<100xi32, #tpu.memory_space<vmem>>
    %dma_start3A_41 = arith.constant 0 : i32
    %dma_start3A_42 = arith.constant 0 : i32
    %dma_start3A_43 = tpu.memref_slice %arg11[%dma_start3A_41, %dma_start3A_42] : memref<10112x128xf32, #tpu.memory_space<vmem_shared>> -> memref<10112x128xf32, #tpu.memory_space<vmem_shared>>
    tpu.enqueue_indirect_dma source(%arg10 : memref<100x128xf32, #tpu.memory_space<vmem>>) target(%dma_start3A_43 : memref<10112x128xf32, #tpu.memory_space<vmem_shared>>) offsets(%dma_start3A_40 : memref<100xi32, #tpu.memory_space<vmem>>) semaphore(%arg13 : memref<!tpu.dma_semaphore, #tpu.memory_space<semaphore_mem>>) {add = true}
    %dma_wait3A_44 = arith.constant 0 : i32
    %dma_wait3A_45 = arith.constant 0 : i32
    %dma_wait3A_46 = tpu.memref_slice %arg8[%dma_wait3A_44, %dma_wait3A_45] : memref<100x100xi32, #tpu.memory_space<vmem>> -> memref<1x100xi32, #tpu.memory_space<vmem>>
    %dma_wait3A_47 = tpu.memref_squeeze %dma_wait3A_46 : memref<1x100xi32, #tpu.memory_space<vmem>> -> memref<100xi32, #tpu.memory_space<vmem>>
    %dma_wait3A_48 = arith.constant 0 : i32
    %dma_wait3A_49 = arith.constant 0 : i32
    %dma_wait3A_50 = tpu.memref_slice %arg11[%dma_wait3A_48, %dma_wait3A_49] : memref<10112x128xf32, #tpu.memory_space<vmem_shared>> -> memref<10112x128xf32, #tpu.memory_space<vmem_shared>>
    tpu.wait_indirect_dma semaphore(%arg13 : memref<!tpu.dma_semaphore, #tpu.memory_space<semaphore_mem>>) src(%arg10 : memref<100x128xf32, #tpu.memory_space<vmem>>) dst(%dma_wait3A_50 : memref<10112x128xf32, #tpu.memory_space<vmem_shared>>)
    %min3A_51 = arith.constant 2 : i32
    %min3A_52 = arith.constant 99 : i32
    %min3A_53 = arith.minsi %min3A_51, %min3A_52 : i32
    %dma_start3A_54 = arith.constant 0 : i32
    %dma_start3A_55 = tpu.memref_slice %arg7[%min3A_53, %dma_start3A_54] : memref<100x100xi32, #tpu.memory_space<vmem>> -> memref<1x100xi32, #tpu.memory_space<vmem>>
    %dma_start3A_56 = tpu.memref_squeeze %dma_start3A_55 : memref<1x100xi32, #tpu.memory_space<vmem>> -> memref<100xi32, #tpu.memory_space<vmem>>
    %dma_start3A_57 = arith.constant 0 : i32
    %dma_start3A_58 = arith.constant 0 : i32
    %dma_start3A_59 = tpu.memref_slice %arg2[%dma_start3A_57, %dma_start3A_58] : memref<10000x128xf32, #tpu.memory_space<hbm>> -> memref<10000x128xf32, #tpu.memory_space<hbm>>
    tpu.enqueue_indirect_dma source(%dma_start3A_59 : memref<10000x128xf32, #tpu.memory_space<hbm>>) target(%arg9 : memref<100x128xf32, #tpu.memory_space<vmem>>) offsets(%dma_start3A_56 : memref<100xi32, #tpu.memory_space<vmem>>) semaphore(%arg12 : memref<!tpu.dma_semaphore, #tpu.memory_space<semaphore_mem>>)
    %scan3A = arith.constant 0 : i32
    %scan3A_60 = arith.constant 1 : i32
    %scan3A_61 = arith.constant 49 : i32
    %scan3A_62 = arith.addi %scan3A_60, %scan3A_61 : i32
    %scan3A_63 = arith.constant 1 : i32
    scf.for %scan3A_84 = %scan3A_60 to %scan3A_62 step %scan3A_63  : i32 {
      %mul3A_85 = arith.constant 2 : i32
      %mul3A_86 = arith.muli %scan3A_84, %mul3A_85 : i32
      %add3A_87 = arith.constant 0 : i32
      %add3A_88 = arith.addi %mul3A_86, %add3A_87 : i32
      %dma_wait3A_89 = arith.constant 0 : i32
      %dma_wait3A_90 = arith.constant 0 : i32
      %dma_wait3A_91 = tpu.memref_slice %arg7[%dma_wait3A_89, %dma_wait3A_90] : memref<100x100xi32, #tpu.memory_space<vmem>> -> memref<1x100xi32, #tpu.memory_space<vmem>>
      %dma_wait3A_92 = tpu.memref_squeeze %dma_wait3A_91 : memref<1x100xi32, #tpu.memory_space<vmem>> -> memref<100xi32, #tpu.memory_space<vmem>>
      %dma_wait3A_93 = arith.constant 0 : i32
      %dma_wait3A_94 = arith.constant 0 : i32
      %dma_wait3A_95 = tpu.memref_slice %arg2[%dma_wait3A_93, %dma_wait3A_94] : memref<10000x128xf32, #tpu.memory_space<hbm>> -> memref<10000x128xf32, #tpu.memory_space<hbm>>
      tpu.wait_indirect_dma semaphore(%arg12 : memref<!tpu.dma_semaphore, #tpu.memory_space<semaphore_mem>>) src(%dma_wait3A_95 : memref<10000x128xf32, #tpu.memory_space<hbm>>) dst(%arg9 : memref<100x128xf32, #tpu.memory_space<vmem>>)
      %dma_start3A_96 = arith.constant 0 : i32
      %dma_start3A_97 = tpu.memref_slice %arg8[%add3A_88, %dma_start3A_96] : memref<100x100xi32, #tpu.memory_space<vmem>> -> memref<1x100xi32, #tpu.memory_space<vmem>>
      %dma_start3A_98 = tpu.memref_squeeze %dma_start3A_97 : memref<1x100xi32, #tpu.memory_space<vmem>> -> memref<100xi32, #tpu.memory_space<vmem>>
      %dma_start3A_99 = arith.constant 0 : i32
      %dma_start3A_100 = arith.constant 0 : i32
      %dma_start3A_101 = tpu.memref_slice %arg11[%dma_start3A_99, %dma_start3A_100] : memref<10112x128xf32, #tpu.memory_space<vmem_shared>> -> memref<10112x128xf32, #tpu.memory_space<vmem_shared>>
      tpu.enqueue_indirect_dma source(%arg9 : memref<100x128xf32, #tpu.memory_space<vmem>>) target(%dma_start3A_101 : memref<10112x128xf32, #tpu.memory_space<vmem_shared>>) offsets(%dma_start3A_98 : memref<100xi32, #tpu.memory_space<vmem>>) semaphore(%arg13 : memref<!tpu.dma_semaphore, #tpu.memory_space<semaphore_mem>>) {add = true}
      %dma_wait3A_102 = arith.constant 0 : i32
      %dma_wait3A_103 = arith.constant 0 : i32
      %dma_wait3A_104 = tpu.memref_slice %arg8[%dma_wait3A_102, %dma_wait3A_103] : memref<100x100xi32, #tpu.memory_space<vmem>> -> memref<1x100xi32, #tpu.memory_space<vmem>>
      %dma_wait3A_105 = tpu.memref_squeeze %dma_wait3A_104 : memref<1x100xi32, #tpu.memory_space<vmem>> -> memref<100xi32, #tpu.memory_space<vmem>>
      %dma_wait3A_106 = arith.constant 0 : i32
      %dma_wait3A_107 = arith.constant 0 : i32
      %dma_wait3A_108 = tpu.memref_slice %arg11[%dma_wait3A_106, %dma_wait3A_107] : memref<10112x128xf32, #tpu.memory_space<vmem_shared>> -> memref<10112x128xf32, #tpu.memory_space<vmem_shared>>
      tpu.wait_indirect_dma semaphore(%arg13 : memref<!tpu.dma_semaphore, #tpu.memory_space<semaphore_mem>>) src(%arg9 : memref<100x128xf32, #tpu.memory_space<vmem>>) dst(%dma_wait3A_108 : memref<10112x128xf32, #tpu.memory_space<vmem_shared>>)
      %add3A_109 = arith.constant 2 : i32
      %add3A_110 = arith.addi %add3A_88, %add3A_109 : i32
      %sub3A = arith.constant 1 : i32
      %sub3A_111 = arith.subi %add3A_110, %sub3A : i32
      %min3A_112 = arith.constant 99 : i32
      %min3A_113 = arith.minsi %sub3A_111, %min3A_112 : i32
      %dma_start3A_114 = arith.constant 0 : i32
      %dma_start3A_115 = tpu.memref_slice %arg7[%min3A_113, %dma_start3A_114] : memref<100x100xi32, #tpu.memory_space<vmem>> -> memref<1x100xi32, #tpu.memory_space<vmem>>
      %dma_start3A_116 = tpu.memref_squeeze %dma_start3A_115 : memref<1x100xi32, #tpu.memory_space<vmem>> -> memref<100xi32, #tpu.memory_space<vmem>>
      %dma_start3A_117 = arith.constant 0 : i32
      %dma_start3A_118 = arith.constant 0 : i32
      %dma_start3A_119 = tpu.memref_slice %arg2[%dma_start3A_117, %dma_start3A_118] : memref<10000x128xf32, #tpu.memory_space<hbm>> -> memref<10000x128xf32, #tpu.memory_space<hbm>>
      tpu.enqueue_indirect_dma source(%dma_start3A_119 : memref<10000x128xf32, #tpu.memory_space<hbm>>) target(%arg10 : memref<100x128xf32, #tpu.memory_space<vmem>>) offsets(%dma_start3A_116 : memref<100xi32, #tpu.memory_space<vmem>>) semaphore(%arg12 : memref<!tpu.dma_semaphore, #tpu.memory_space<semaphore_mem>>)
      %add3A_120 = arith.constant 1 : i32
      %add3A_121 = arith.addi %mul3A_86, %add3A_120 : i32
      %dma_wait3A_122 = arith.constant 0 : i32
      %dma_wait3A_123 = arith.constant 0 : i32
      %dma_wait3A_124 = tpu.memref_slice %arg7[%dma_wait3A_122, %dma_wait3A_123] : memref<100x100xi32, #tpu.memory_space<vmem>> -> memref<1x100xi32, #tpu.memory_space<vmem>>
      %dma_wait3A_125 = tpu.memref_squeeze %dma_wait3A_124 : memref<1x100xi32, #tpu.memory_space<vmem>> -> memref<100xi32, #tpu.memory_space<vmem>>
      %dma_wait3A_126 = arith.constant 0 : i32
      %dma_wait3A_127 = arith.constant 0 : i32
      %dma_wait3A_128 = tpu.memref_slice %arg2[%dma_wait3A_126, %dma_wait3A_127] : memref<10000x128xf32, #tpu.memory_space<hbm>> -> memref<10000x128xf32, #tpu.memory_space<hbm>>
      tpu.wait_indirect_dma semaphore(%arg12 : memref<!tpu.dma_semaphore, #tpu.memory_space<semaphore_mem>>) src(%dma_wait3A_128 : memref<10000x128xf32, #tpu.memory_space<hbm>>) dst(%arg10 : memref<100x128xf32, #tpu.memory_space<vmem>>)
      %dma_start3A_129 = arith.constant 0 : i32
      %dma_start3A_130 = tpu.memref_slice %arg8[%add3A_121, %dma_start3A_129] : memref<100x100xi32, #tpu.memory_space<vmem>> -> memref<1x100xi32, #tpu.memory_space<vmem>>
      %dma_start3A_131 = tpu.memref_squeeze %dma_start3A_130 : memref<1x100xi32, #tpu.memory_space<vmem>> -> memref<100xi32, #tpu.memory_space<vmem>>
      %dma_start3A_132 = arith.constant 0 : i32
      %dma_start3A_133 = arith.constant 0 : i32
      %dma_start3A_134 = tpu.memref_slice %arg11[%dma_start3A_132, %dma_start3A_133] : memref<10112x128xf32, #tpu.memory_space<vmem_shared>> -> memref<10112x128xf32, #tpu.memory_space<vmem_shared>>
      tpu.enqueue_indirect_dma source(%arg10 : memref<100x128xf32, #tpu.memory_space<vmem>>) target(%dma_start3A_134 : memref<10112x128xf32, #tpu.memory_space<vmem_shared>>) offsets(%dma_start3A_131 : memref<100xi32, #tpu.memory_space<vmem>>) semaphore(%arg13 : memref<!tpu.dma_semaphore, #tpu.memory_space<semaphore_mem>>) {add = true}
      %dma_wait3A_135 = arith.constant 0 : i32
      %dma_wait3A_136 = arith.constant 0 : i32
      %dma_wait3A_137 = tpu.memref_slice %arg8[%dma_wait3A_135, %dma_wait3A_136] : memref<100x100xi32, #tpu.memory_space<vmem>> -> memref<1x100xi32, #tpu.memory_space<vmem>>
      %dma_wait3A_138 = tpu.memref_squeeze %dma_wait3A_137 : memref<1x100xi32, #tpu.memory_space<vmem>> -> memref<100xi32, #tpu.memory_space<vmem>>
      %dma_wait3A_139 = arith.constant 0 : i32
      %dma_wait3A_140 = arith.constant 0 : i32
      %dma_wait3A_141 = tpu.memref_slice %arg11[%dma_wait3A_139, %dma_wait3A_140] : memref<10112x128xf32, #tpu.memory_space<vmem_shared>> -> memref<10112x128xf32, #tpu.memory_space<vmem_shared>>
      tpu.wait_indirect_dma semaphore(%arg13 : memref<!tpu.dma_semaphore, #tpu.memory_space<semaphore_mem>>) src(%arg10 : memref<100x128xf32, #tpu.memory_space<vmem>>) dst(%dma_wait3A_141 : memref<10112x128xf32, #tpu.memory_space<vmem_shared>>)
      %add3A_142 = arith.constant 2 : i32
      %add3A_143 = arith.addi %add3A_121, %add3A_142 : i32
      %sub3A_144 = arith.constant 1 : i32
      %sub3A_145 = arith.subi %add3A_143, %sub3A_144 : i32
      %min3A_146 = arith.constant 99 : i32
      %min3A_147 = arith.minsi %sub3A_145, %min3A_146 : i32
      %dma_start3A_148 = arith.constant 0 : i32
      %dma_start3A_149 = tpu.memref_slice %arg7[%min3A_147, %dma_start3A_148] : memref<100x100xi32, #tpu.memory_space<vmem>> -> memref<1x100xi32, #tpu.memory_space<vmem>>
      %dma_start3A_150 = tpu.memref_squeeze %dma_start3A_149 : memref<1x100xi32, #tpu.memory_space<vmem>> -> memref<100xi32, #tpu.memory_space<vmem>>
      %dma_start3A_151 = arith.constant 0 : i32
      %dma_start3A_152 = arith.constant 0 : i32
      %dma_start3A_153 = tpu.memref_slice %arg2[%dma_start3A_151, %dma_start3A_152] : memref<10000x128xf32, #tpu.memory_space<hbm>> -> memref<10000x128xf32, #tpu.memory_space<hbm>>
      tpu.enqueue_indirect_dma source(%dma_start3A_153 : memref<10000x128xf32, #tpu.memory_space<hbm>>) target(%arg9 : memref<100x128xf32, #tpu.memory_space<vmem>>) offsets(%dma_start3A_150 : memref<100xi32, #tpu.memory_space<vmem>>) semaphore(%arg12 : memref<!tpu.dma_semaphore, #tpu.memory_space<semaphore_mem>>)
    }
    %scan3A_64 = arith.constant 49 : i32
    %dma_wait3A_65 = arith.constant 0 : i32
    %dma_wait3A_66 = arith.constant 0 : i32
    %dma_wait3A_67 = tpu.memref_slice %arg7[%dma_wait3A_65, %dma_wait3A_66] : memref<100x100xi32, #tpu.memory_space<vmem>> -> memref<1x100xi32, #tpu.memory_space<vmem>>
    %dma_wait3A_68 = tpu.memref_squeeze %dma_wait3A_67 : memref<1x100xi32, #tpu.memory_space<vmem>> -> memref<100xi32, #tpu.memory_space<vmem>>
    %dma_wait3A_69 = arith.constant 0 : i32
    %dma_wait3A_70 = arith.constant 0 : i32
    %dma_wait3A_71 = tpu.memref_slice %arg2[%dma_wait3A_69, %dma_wait3A_70] : memref<10000x128xf32, #tpu.memory_space<hbm>> -> memref<10000x128xf32, #tpu.memory_space<hbm>>
    tpu.wait_indirect_dma semaphore(%arg12 : memref<!tpu.dma_semaphore, #tpu.memory_space<semaphore_mem>>) src(%dma_wait3A_71 : memref<10000x128xf32, #tpu.memory_space<hbm>>) dst(%arg9 : memref<100x128xf32, #tpu.memory_space<vmem>>)
    %dma_wait3A_72 = arith.constant 0 : i32
    %dma_wait3A_73 = arith.constant 0 : i32
    %dma_wait3A_74 = tpu.memref_slice %arg8[%dma_wait3A_72, %dma_wait3A_73] : memref<100x100xi32, #tpu.memory_space<vmem>> -> memref<1x100xi32, #tpu.memory_space<vmem>>
    %dma_wait3A_75 = tpu.memref_squeeze %dma_wait3A_74 : memref<1x100xi32, #tpu.memory_space<vmem>> -> memref<100xi32, #tpu.memory_space<vmem>>
    %dma_wait3A_76 = arith.constant 0 : i32
    %dma_wait3A_77 = arith.constant 0 : i32
    %dma_wait3A_78 = tpu.memref_slice %arg11[%dma_wait3A_76, %dma_wait3A_77] : memref<10112x128xf32, #tpu.memory_space<vmem_shared>> -> memref<10112x128xf32, #tpu.memory_space<vmem_shared>>
    tpu.wait_indirect_dma semaphore(%arg13 : memref<!tpu.dma_semaphore, #tpu.memory_space<semaphore_mem>>) src(%arg9 : memref<100x128xf32, #tpu.memory_space<vmem>>) dst(%dma_wait3A_78 : memref<10112x128xf32, #tpu.memory_space<vmem_shared>>)
    %barrier3A_79 = arith.constant 0 : index
    tpu.barrier barrier_id(%barrier3A_79)
    %mul3A_80 = arith.constant 632 : i32
    %mul3A_81 = arith.muli %arg1, %mul3A_80 : i32
    %mul3A_82 = arith.constant 632 : i32
    %mul3A_83 = arith.muli %arg1, %mul3A_82 : i32
    "tpu.region"() ({
      %run_scoped3A = tpu.sem_alloc : memref<!tpu.dma_semaphore, #tpu.memory_space<semaphore_mem>>
      %dma_start3A_84 = arith.constant 0 : i32
      %dma_start3A_85 = tpu.memref_slice %arg6[%arg0, %mul3A_83, %dma_start3A_84] : memref<2x10112x128xf32, #tpu.memory_space<hbm>> -> memref<1x632x128xf32, #tpu.memory_space<hbm>>
      %dma_start3A_86 = tpu.memref_squeeze %dma_start3A_85 : memref<1x632x128xf32, #tpu.memory_space<hbm>> -> memref<632x128xf32, #tpu.memory_space<hbm>>
      %dma_start3A_87 = arith.constant 0 : i32
      %dma_start3A_88 = tpu.memref_slice %arg11[%mul3A_81, %dma_start3A_87] : memref<10112x128xf32, #tpu.memory_space<vmem_shared>> -> memref<632x128xf32, #tpu.memory_space<vmem_shared>>
      tpu.enqueue_dma source(%dma_start3A_88 : memref<632x128xf32, #tpu.memory_space<vmem_shared>>) target(%dma_start3A_86 : memref<632x128xf32, #tpu.memory_space<hbm>>) target_semaphore(%run_scoped3A : memref<!tpu.dma_semaphore, #tpu.memory_space<semaphore_mem>>)
      %dma_wait3A_89 = arith.constant 0 : i32
      %dma_wait3A_90 = tpu.memref_slice %arg6[%arg0, %mul3A_83, %dma_wait3A_89] : memref<2x10112x128xf32, #tpu.memory_space<hbm>> -> memref<1x632x128xf32, #tpu.memory_space<hbm>>
      %dma_wait3A_91 = tpu.memref_squeeze %dma_wait3A_90 : memref<1x632x128xf32, #tpu.memory_space<hbm>> -> memref<632x128xf32, #tpu.memory_space<hbm>>
      %dma_wait3A_92 = arith.constant 0 : i32
      %dma_wait3A_93 = tpu.memref_slice %arg11[%mul3A_81, %dma_wait3A_92] : memref<10112x128xf32, #tpu.memory_space<vmem_shared>> -> memref<632x128xf32, #tpu.memory_space<vmem_shared>>
      tpu.wait_dma2 semaphore(%run_scoped3A : memref<!tpu.dma_semaphore, #tpu.memory_space<semaphore_mem>>) src(%dma_wait3A_93 : memref<632x128xf32, #tpu.memory_space<vmem_shared>>) dst(%dma_wait3A_91 : memref<632x128xf32, #tpu.memory_space<hbm>>)
      tpu.yield
    }) : () -> ()
    return
  }
}

module attributes {stable_mosaic.version = 14 : i64} {
  func.func @_mm_kernel(%arg0: i32, %arg1: memref<1000x128xf32, #tpu.memory_space<vmem>>, %arg2: memref<128x128xf32, #tpu.memory_space<vmem>>, %arg3: memref<1000x128xf32, #tpu.memory_space<vmem>>) attributes {dimension_semantics = [#tpu.dimension_semantics<arbitrary>], iteration_bounds = array<i64: 5>, scalar_prefetch = 0 : i64, scratch_operands = 0 : i64, tpu.core_type = #tpu.core_type<tc>, window_params = [{transform_indices = @transform_0, window_bounds = array<i64: 1000, 128>}, {pipeline_mode = #tpu.pipeline_mode<synchronous>, transform_indices = @transform_1, window_bounds = array<i64: 128, 128>}, {transform_indices = @transform_2, window_bounds = array<i64: 1000, 128>}]} {
    %get3A = arith.constant 0 : index
    %get3A_0 = arith.constant 0 : index
    %get3A_1 = vector.load %arg1[%get3A, %get3A_0] : memref<1000x128xf32, #tpu.memory_space<vmem>>, vector<1000x128xf32>
    %get3A_2 = arith.constant 0 : index
    %get3A_3 = arith.constant 0 : index
    %get3A_4 = vector.load %arg2[%get3A_2, %get3A_3] : memref<128x128xf32, #tpu.memory_space<vmem>>, vector<128x128xf32>
    %dot_general3A = arith.constant dense<0.000000e+00> : vector<1000x128xf32>
    %dot_general3A_5 = tpu.matmul %get3A_1, %get3A_4, %dot_general3A {dimension_numbers = #tpu.dot_dimension_numbers<[1], [0], [0], [1], [0, 0, 1, 1], [], []>, transpose_lhs_hint = false} : vector<1000x128xf32>, vector<128x128xf32>, vector<1000x128xf32> -> vector<1000x128xf32>
    %swap3A = arith.constant 0 : index
    %swap3A_6 = arith.constant 0 : index
    %swap3A_7 = vector.load %arg3[%swap3A, %swap3A_6] : memref<1000x128xf32, #tpu.memory_space<vmem>>, vector<1000x128xf32>
    tpu.vector_store %arg3[%swap3A, %swap3A_6], %dot_general3A_5 {strides = array<i32>} : memref<1000x128xf32, #tpu.memory_space<vmem>>, vector<1000x128xf32>,
    return
  }
  func.func @transform_0(%arg0: i32) -> (i32, i32) {
    %c0_i32 = arith.constant 0 : i32
    %c0_i32_0 = arith.constant 0 : i32
    return %arg0, %c0_i32 : i32, i32
  }
  func.func @transform_1(%arg0: i32) -> (i32, i32) {
    %c0_i32 = arith.constant 0 : i32
    %c0_i32_0 = arith.constant 0 : i32
    %c0_i32_1 = arith.constant 0 : i32
    return %c0_i32, %c0_i32_0 : i32, i32
  }
  func.func @transform_2(%arg0: i32) -> (i32, i32) {
    %c0_i32 = arith.constant 0 : i32
    %c0_i32_0 = arith.constant 0 : i32
    return %arg0, %c0_i32 : i32, i32
  }
}

module attributes {stable_mosaic.version = 14 : i64} {
  func.func @_knn_kernel(%arg0: i32, %arg1: memref<1000x3xf32, #tpu.memory_space<vmem>>, %arg2: memref<5000x3xf32, #tpu.memory_space<vmem>>, %arg3: memref<1000x8xi32, #tpu.memory_space<vmem>>, %arg4: memref<1000x8xf32, #tpu.memory_space<vmem>>) attributes {dimension_semantics = [#tpu.dimension_semantics<arbitrary>], iteration_bounds = array<i64: 10>, scalar_prefetch = 0 : i64, scratch_operands = 0 : i64, tpu.core_type = #tpu.core_type<tc>, window_params = [{transform_indices = @transform_0, window_bounds = array<i64: 1000, 3>}, {pipeline_mode = #tpu.pipeline_mode<synchronous>, transform_indices = @transform_1, window_bounds = array<i64: 5000, 3>}, {transform_indices = @transform_2, window_bounds = array<i64: 1000, 8>}, {transform_indices = @transform_3, window_bounds = array<i64: 1000, 8>}]} {
    %get3A = arith.constant 0 : index
    %get3A_0 = arith.constant 0 : index
    %get3A_1 = vector.load %arg1[%get3A, %get3A_0] : memref<1000x3xf32, #tpu.memory_space<vmem>>, vector<1000x3xf32>
    %get3A_2 = arith.constant 0 : index
    %get3A_3 = arith.constant 0 : index
    %get3A_4 = vector.load %arg2[%get3A_2, %get3A_3] : memref<5000x3xf32, #tpu.memory_space<vmem>>, vector<5000x3xf32>
    %mul3A = arith.mulf %get3A_1, %get3A_1 : vector<1000x3xf32>
    %reduce_sum3A = arith.constant dense<0.000000e+00> : vector<1000xf32>
    %reduce_sum3A_5 = vector.multi_reduction <add>, %mul3A, %reduce_sum3A [1] : vector<1000x3xf32> to vector<1000xf32>
    %broadcast_in_dim3A = vector.shape_cast %reduce_sum3A_5 : vector<1000xf32> to vector<1000x1xf32>
    %mul3A_6 = arith.mulf %get3A_4, %get3A_4 : vector<5000x3xf32>
    %reduce_sum3A_7 = arith.constant dense<0.000000e+00> : vector<5000xf32>
    %reduce_sum3A_8 = vector.multi_reduction <add>, %mul3A_6, %reduce_sum3A_7 [1] : vector<5000x3xf32> to vector<5000xf32>
    %broadcast_in_dim3A_9 = vector.shape_cast %reduce_sum3A_8 : vector<5000xf32> to vector<1x5000xf32>
    %add3A = vector.broadcast %broadcast_in_dim3A : vector<1000x1xf32> to vector<1000x5000xf32>
    %add3A_10 = vector.broadcast %broadcast_in_dim3A_9 : vector<1x5000xf32> to vector<1000x5000xf32>
    %add3A_11 = arith.addf %add3A, %add3A_10 : vector<1000x5000xf32>
    %transpose3A = tpu.transpose %get3A_4, [1, 0] : vector<5000x3xf32> -> vector<3x5000xf32>
    %dot_general3A = arith.constant dense<0.000000e+00> : vector<1000x5000xf32>
    %dot_general3A_12 = tpu.matmul %get3A_1, %transpose3A, %dot_general3A {dimension_numbers = #tpu.dot_dimension_numbers<[1], [0], [0], [1], [0, 0, 1, 1], [], []>, transpose_lhs_hint = false} : vector<1000x3xf32>, vector<3x5000xf32>, vector<1000x5000xf32> -> vector<1000x5000xf32>
    %mul3A_13 = arith.constant 2.000000e+00 : f32
    %mul3A_14 = vector.broadcast %mul3A_13 : f32 to vector<1000x5000xf32>
    %mul3A_15 = arith.mulf %mul3A_14, %dot_general3A_12 : vector<1000x5000xf32>
    %sub3A = arith.subf %add3A_11, %mul3A_15 : vector<1000x5000xf32>
    %iota3A = tpu.iota {dimensions = array<i32: 1>} : vector<1000x5000xi32>
    %reduce_min3A = arith.constant dense<0x7F800000> : vector<1000xf32>
    %reduce_min3A_16 = vector.multi_reduction <minimumf>, %sub3A, %reduce_min3A [1] : vector<1000x5000xf32> to vector<1000xf32>
    %broadcast_in_dim3A_17 = vector.shape_cast %reduce_min3A_16 : vector<1000xf32> to vector<1000x1xf32>
    %eq3A = vector.broadcast %broadcast_in_dim3A_17 : vector<1000x1xf32> to vector<1000x5000xf32>
    %eq3A_18 = arith.cmpf oeq, %sub3A, %eq3A : vector<1000x5000xf32>
    %jit3A = arith.constant 1073741824 : i32
    %broadcast_in_dim3A_19 = vector.broadcast %jit3A : i32 to vector<1000x5000xi32>
    %select_n3A = arith.select %eq3A_18, %iota3A, %broadcast_in_dim3A_19 : vector<1000x5000xi1>, vector<1000x5000xi32>
    %reduce_min3A_20 = arith.constant dense<2147483647> : vector<1000xi32>
    %reduce_min3A_21 = vector.multi_reduction <minsi>, %select_n3A, %reduce_min3A_20 [1] : vector<1000x5000xi32> to vector<1000xi32>
    %jit3A_22 = arith.constant 1.000000e-16 : f32
    %max3A = vector.broadcast %jit3A_22 : f32 to vector<1000xf32>
    %max3A_23 = arith.maximumf %max3A, %reduce_min3A_16 : vector<1000xf32>
    %div3A = arith.constant 1.000000e+00 : f32
    %div3A_24 = vector.broadcast %div3A : f32 to vector<1000xf32>
    %div3A_25 = arith.divf %div3A_24, %max3A_23 : vector<1000xf32>
    %broadcast_in_dim3A_26 = vector.shape_cast %reduce_min3A_21 : vector<1000xi32> to vector<1000x1xi32>
    %eq3A_27 = vector.broadcast %broadcast_in_dim3A_26 : vector<1000x1xi32> to vector<1000x5000xi32>
    %eq3A_28 = arith.cmpi eq, %iota3A, %eq3A_27 : vector<1000x5000xi32>
    %jit3A_29 = arith.constant 0x7F800000 : f32
    %broadcast_in_dim3A_30 = vector.broadcast %jit3A_29 : f32 to vector<1000x5000xf32>
    %select_n3A_31 = arith.select %eq3A_28, %broadcast_in_dim3A_30, %sub3A : vector<1000x5000xi1>, vector<1000x5000xf32>
    %reduce_min3A_32 = arith.constant dense<0x7F800000> : vector<1000xf32>
    %reduce_min3A_33 = vector.multi_reduction <minimumf>, %select_n3A_31, %reduce_min3A_32 [1] : vector<1000x5000xf32> to vector<1000xf32>
    %broadcast_in_dim3A_34 = vector.shape_cast %reduce_min3A_33 : vector<1000xf32> to vector<1000x1xf32>
    %eq3A_35 = vector.broadcast %broadcast_in_dim3A_34 : vector<1000x1xf32> to vector<1000x5000xf32>
    %eq3A_36 = arith.cmpf oeq, %select_n3A_31, %eq3A_35 : vector<1000x5000xf32>
    %jit3A_37 = arith.constant 1073741824 : i32
    %broadcast_in_dim3A_38 = vector.broadcast %jit3A_37 : i32 to vector<1000x5000xi32>
    %select_n3A_39 = arith.select %eq3A_36, %iota3A, %broadcast_in_dim3A_38 : vector<1000x5000xi1>, vector<1000x5000xi32>
    %reduce_min3A_40 = arith.constant dense<2147483647> : vector<1000xi32>
    %reduce_min3A_41 = vector.multi_reduction <minsi>, %select_n3A_39, %reduce_min3A_40 [1] : vector<1000x5000xi32> to vector<1000xi32>
    %jit3A_42 = arith.constant 1.000000e-16 : f32
    %max3A_43 = vector.broadcast %jit3A_42 : f32 to vector<1000xf32>
    %max3A_44 = arith.maximumf %max3A_43, %reduce_min3A_33 : vector<1000xf32>
    %div3A_45 = arith.constant 1.000000e+00 : f32
    %div3A_46 = vector.broadcast %div3A_45 : f32 to vector<1000xf32>
    %div3A_47 = arith.divf %div3A_46, %max3A_44 : vector<1000xf32>
    %broadcast_in_dim3A_48 = vector.shape_cast %reduce_min3A_41 : vector<1000xi32> to vector<1000x1xi32>
    %eq3A_49 = vector.broadcast %broadcast_in_dim3A_48 : vector<1000x1xi32> to vector<1000x5000xi32>
    %eq3A_50 = arith.cmpi eq, %iota3A, %eq3A_49 : vector<1000x5000xi32>
    %jit3A_51 = arith.constant 0x7F800000 : f32
    %broadcast_in_dim3A_52 = vector.broadcast %jit3A_51 : f32 to vector<1000x5000xf32>
    %select_n3A_53 = arith.select %eq3A_50, %broadcast_in_dim3A_52, %select_n3A_31 : vector<1000x5000xi1>, vector<1000x5000xf32>
    %reduce_min3A_54 = arith.constant dense<0x7F800000> : vector<1000xf32>
    %reduce_min3A_55 = vector.multi_reduction <minimumf>, %select_n3A_53, %reduce_min3A_54 [1] : vector<1000x5000xf32> to vector<1000xf32>
    %broadcast_in_dim3A_56 = vector.shape_cast %reduce_min3A_55 : vector<1000xf32> to vector<1000x1xf32>
    %eq3A_57 = vector.broadcast %broadcast_in_dim3A_56 : vector<1000x1xf32> to vector<1000x5000xf32>
    %eq3A_58 = arith.cmpf oeq, %select_n3A_53, %eq3A_57 : vector<1000x5000xf32>
    %jit3A_59 = arith.constant 1073741824 : i32
    %broadcast_in_dim3A_60 = vector.broadcast %jit3A_59 : i32 to vector<1000x5000xi32>
    %select_n3A_61 = arith.select %eq3A_58, %iota3A, %broadcast_in_dim3A_60 : vector<1000x5000xi1>, vector<1000x5000xi32>
    %reduce_min3A_62 = arith.constant dense<2147483647> : vector<1000xi32>
    %reduce_min3A_63 = vector.multi_reduction <minsi>, %select_n3A_61, %reduce_min3A_62 [1] : vector<1000x5000xi32> to vector<1000xi32>
    %jit3A_64 = arith.constant 1.000000e-16 : f32
    %max3A_65 = vector.broadcast %jit3A_64 : f32 to vector<1000xf32>
    %max3A_66 = arith.maximumf %max3A_65, %reduce_min3A_55 : vector<1000xf32>
    %div3A_67 = arith.constant 1.000000e+00 : f32
    %div3A_68 = vector.broadcast %div3A_67 : f32 to vector<1000xf32>
    %div3A_69 = arith.divf %div3A_68, %max3A_66 : vector<1000xf32>
    %add3A_70 = arith.addf %div3A_25, %div3A_47 : vector<1000xf32>
    %add3A_71 = arith.addf %add3A_70, %div3A_69 : vector<1000xf32>
    %broadcast_in_dim3A_72 = arith.constant 0 : i32
    %broadcast_in_dim3A_73 = vector.broadcast %broadcast_in_dim3A_72 : i32 to vector<1000xi32>
    %broadcast_in_dim3A_74 = arith.constant 0.000000e+00 : f32
    %broadcast_in_dim3A_75 = vector.broadcast %broadcast_in_dim3A_74 : f32 to vector<1000xf32>
    %stack3A = vector.shape_cast %reduce_min3A_21 : vector<1000xi32> to vector<1000x1xi32>
    %stack3A_76 = vector.shape_cast %reduce_min3A_41 : vector<1000xi32> to vector<1000x1xi32>
    %stack3A_77 = vector.shape_cast %reduce_min3A_63 : vector<1000xi32> to vector<1000x1xi32>
    %stack3A_78 = vector.shape_cast %broadcast_in_dim3A_73 : vector<1000xi32> to vector<1000x1xi32>
    %stack3A_79 = vector.shape_cast %broadcast_in_dim3A_73 : vector<1000xi32> to vector<1000x1xi32>
    %stack3A_80 = vector.shape_cast %broadcast_in_dim3A_73 : vector<1000xi32> to vector<1000x1xi32>
    %stack3A_81 = vector.shape_cast %broadcast_in_dim3A_73 : vector<1000xi32> to vector<1000x1xi32>
    %stack3A_82 = vector.shape_cast %broadcast_in_dim3A_73 : vector<1000xi32> to vector<1000x1xi32>
    %stack3A_83 = tpu.concatenate %stack3A, %stack3A_76, %stack3A_77, %stack3A_78, %stack3A_79, %stack3A_80, %stack3A_81, %stack3A_82 in 1 : vector<1000x1xi32>, vector<1000x1xi32>, vector<1000x1xi32>, vector<1000x1xi32>, vector<1000x1xi32>, vector<1000x1xi32>, vector<1000x1xi32>, vector<1000x1xi32> -> vector<1000x8xi32>
    %swap3A = arith.constant 0 : index
    %swap3A_84 = arith.constant 0 : index
    %swap3A_85 = vector.load %arg3[%swap3A, %swap3A_84] : memref<1000x8xi32, #tpu.memory_space<vmem>>, vector<1000x8xi32>
    tpu.vector_store %arg3[%swap3A, %swap3A_84], %stack3A_83 {strides = array<i32>} : memref<1000x8xi32, #tpu.memory_space<vmem>>, vector<1000x8xi32>,
    %div3A_86 = arith.divf %div3A_25, %add3A_71 : vector<1000xf32>
    %div3A_87 = arith.divf %div3A_47, %add3A_71 : vector<1000xf32>
    %div3A_88 = arith.divf %div3A_69, %add3A_71 : vector<1000xf32>
    %stack3A_89 = vector.shape_cast %div3A_86 : vector<1000xf32> to vector<1000x1xf32>
    %stack3A_90 = vector.shape_cast %div3A_87 : vector<1000xf32> to vector<1000x1xf32>
    %stack3A_91 = vector.shape_cast %div3A_88 : vector<1000xf32> to vector<1000x1xf32>
    %stack3A_92 = vector.shape_cast %broadcast_in_dim3A_75 : vector<1000xf32> to vector<1000x1xf32>
    %stack3A_93 = vector.shape_cast %broadcast_in_dim3A_75 : vector<1000xf32> to vector<1000x1xf32>
    %stack3A_94 = vector.shape_cast %broadcast_in_dim3A_75 : vector<1000xf32> to vector<1000x1xf32>
    %stack3A_95 = vector.shape_cast %broadcast_in_dim3A_75 : vector<1000xf32> to vector<1000x1xf32>
    %stack3A_96 = vector.shape_cast %broadcast_in_dim3A_75 : vector<1000xf32> to vector<1000x1xf32>
    %stack3A_97 = tpu.concatenate %stack3A_89, %stack3A_90, %stack3A_91, %stack3A_92, %stack3A_93, %stack3A_94, %stack3A_95, %stack3A_96 in 1 : vector<1000x1xf32>, vector<1000x1xf32>, vector<1000x1xf32>, vector<1000x1xf32>, vector<1000x1xf32>, vector<1000x1xf32>, vector<1000x1xf32>, vector<1000x1xf32> -> vector<1000x8xf32>
    %swap3A_98 = arith.constant 0 : index
    %swap3A_99 = arith.constant 0 : index
    %swap3A_100 = vector.load %arg4[%swap3A_98, %swap3A_99] : memref<1000x8xf32, #tpu.memory_space<vmem>>, vector<1000x8xf32>
    tpu.vector_store %arg4[%swap3A_98, %swap3A_99], %stack3A_97 {strides = array<i32>} : memref<1000x8xf32, #tpu.memory_space<vmem>>, vector<1000x8xf32>,
    return
  }
  func.func @transform_0(%arg0: i32) -> (i32, i32) {
    %c0_i32 = arith.constant 0 : i32
    %c0_i32_0 = arith.constant 0 : i32
    return %arg0, %c0_i32 : i32, i32
  }
  func.func @transform_1(%arg0: i32) -> (i32, i32) {
    %c0_i32 = arith.constant 0 : i32
    %c0_i32_0 = arith.constant 0 : i32
    %c0_i32_1 = arith.constant 0 : i32
    return %c0_i32, %c0_i32_0 : i32, i32
  }
  func.func @transform_2(%arg0: i32) -> (i32, i32) {
    %c0_i32 = arith.constant 0 : i32
    %c0_i32_0 = arith.constant 0 : i32
    return %arg0, %c0_i32 : i32, i32
  }
  func.func @transform_3(%arg0: i32) -> (i32, i32) {
    %c0_i32 = arith.constant 0 : i32
    %c0_i32_0 = arith.constant 0 : i32
    return %arg0, %c0_i32 : i32, i32
  }
}

module attributes {stable_mosaic.version = 14 : i64} {
  func.func @_x1cat_kernel(%arg0: i32, %arg1: memref<2x1000x64xf32, #tpu.memory_space<vmem>>, %arg2: memref<1000x64xf32, #tpu.memory_space<vmem>>, %arg3: memref<1x64xf32, #tpu.memory_space<vmem>>, %arg4: memref<1000x128xf32, #tpu.memory_space<vmem>>, %arg5: memref<1000x192xf32, #tpu.memory_space<vmem>>) attributes {dimension_semantics = [#tpu.dimension_semantics<arbitrary>], iteration_bounds = array<i64: 5>, scalar_prefetch = 0 : i64, scratch_operands = 0 : i64, tpu.core_type = #tpu.core_type<tc>, window_params = [{transform_indices = @transform_0, window_bounds = array<i64: 2, 1000, 64>}, {transform_indices = @transform_1, window_bounds = array<i64: 1000, 64>}, {pipeline_mode = #tpu.pipeline_mode<synchronous>, transform_indices = @transform_2, window_bounds = array<i64: 1, 64>}, {transform_indices = @transform_3, window_bounds = array<i64: 1000, 128>}, {transform_indices = @transform_4, window_bounds = array<i64: 1000, 192>}]} {
    %get3A = arith.constant 0 : index
    %get3A_0 = arith.constant 0 : index
    %get3A_1 = arith.constant 0 : index
    %get3A_2 = vector.load %arg1[%get3A, %get3A_0, %get3A_1] : memref<2x1000x64xf32, #tpu.memory_space<vmem>>, vector<1x1000x64xf32>
    %get3A_3 = vector.shape_cast %get3A_2 : vector<1x1000x64xf32> to vector<1000x64xf32>
    %get3A_4 = arith.constant 1 : index
    %get3A_5 = arith.constant 0 : index
    %get3A_6 = arith.constant 0 : index
    %get3A_7 = vector.load %arg1[%get3A_4, %get3A_5, %get3A_6] : memref<2x1000x64xf32, #tpu.memory_space<vmem>>, vector<1x1000x64xf32>
    %get3A_8 = vector.shape_cast %get3A_7 : vector<1x1000x64xf32> to vector<1000x64xf32>
    %add3A = arith.addf %get3A_3, %get3A_8 : vector<1000x64xf32>
    %get3A_9 = arith.constant 0 : index
    %get3A_10 = arith.constant 0 : index
    %get3A_11 = vector.load %arg2[%get3A_9, %get3A_10] : memref<1000x64xf32, #tpu.memory_space<vmem>>, vector<1000x64xf32>
    %add3A_12 = arith.addf %add3A, %get3A_11 : vector<1000x64xf32>
    %get3A_13 = arith.constant 0 : index
    %get3A_14 = arith.constant 0 : index
    %get3A_15 = vector.load %arg3[%get3A_13, %get3A_14] : memref<1x64xf32, #tpu.memory_space<vmem>>, vector<1x64xf32>
    %add3A_16 = vector.broadcast %get3A_15 : vector<1x64xf32> to vector<1000x64xf32>
    %add3A_17 = arith.addf %add3A_12, %add3A_16 : vector<1000x64xf32>
    %gt3A = arith.constant 0.000000e+00 : f32
    %gt3A_18 = vector.broadcast %gt3A : f32 to vector<1000x64xf32>
    %gt3A_19 = arith.cmpf ogt, %add3A_17, %gt3A_18 : vector<1000x64xf32>
    %mul3A = arith.constant 0.00999999977 : f32
    %mul3A_20 = vector.broadcast %mul3A : f32 to vector<1000x64xf32>
    %mul3A_21 = arith.mulf %mul3A_20, %add3A_17 : vector<1000x64xf32>
    %select_n3A = arith.select %gt3A_19, %add3A_17, %mul3A_21 : vector<1000x64xi1>, vector<1000x64xf32>
    %get3A_22 = arith.constant 0 : index
    %get3A_23 = arith.constant 0 : index
    %get3A_24 = vector.load %arg4[%get3A_22, %get3A_23] : memref<1000x128xf32, #tpu.memory_space<vmem>>, vector<1000x128xf32>
    %concatenate3A = tpu.concatenate %get3A_24, %select_n3A in 1 : vector<1000x128xf32>, vector<1000x64xf32> -> vector<1000x192xf32>
    %swap3A = arith.constant 0 : index
    %swap3A_25 = arith.constant 0 : index
    %swap3A_26 = vector.load %arg5[%swap3A, %swap3A_25] : memref<1000x192xf32, #tpu.memory_space<vmem>>, vector<1000x192xf32>
    tpu.vector_store %arg5[%swap3A, %swap3A_25], %concatenate3A {strides = array<i32>} : memref<1000x192xf32, #tpu.memory_space<vmem>>, vector<1000x192xf32>,
    return
  }
  func.func @transform_0(%arg0: i32) -> (i32, i32, i32) {
    %c0_i32 = arith.constant 0 : i32
    %c0_i32_0 = arith.constant 0 : i32
    %c0_i32_1 = arith.constant 0 : i32
    return %c0_i32, %arg0, %c0_i32_0 : i32, i32, i32
  }
  func.func @transform_1(%arg0: i32) -> (i32, i32) {
    %c0_i32 = arith.constant 0 : i32
    %c0_i32_0 = arith.constant 0 : i32
    return %arg0, %c0_i32 : i32, i32
  }
  func.func @transform_2(%arg0: i32) -> (i32, i32) {
    %c0_i32 = arith.constant 0 : i32
    %c0_i32_0 = arith.constant 0 : i32
    %c0_i32_1 = arith.constant 0 : i32
    return %c0_i32, %c0_i32_0 : i32, i32
  }
  func.func @transform_3(%arg0: i32) -> (i32, i32) {
    %c0_i32 = arith.constant 0 : i32
    %c0_i32_0 = arith.constant 0 : i32
    return %arg0, %c0_i32 : i32, i32
  }
  func.func @transform_4(%arg0: i32) -> (i32, i32) {
    %c0_i32 = arith.constant 0 : i32
    %c0_i32_0 = arith.constant 0 : i32
    return %arg0, %c0_i32 : i32, i32
  }
}

module attributes {stable_mosaic.version = 14 : i64} {
  func.func @_mix_kernel(%arg0: i32, %arg1: memref<1000x192xf32, #tpu.memory_space<vmem>>, %arg2: memref<1000x192xf32, #tpu.memory_space<vmem>>, %arg3: memref<1000x192xf32, #tpu.memory_space<vmem>>, %arg4: memref<1000x8xf32, #tpu.memory_space<vmem>>, %arg5: memref<128x128xf32, #tpu.memory_space<vmem>>, %arg6: memref<128x128xf32, #tpu.memory_space<vmem>>, %arg7: memref<64x128xf32, #tpu.memory_space<vmem>>, %arg8: memref<1x128xf32, #tpu.memory_space<vmem>>, %arg9: memref<1x128xf32, #tpu.memory_space<vmem>>, %arg10: memref<1000x128xf32, #tpu.memory_space<vmem>>, %arg11: memref<1000x64xf32, #tpu.memory_space<vmem>>, %arg12: memref<1000x128xf32, #tpu.memory_space<vmem>>, %arg13: memref<1000x128xf32, #tpu.memory_space<vmem>>) attributes {dimension_semantics = [#tpu.dimension_semantics<arbitrary>], iteration_bounds = array<i64: 10>, scalar_prefetch = 0 : i64, scratch_operands = 0 : i64, tpu.core_type = #tpu.core_type<tc>, window_params = [{transform_indices = @transform_0, window_bounds = array<i64: 1000, 192>}, {transform_indices = @transform_1, window_bounds = array<i64: 1000, 192>}, {transform_indices = @transform_2, window_bounds = array<i64: 1000, 192>}, {transform_indices = @transform_3, window_bounds = array<i64: 1000, 8>}, {pipeline_mode = #tpu.pipeline_mode<synchronous>, transform_indices = @transform_4, window_bounds = array<i64: 128, 128>}, {pipeline_mode = #tpu.pipeline_mode<synchronous>, transform_indices = @transform_5, window_bounds = array<i64: 128, 128>}, {pipeline_mode = #tpu.pipeline_mode<synchronous>, transform_indices = @transform_6, window_bounds = array<i64: 64, 128>}, {pipeline_mode = #tpu.pipeline_mode<synchronous>, transform_indices = @transform_7, window_bounds = array<i64: 1, 128>}, {pipeline_mode = #tpu.pipeline_mode<synchronous>, transform_indices = @transform_8, window_bounds = array<i64: 1, 128>}, {transform_indices = @transform_9, window_bounds = array<i64: 1000, 128>}, {transform_indices = @transform_10, window_bounds = array<i64: 1000, 64>}, {transform_indices = @transform_11, window_bounds = array<i64: 1000, 128>}, {transform_indices = @transform_12, window_bounds = array<i64: 1000, 128>}]} {
    %get3A = arith.constant 0 : index
    %get3A_0 = arith.constant 0 : index
    %get3A_1 = vector.load %arg4[%get3A, %get3A_0] : memref<1000x8xf32, #tpu.memory_space<vmem>>, vector<1000x8xf32>
    %slice3A = vector.extract_strided_slice %get3A_1 {offsets = [0, 0], sizes = [1000, 1], strides = [1, 1]} : vector<1000x8xf32> to vector<1000x1xf32>
    %squeeze3A = vector.shape_cast %slice3A : vector<1000x1xf32> to vector<1000xf32>
    %broadcast_in_dim3A = vector.shape_cast %squeeze3A : vector<1000xf32> to vector<1000x1xf32>
    %get3A_2 = arith.constant 0 : index
    %get3A_3 = arith.constant 0 : index
    %get3A_4 = vector.load %arg1[%get3A_2, %get3A_3] : memref<1000x192xf32, #tpu.memory_space<vmem>>, vector<1000x192xf32>
    %mul3A = vector.broadcast %broadcast_in_dim3A : vector<1000x1xf32> to vector<1000x192xf32>
    %mul3A_5 = arith.mulf %mul3A, %get3A_4 : vector<1000x192xf32>
    %slice3A_6 = vector.extract_strided_slice %get3A_1 {offsets = [0, 1], sizes = [1000, 1], strides = [1, 1]} : vector<1000x8xf32> to vector<1000x1xf32>
    %squeeze3A_7 = vector.shape_cast %slice3A_6 : vector<1000x1xf32> to vector<1000xf32>
    %broadcast_in_dim3A_8 = vector.shape_cast %squeeze3A_7 : vector<1000xf32> to vector<1000x1xf32>
    %get3A_9 = arith.constant 0 : index
    %get3A_10 = arith.constant 0 : index
    %get3A_11 = vector.load %arg2[%get3A_9, %get3A_10] : memref<1000x192xf32, #tpu.memory_space<vmem>>, vector<1000x192xf32>
    %mul3A_12 = vector.broadcast %broadcast_in_dim3A_8 : vector<1000x1xf32> to vector<1000x192xf32>
    %mul3A_13 = arith.mulf %mul3A_12, %get3A_11 : vector<1000x192xf32>
    %add3A = arith.addf %mul3A_5, %mul3A_13 : vector<1000x192xf32>
    %slice3A_14 = vector.extract_strided_slice %get3A_1 {offsets = [0, 2], sizes = [1000, 1], strides = [1, 1]} : vector<1000x8xf32> to vector<1000x1xf32>
    %squeeze3A_15 = vector.shape_cast %slice3A_14 : vector<1000x1xf32> to vector<1000xf32>
    %broadcast_in_dim3A_16 = vector.shape_cast %squeeze3A_15 : vector<1000xf32> to vector<1000x1xf32>
    %get3A_17 = arith.constant 0 : index
    %get3A_18 = arith.constant 0 : index
    %get3A_19 = vector.load %arg3[%get3A_17, %get3A_18] : memref<1000x192xf32, #tpu.memory_space<vmem>>, vector<1000x192xf32>
    %mul3A_20 = vector.broadcast %broadcast_in_dim3A_16 : vector<1000x1xf32> to vector<1000x192xf32>
    %mul3A_21 = arith.mulf %mul3A_20, %get3A_19 : vector<1000x192xf32>
    %add3A_22 = arith.addf %add3A, %mul3A_21 : vector<1000x192xf32>
    %slice3A_23 = vector.extract_strided_slice %add3A_22 {offsets = [0, 0], sizes = [1000, 128], strides = [1, 1]} : vector<1000x192xf32> to vector<1000x128xf32>
    %slice3A_24 = vector.extract_strided_slice %add3A_22 {offsets = [0, 128], sizes = [1000, 64], strides = [1, 1]} : vector<1000x192xf32> to vector<1000x64xf32>
    %get3A_25 = arith.constant 0 : index
    %get3A_26 = arith.constant 0 : index
    %get3A_27 = vector.load %arg5[%get3A_25, %get3A_26] : memref<128x128xf32, #tpu.memory_space<vmem>>, vector<128x128xf32>
    %dot_general3A = arith.constant dense<0.000000e+00> : vector<1000x128xf32>
    %dot_general3A_28 = tpu.matmul %slice3A_23, %get3A_27, %dot_general3A {dimension_numbers = #tpu.dot_dimension_numbers<[1], [0], [0], [1], [0, 0, 1, 1], [], []>, transpose_lhs_hint = false} : vector<1000x128xf32>, vector<128x128xf32>, vector<1000x128xf32> -> vector<1000x128xf32>
    %swap3A = arith.constant 0 : index
    %swap3A_29 = arith.constant 0 : index
    %swap3A_30 = vector.load %arg10[%swap3A, %swap3A_29] : memref<1000x128xf32, #tpu.memory_space<vmem>>, vector<1000x128xf32>
    tpu.vector_store %arg10[%swap3A, %swap3A_29], %dot_general3A_28 {strides = array<i32>} : memref<1000x128xf32, #tpu.memory_space<vmem>>, vector<1000x128xf32>,
    %swap3A_31 = arith.constant 0 : index
    %swap3A_32 = arith.constant 0 : index
    %swap3A_33 = vector.load %arg11[%swap3A_31, %swap3A_32] : memref<1000x64xf32, #tpu.memory_space<vmem>>, vector<1000x64xf32>
    tpu.vector_store %arg11[%swap3A_31, %swap3A_32], %slice3A_24 {strides = array<i32>} : memref<1000x64xf32, #tpu.memory_space<vmem>>, vector<1000x64xf32>,
    %get3A_34 = arith.constant 0 : index
    %get3A_35 = arith.constant 0 : index
    %get3A_36 = vector.load %arg6[%get3A_34, %get3A_35] : memref<128x128xf32, #tpu.memory_space<vmem>>, vector<128x128xf32>
    %dot_general3A_37 = arith.constant dense<0.000000e+00> : vector<1000x128xf32>
    %dot_general3A_38 = tpu.matmul %slice3A_23, %get3A_36, %dot_general3A_37 {dimension_numbers = #tpu.dot_dimension_numbers<[1], [0], [0], [1], [0, 0, 1, 1], [], []>, transpose_lhs_hint = false} : vector<1000x128xf32>, vector<128x128xf32>, vector<1000x128xf32> -> vector<1000x128xf32>
    %get3A_39 = arith.constant 0 : index
    %get3A_40 = arith.constant 0 : index
    %get3A_41 = vector.load %arg8[%get3A_39, %get3A_40] : memref<1x128xf32, #tpu.memory_space<vmem>>, vector<1x128xf32>
    %add3A_42 = vector.broadcast %get3A_41 : vector<1x128xf32> to vector<1000x128xf32>
    %add3A_43 = arith.addf %dot_general3A_38, %add3A_42 : vector<1000x128xf32>
    %swap3A_44 = arith.constant 0 : index
    %swap3A_45 = arith.constant 0 : index
    %swap3A_46 = vector.load %arg12[%swap3A_44, %swap3A_45] : memref<1000x128xf32, #tpu.memory_space<vmem>>, vector<1000x128xf32>
    tpu.vector_store %arg12[%swap3A_44, %swap3A_45], %add3A_43 {strides = array<i32>} : memref<1000x128xf32, #tpu.memory_space<vmem>>, vector<1000x128xf32>,
    %get3A_47 = arith.constant 0 : index
    %get3A_48 = arith.constant 0 : index
    %get3A_49 = vector.load %arg7[%get3A_47, %get3A_48] : memref<64x128xf32, #tpu.memory_space<vmem>>, vector<64x128xf32>
    %dot_general3A_50 = arith.constant dense<0.000000e+00> : vector<1000x128xf32>
    %dot_general3A_51 = tpu.matmul %slice3A_24, %get3A_49, %dot_general3A_50 {dimension_numbers = #tpu.dot_dimension_numbers<[1], [0], [0], [1], [0, 0, 1, 1], [], []>, transpose_lhs_hint = false} : vector<1000x64xf32>, vector<64x128xf32>, vector<1000x128xf32> -> vector<1000x128xf32>
    %get3A_52 = arith.constant 0 : index
    %get3A_53 = arith.constant 0 : index
    %get3A_54 = vector.load %arg9[%get3A_52, %get3A_53] : memref<1x128xf32, #tpu.memory_space<vmem>>, vector<1x128xf32>
    %add3A_55 = vector.broadcast %get3A_54 : vector<1x128xf32> to vector<1000x128xf32>
    %add3A_56 = arith.addf %dot_general3A_51, %add3A_55 : vector<1000x128xf32>
    %swap3A_57 = arith.constant 0 : index
    %swap3A_58 = arith.constant 0 : index
    %swap3A_59 = vector.load %arg13[%swap3A_57, %swap3A_58] : memref<1000x128xf32, #tpu.memory_space<vmem>>, vector<1000x128xf32>
    tpu.vector_store %arg13[%swap3A_57, %swap3A_58], %add3A_56 {strides = array<i32>} : memref<1000x128xf32, #tpu.memory_space<vmem>>, vector<1000x128xf32>,
    return
  }
  func.func @transform_0(%arg0: i32) -> (i32, i32) {
    %c0_i32 = arith.constant 0 : i32
    %c0_i32_0 = arith.constant 0 : i32
    return %arg0, %c0_i32 : i32, i32
  }
  func.func @transform_1(%arg0: i32) -> (i32, i32) {
    %c0_i32 = arith.constant 0 : i32
    %c0_i32_0 = arith.constant 0 : i32
    return %arg0, %c0_i32 : i32, i32
  }
  func.func @transform_2(%arg0: i32) -> (i32, i32) {
    %c0_i32 = arith.constant 0 : i32
    %c0_i32_0 = arith.constant 0 : i32
    return %arg0, %c0_i32 : i32, i32
  }
  func.func @transform_3(%arg0: i32) -> (i32, i32) {
    %c0_i32 = arith.constant 0 : i32
    %c0_i32_0 = arith.constant 0 : i32
    return %arg0, %c0_i32 : i32, i32
  }
  func.func @transform_4(%arg0: i32) -> (i32, i32) {
    %c0_i32 = arith.constant 0 : i32
    %c0_i32_0 = arith.constant 0 : i32
    %c0_i32_1 = arith.constant 0 : i32
    return %c0_i32, %c0_i32_0 : i32, i32
  }
  func.func @transform_5(%arg0: i32) -> (i32, i32) {
    %c0_i32 = arith.constant 0 : i32
    %c0_i32_0 = arith.constant 0 : i32
    %c0_i32_1 = arith.constant 0 : i32
    return %c0_i32, %c0_i32_0 : i32, i32
  }
  func.func @transform_6(%arg0: i32) -> (i32, i32) {
    %c0_i32 = arith.constant 0 : i32
    %c0_i32_0 = arith.constant 0 : i32
    %c0_i32_1 = arith.constant 0 : i32
    return %c0_i32, %c0_i32_0 : i32, i32
  }
  func.func @transform_7(%arg0: i32) -> (i32, i32) {
    %c0_i32 = arith.constant 0 : i32
    %c0_i32_0 = arith.constant 0 : i32
    %c0_i32_1 = arith.constant 0 : i32
    return %c0_i32, %c0_i32_0 : i32, i32
  }
  func.func @transform_8(%arg0: i32) -> (i32, i32) {
    %c0_i32 = arith.constant 0 : i32
    %c0_i32_0 = arith.constant 0 : i32
    %c0_i32_1 = arith.constant 0 : i32
    return %c0_i32, %c0_i32_0 : i32, i32
  }
  func.func @transform_9(%arg0: i32) -> (i32, i32) {
    %c0_i32 = arith.constant 0 : i32
    %c0_i32_0 = arith.constant 0 : i32
    return %arg0, %c0_i32 : i32, i32
  }
  func.func @transform_10(%arg0: i32) -> (i32, i32) {
    %c0_i32 = arith.constant 0 : i32
    %c0_i32_0 = arith.constant 0 : i32
    return %arg0, %c0_i32 : i32, i32
  }
  func.func @transform_11(%arg0: i32) -> (i32, i32) {
    %c0_i32 = arith.constant 0 : i32
    %c0_i32_0 = arith.constant 0 : i32
    return %arg0, %c0_i32 : i32, i32
  }
  func.func @transform_12(%arg0: i32) -> (i32, i32) {
    %c0_i32 = arith.constant 0 : i32
    %c0_i32_0 = arith.constant 0 : i32
    return %arg0, %c0_i32 : i32, i32
  }
}

module attributes {stable_mosaic.version = 14 : i64} {
  func.func @_final_kernel(%arg0: memref<2x10000x128xf32, #tpu.memory_space<vmem>>, %arg1: memref<2x10000x64xf32, #tpu.memory_space<vmem>>, %arg2: memref<10000x128xf32, #tpu.memory_space<vmem>>, %arg3: memref<10000x128xf32, #tpu.memory_space<vmem>>, %arg4: memref<64x128xf32, #tpu.memory_space<vmem>>, %arg5: memref<1x128xf32, #tpu.memory_space<vmem>>, %arg6: memref<1x128xf32, #tpu.memory_space<vmem>>, %arg7: memref<10000x128xf32, #tpu.memory_space<vmem>>) attributes {dimension_semantics = [], scalar_prefetch = 0 : i64, scratch_operands = 0 : i64, tpu.core_type = #tpu.core_type<tc>} {
    %get3A = arith.constant 0 : index
    %get3A_0 = arith.constant 0 : index
    %get3A_1 = arith.constant 0 : index
    %get3A_2 = vector.load %arg0[%get3A, %get3A_0, %get3A_1] : memref<2x10000x128xf32, #tpu.memory_space<vmem>>, vector<1x10000x128xf32>
    %get3A_3 = vector.shape_cast %get3A_2 : vector<1x10000x128xf32> to vector<10000x128xf32>
    %get3A_4 = arith.constant 1 : index
    %get3A_5 = arith.constant 0 : index
    %get3A_6 = arith.constant 0 : index
    %get3A_7 = vector.load %arg0[%get3A_4, %get3A_5, %get3A_6] : memref<2x10000x128xf32, #tpu.memory_space<vmem>>, vector<1x10000x128xf32>
    %get3A_8 = vector.shape_cast %get3A_7 : vector<1x10000x128xf32> to vector<10000x128xf32>
    %add3A = arith.addf %get3A_3, %get3A_8 : vector<10000x128xf32>
    %get3A_9 = arith.constant 0 : index
    %get3A_10 = arith.constant 0 : index
    %get3A_11 = arith.constant 0 : index
    %get3A_12 = vector.load %arg1[%get3A_9, %get3A_10, %get3A_11] : memref<2x10000x64xf32, #tpu.memory_space<vmem>>, vector<1x10000x64xf32>
    %get3A_13 = vector.shape_cast %get3A_12 : vector<1x10000x64xf32> to vector<10000x64xf32>
    %get3A_14 = arith.constant 1 : index
    %get3A_15 = arith.constant 0 : index
    %get3A_16 = arith.constant 0 : index
    %get3A_17 = vector.load %arg1[%get3A_14, %get3A_15, %get3A_16] : memref<2x10000x64xf32, #tpu.memory_space<vmem>>, vector<1x10000x64xf32>
    %get3A_18 = vector.shape_cast %get3A_17 : vector<1x10000x64xf32> to vector<10000x64xf32>
    %add3A_19 = arith.addf %get3A_13, %get3A_18 : vector<10000x64xf32>
    %get3A_20 = arith.constant 0 : index
    %get3A_21 = arith.constant 0 : index
    %get3A_22 = vector.load %arg4[%get3A_20, %get3A_21] : memref<64x128xf32, #tpu.memory_space<vmem>>, vector<64x128xf32>
    %dot_general3A = arith.constant dense<0.000000e+00> : vector<10000x128xf32>
    %dot_general3A_23 = tpu.matmul %add3A_19, %get3A_22, %dot_general3A {dimension_numbers = #tpu.dot_dimension_numbers<[1], [0], [0], [1], [0, 0, 1, 1], [], []>, transpose_lhs_hint = false} : vector<10000x64xf32>, vector<64x128xf32>, vector<10000x128xf32> -> vector<10000x128xf32>
    %get3A_24 = arith.constant 0 : index
    %get3A_25 = arith.constant 0 : index
    %get3A_26 = vector.load %arg2[%get3A_24, %get3A_25] : memref<10000x128xf32, #tpu.memory_space<vmem>>, vector<10000x128xf32>
    %add3A_27 = arith.addf %add3A, %get3A_26 : vector<10000x128xf32>
    %gt3A = arith.constant 0.000000e+00 : f32
    %gt3A_28 = vector.broadcast %gt3A : f32 to vector<10000x128xf32>
    %gt3A_29 = arith.cmpf ogt, %add3A_27, %gt3A_28 : vector<10000x128xf32>
    %mul3A = arith.constant 0.00999999977 : f32
    %mul3A_30 = vector.broadcast %mul3A : f32 to vector<10000x128xf32>
    %mul3A_31 = arith.mulf %mul3A_30, %add3A_27 : vector<10000x128xf32>
    %select_n3A = arith.select %gt3A_29, %add3A_27, %mul3A_31 : vector<10000x128xi1>, vector<10000x128xf32>
    %get3A_32 = arith.constant 0 : index
    %get3A_33 = arith.constant 0 : index
    %get3A_34 = vector.load %arg3[%get3A_32, %get3A_33] : memref<10000x128xf32, #tpu.memory_space<vmem>>, vector<10000x128xf32>
    %add3A_35 = arith.addf %dot_general3A_23, %get3A_34 : vector<10000x128xf32>
    %gt3A_36 = arith.constant 0.000000e+00 : f32
    %gt3A_37 = vector.broadcast %gt3A_36 : f32 to vector<10000x128xf32>
    %gt3A_38 = arith.cmpf ogt, %add3A_35, %gt3A_37 : vector<10000x128xf32>
    %mul3A_39 = arith.constant 0.00999999977 : f32
    %mul3A_40 = vector.broadcast %mul3A_39 : f32 to vector<10000x128xf32>
    %mul3A_41 = arith.mulf %mul3A_40, %add3A_35 : vector<10000x128xf32>
    %select_n3A_42 = arith.select %gt3A_38, %add3A_35, %mul3A_41 : vector<10000x128xi1>, vector<10000x128xf32>
    %add3A_43 = arith.addf %select_n3A_42, %select_n3A : vector<10000x128xf32>
    %reduce_sum3A = arith.constant dense<0.000000e+00> : vector<128xf32>
    %reduce_sum3A_44 = vector.multi_reduction <add>, %add3A_43, %reduce_sum3A [0] : vector<10000x128xf32> to vector<128xf32>
    %div3A = arith.constant 1.000000e+04 : f32
    %div3A_45 = vector.broadcast %div3A : f32 to vector<128xf32>
    %div3A_46 = arith.divf %reduce_sum3A_44, %div3A_45 : vector<128xf32>
    %broadcast_in_dim3A = vector.shape_cast %div3A_46 : vector<128xf32> to vector<1x128xf32>
    %sub3A = vector.broadcast %broadcast_in_dim3A : vector<1x128xf32> to vector<10000x128xf32>
    %sub3A_47 = arith.subf %add3A_43, %sub3A : vector<10000x128xf32>
    %integer_pow3A = arith.mulf %sub3A_47, %sub3A_47 : vector<10000x128xf32>
    %reduce_sum3A_48 = arith.constant dense<0.000000e+00> : vector<128xf32>
    %reduce_sum3A_49 = vector.multi_reduction <add>, %integer_pow3A, %reduce_sum3A_48 [0] : vector<10000x128xf32> to vector<128xf32>
    %div3A_50 = arith.constant 1.000000e+04 : f32
    %div3A_51 = vector.broadcast %div3A_50 : f32 to vector<128xf32>
    %div3A_52 = arith.divf %reduce_sum3A_49, %div3A_51 : vector<128xf32>
    %broadcast_in_dim3A_53 = vector.shape_cast %div3A_46 : vector<128xf32> to vector<1x128xf32>
    %sub3A_54 = vector.broadcast %broadcast_in_dim3A_53 : vector<1x128xf32> to vector<10000x128xf32>
    %sub3A_55 = arith.subf %add3A_43, %sub3A_54 : vector<10000x128xf32>
    %add3A_56 = arith.constant 9.99999974E-6 : f32
    %add3A_57 = vector.broadcast %add3A_56 : f32 to vector<128xf32>
    %add3A_58 = arith.addf %div3A_52, %add3A_57 : vector<128xf32>
    %sqrt3A = math.sqrt %add3A_58 : vector<128xf32>
    %broadcast_in_dim3A_59 = vector.shape_cast %sqrt3A : vector<128xf32> to vector<1x128xf32>
    %div3A_60 = vector.broadcast %broadcast_in_dim3A_59 : vector<1x128xf32> to vector<10000x128xf32>
    %div3A_61 = arith.divf %sub3A_55, %div3A_60 : vector<10000x128xf32>
    %get3A_62 = arith.constant 0 : index
    %get3A_63 = arith.constant 0 : index
    %get3A_64 = vector.load %arg5[%get3A_62, %get3A_63] : memref<1x128xf32, #tpu.memory_space<vmem>>, vector<1x128xf32>
    %mul3A_65 = vector.broadcast %get3A_64 : vector<1x128xf32> to vector<10000x128xf32>
    %mul3A_66 = arith.mulf %div3A_61, %mul3A_65 : vector<10000x128xf32>
    %get3A_67 = arith.constant 0 : index
    %get3A_68 = arith.constant 0 : index
    %get3A_69 = vector.load %arg6[%get3A_67, %get3A_68] : memref<1x128xf32, #tpu.memory_space<vmem>>, vector<1x128xf32>
    %add3A_70 = vector.broadcast %get3A_69 : vector<1x128xf32> to vector<10000x128xf32>
    %add3A_71 = arith.addf %mul3A_66, %add3A_70 : vector<10000x128xf32>
    %gt3A_72 = arith.constant 0.000000e+00 : f32
    %gt3A_73 = vector.broadcast %gt3A_72 : f32 to vector<10000x128xf32>
    %gt3A_74 = arith.cmpf ogt, %add3A_71, %gt3A_73 : vector<10000x128xf32>
    %mul3A_75 = arith.constant 0.00999999977 : f32
    %mul3A_76 = vector.broadcast %mul3A_75 : f32 to vector<10000x128xf32>
    %mul3A_77 = arith.mulf %mul3A_76, %add3A_71 : vector<10000x128xf32>
    %select_n3A_78 = arith.select %gt3A_74, %add3A_71, %mul3A_77 : vector<10000x128xi1>, vector<10000x128xf32>
    %swap3A = arith.constant 0 : index
    %swap3A_79 = arith.constant 0 : index
    %swap3A_80 = vector.load %arg7[%swap3A, %swap3A_79] : memref<10000x128xf32, #tpu.memory_space<vmem>>, vector<10000x128xf32>
    tpu.vector_store %arg7[%swap3A, %swap3A_79], %select_n3A_78 {strides = array<i32>} : memref<10000x128xf32, #tpu.memory_space<vmem>>, vector<10000x128xf32>,
    return
  }
}

</mosaic_0001>

<sc_bundles>
// kernel: gather_offload_async_start
scs
__scs_entry_jumppad:
0x0: {  	(pc) =	sbr.rel $0x88, $3  }
0x1: {  	(tag) =	ssettag $0x0;
	lr =	simm.s32 $0x1  }
0x2: {  	[smem:$0x3F91] =	sst lr;
	_ =	strace $0xD0000000  }
0x3: {  	_ = 	snop  }
0x4: {  	_ = 	snop  }
0x5: {  	_ = 	snop  }
0x6: {  	_ = 	snop  }
0x7: {  	_ = 	snop  }
__scs_overlays_trampoline_lowered:
0x8: {  	[smem:$0x3FA0] =	sst s0  }
0x9: {  	[smem:$0x3FA1] =	sst s1  }
0xa: {  	[smem:$0x3FA2] =	sst s2  }
0xb: {  	[smem:$0x3FA3] =	sst s3  }
0xc: {  	[smem:$0x3FA4] =	sst s4  }
0xd: {  	[smem:$0x3FA5] =	sst s5  }
0xe: {  	[smem:$0x3FA6] =	sst s6  }
0xf: {  	[smem:$0x3FA7] =	sst s7  }
0x10: {  	[smem:$0x3FA8] =	sst s8  }
0x11: {  	[smem:$0x3FA9] =	sst s9;
	s0 =	simm.s32 @!p0 $0x0  }
0x12: {  	s1 =	sld [smem:$0x3F8F];
	s0 =	simm.s32 @p0 $0x1  }
0x13: {  	[smem:$0x3FAA] =	sst s0;
	s0 =	simm.s32 @!p1 $0x0  }
0x14: {  	s2 =	sld [smem:$0x3F8E];
	s0 =	simm.s32 @p1 $0x1  }
0x15: {  	[smem:$0x3FAB] =	sst s0;
	s0 =	simm.s32 @!p2 $0x0  }
0x16: {  	s3 =	sld [smem:$0x3FDB];
	s0 =	simm.s32 @p2 $0x1  }
0x17: {  	s4 =	simm.s32 $0x1BF5;
	[smem:$0x3FAD] =	sst s0  }
0x18: {  	s0 =	sld [smem:$0x3F90];
	_ =	swait.ge [sflag:s4], $0x0  }
0x19: {  	s7 =	sld [smem:$0x3F91]  }
0x1a: {  	s8 =	sadd.s32 $0xFFFFE003, lr  }
0x1b: {  	s9 =	sadd.s32 $0xFFFFFEF7, lr;
	s5 =	simm.s32 $0xFFFFFFFF;
	p2 =	slt.u32 s8, $0xFFFFF086  }
0x1c: {  	p1 =	slt.u32 s9, $0xF7A;
	s5 =	simm.s32 @!p2 $0x0  }
0x1d: {  	s5 =	simm.s32 @p1 $0x1;
	p0 =	seq.s32 s7, s2  }
0x1e: {  	s7 =	smul.u32 @!p0 $0xF7A, s2;
	p2 =	seq.s32 @!p0 s5, $0x0  }
0x1f: {  	s9 =	smul.u32 $0xF7A, s1;
	s8 =	simm.s32 @!p0 $0x1BF5;
	p2 =	por !p2, p0  }
0x20: {  	[sflag:s8] =	ssyncset.s32 @!p0 $0xFFFFF086;
	s6 =	sadd.s32 @!p0 s3, s7;
	s7 =	simm.s32 @!p0 $0x108  }
0x21: {  	s3 =	sadd.s32 s3, s9;
	s6 =	sadd.s32 @!p0 $0x88, s6;
	s7 =	simm.s32 @p2 $0x1082  }
0x22: {  	[simem:s7], [sflag:s8] =	dma.local @!p0 [hbm:s6], $0xF7A  }
0x23: {  	s9 =	sor.u32 $0xD0000000, s2;
	s6 =	simm.s32 $0x108;
	_ =	swait.ge @!p0 [sflag:s8], $0x0  }
0x24: {  	s3 =	sadd.s32 $0x88, s3;
	s6 =	simm.s32 @!p1 $0x1082;
	[sflag:s4] =	ssyncset.s32 $0xFFFFF086  }
0x25: {  	[simem:s6], [sflag:s4] =	dma.local [hbm:s3], $0xF7A  }
0x26: {  	[smem:$0x3F91] =	sst s1;
	(tag) =	ssettag s2;
	_ =	strace s9  }
0x27: {  	s1 =	sld [smem:$0x3FA1]  }
0x28: {  	s2 =	sld [smem:$0x3FA2]  }
0x29: {  	s4 =	sld [smem:$0x3FA4]  }
0x2a: {  	p0 =	seq.s32 s5, $0x0;
	s5 =	sld [smem:$0x3FA5]  }
0x2b: {  	s6 =	sld [smem:$0x3FA6]  }
0x2c: {  	s7 =	sld [smem:$0x3FA7]  }
0x2d: {  	s3 =	simm.s32 $0x108;
	s8 =	sld [smem:$0x3FA8]  }
0x2e: {  	s3 =	simm.s32 @!p0 $0x1082;
	s9 =	sld [smem:$0x3FA9]  }
0x2f: {  	lr =	sadd.s32 s0, s3;
	s0 =	sld [smem:$0x3FA0]  }
0x30: {  	s3 =	sld [smem:$0x3FA3]  }
0x31: {  	[smem:$0x3FAC] =	sst s10  }
0x32: {  	s10 =	sld [smem:$0x3FAA];
	_ =	sdelay $0x3  }
0x33: {  	p0 =	seq.s32 s10, $0x1;
	s10 =	sld [smem:$0x3FAC];
	_ =	sdelay $0x3  }
0x34: {  	[smem:$0x3FAC] =	sst s10  }
0x35: {  	s10 =	sld [smem:$0x3FAB];
	_ =	sdelay $0x3  }
0x36: {  	p1 =	seq.s32 s10, $0x1;
	s10 =	sld [smem:$0x3FAC];
	_ =	sdelay $0x3  }
0x37: {  	[smem:$0x3FAC] =	sst s10  }
0x38: {  	s10 =	sld [smem:$0x3FAD]  }
0x39: {  	_ = 	snop;
	(pc) =	sbr.ind lr, $3  }
0x3a: {  	_ = 	snop  }
0x3b: {  	_ = 	snop  }
0x3c: {  	p2 =	seq.s32 s10, $0x1;
	s10 =	sld [smem:$0x3FAC]  }
0x3d: {  	_ =	shalt  }
0x3e: {  	_ =	shalt  }
0x3f: {  	_ =	shalt  }
0x40: {  	_ =	shalt  }
0x41: {  	_ =	shalt  }
0x42: {  	_ =	shalt  }
0x43: {  	_ =	shalt  }
0x44: {  	_ =	shalt  }
0x45: {  	_ =	shalt  }
0x46: {  	_ =	shalt  }
0x47: {  	_ =	shalt  }
0x48: {  	_ =	shalt  }
0x49: {  	_ =	shalt  }
0x4a: {  	_ =	shalt  }
0x4b: {  	_ =	shalt  }
0x4c: {  	_ =	shalt  }
0x4d: {  	_ =	shalt  }
0x4e: {  	_ =	shalt  }
0x4f: {  	_ =	shalt  }
0x50: {  	_ =	shalt  }
0x51: {  	_ =	shalt  }
0x52: {  	_ =	shalt  }
0x53: {  	_ =	shalt  }
0x54: {  	_ =	shalt  }
0x55: {  	_ =	shalt  }
0x56: {  	_ =	shalt  }
0x57: {  	_ =	shalt  }
0x58: {  	_ =	shalt  }
0x59: {  	_ =	shalt  }
0x5a: {  	_ =	shalt  }
0x5b: {  	_ =	shalt  }
0x5c: {  	_ =	shalt  }
0x5d: {  	_ =	shalt  }
0x5e: {  	_ =	shalt  }
0x5f: {  	_ =	shalt  }
0x60: {  	_ =	shalt  }
0x61: {  	_ =	shalt  }
0x62: {  	_ =	shalt  }
0x63: {  	_ =	shalt  }
0x64: {  	_ =	shalt  }
0x65: {  	_ =	shalt  }
0x66: {  	_ =	shalt  }
0x67: {  	_ =	shalt  }
0x68: {  	_ =	shalt  }
0x69: {  	_ =	shalt  }
0x6a: {  	_ =	shalt  }
0x6b: {  	_ =	shalt  }
0x6c: {  	_ =	shalt  }
0x6d: {  	_ =	shalt  }
0x6e: {  	_ =	shalt  }
0x6f: {  	_ =	shalt  }
0x70: {  	_ =	shalt  }
0x71: {  	_ =	shalt  }
0x72: {  	_ =	shalt  }
0x73: {  	_ =	shalt  }
0x74: {  	_ =	shalt  }
0x75: {  	_ =	shalt  }
0x76: {  	_ =	shalt  }
0x77: {  	_ =	shalt  }
0x78: {  	_ =	shalt  }
0x79: {  	_ =	shalt  }
0x7a: {  	_ =	shalt  }
0x7b: {  	_ =	shalt  }
0x7c: {  	_ =	shalt  }
0x7d: {  	_ =	shalt  }
0x7e: {  	_ =	shalt  }
0x7f: {  	_ =	shalt  }
0x80: {  	_ =	shalt  }
0x81: {  	_ =	shalt  }
0x82: {  	_ =	shalt  }
0x83: {  	_ =	shalt  }
0x84: {  	_ =	shalt  }
0x85: {  	_ =	shalt  }
0x86: {  	_ =	shalt  }
0x87: {  	_ =	shalt  }
.Lfunc_end0:
.L_simem_size_0:
called_computation_lowered:
.L_overlay_start_0:
0x88: {  	s0 =	sld [smem:$0x3FD9]  }
0x89: {  	s1 =	sld [smem:$0x3FFE];
	_ =	sdelay $0x3  }
0x8a: {  	s0 =	sadd.s32 s1, s0  }
0x8b: {  	[smem:$0x3FB8] =	sst s0  }
0x8c: {  	_ = 	snop  }
0x8d: {  	s0 =	sld [smem:$0x3FD0];
	(tm) =	ssettm $0x1  }
0x8e: {  	s16 =	sld [smem:$0x3FFB];
	_ =	sdelay $0x3  }
0x8f: {  	_ =	strace s16  }
0x90: {  	s1 =	sld [smem:$0x3FFC];
	_ =	sdelay $0x3  }
0x91: {  	_ =	strace s1  }
0x92: {  	s1 =	sld [smem:$0x3FFD];
	_ =	sdelay $0x3  }
0x93: {  	_ =	strace s1  }
0x94: {  	_ =	strace $0x8FFFFFFF  }
0x95: {  	s17 =	sld [smem:$0x3FDB];
	_ =	sdelay $0x1  }
0x96: {  	s2 =	simm.s32 $_scs_section_size  }
0x97: {  	s3 =	simm.s32 $_size__tile_overlayer_lowered;
	s4 =	simm.s32 $_tile_overlayer_lowered  }
0x98: {  	s20 =	simm.s32 $0x1BFF;
	s19 =	sshll.u32 s4, $0x1;
	s1 =	sadd.s32 s2, s17  }
0x99: {  	s5 =	simm.s32 $0x0;
	s18 =	sshll.u32 s3, $0x1;
	s3 =	sadd.s32 s19, s1  }
0x9a: {  	[timem:s5], [sflag:s20] =	dma.local [hbm:s3], s18  }
0x9b: {  	_ =	swait.ge [sflag:s20], s18  }
0x9c: {  	s2 =	ssub.s32 $0x0, s18;
	[sflag:s20] =	ssyncset.done $0x0  }
0x9d: {  	[sflag:s20] =	ssyncadd.s32 s2;
	_ =	sdelay $0x1  }
0x9e: {  	s21 =	simm.s32 $0x1B8B  }
0x9f: {  	_ =	swait.ge [sflag:s21], $0x1  }
0xa0: {  	[sflag:s21] =	ssyncset.done $0x0  }
0xa1: {  	s23 =	simm.s32 $0x1B8E;
	s22 =	sld [smem:$0x3FFE];
	[sflag:s21] =	ssyncadd.s32 $0xFFFFFFFF  }
0xa2: {  	s24 =	simm.s32 $execute0_lowered;
	[smem:$0x3FD2] =	sst s23  }
0xa3: {  	s3 =	sshll.u32 s24, $0x1;
	_ =	strace $0x80000046;
	[dreg:$0x1] =	wrdreg $0xFFFFFFFF  }
0xa4: {  	s25 =	simm.s32 $_size_execute0_lowered;
	s1 =	sadd.s32 s1, s3;
	[dreg:$0x0] =	wrdreg $0x0  }
0xa5: {  	s3 =	sshll.u32 s25, $0x1;
	[dreg:$0x2] =	wrdreg s1  }
0xa6: {  	[dreg:$0x3] =	wrdreg s3  }
0xa7: {  	[dreg:$0x4] =	wrdreg $0xC0  }
0xa8: {  	_ =	task [dreg:s5], $0x5FFFF  }
0xa9: {  	[dreg:$0x1] =	wrdreg $0xFFFFFFFF  }
0xaa: {  	[dreg:$0x0] =	wrdreg $0x60  }
0xab: {  	[dreg:$0x2] =	wrdreg s0  }
0xac: {  	[dreg:$0x3] =	wrdreg s22  }
0xad: {  	[dreg:$0x4] =	wrdreg $0x9  }
0xae: {  	_ =	task.clear_ibuf [dreg:s5], $0x5FFFF;
	_ =	strace $0x90000046  }
0xaf: {  	s26 =	simm.s32 $0x9;
	_ =	strace $0x80000048  }
0xb0: {  	_ =	swait.ge [sflag:s26], $0x1  }
0xb1: {  	[sflag:s26] =	ssyncadd.s32 $0xFFFFFFFF  }
0xb2: {  	_ =	strace $0x90000048  }
0xb3: {  	_ =	sfence  }
0xb4: {  	s28 =	sld [smem:$0x0];
	_ =	sdelay $0x1  }
0xb5: {  	s29 =	srdreg.scid  }
0xb6: {  	s30 =	sshll.u32 s29, $0xD;
	s31 =	sshrl.u32 s29, $0x2  }
0xb7: {  	s2 =	sand.u32 $0x4000, s30;
	s1 =	sand.u32 $0x1, s29;
	s0 =	sadd.s32 s31, s28  }
0xb8: {  	s1 =	sor.u32 s2, s1;
	s0 =	sshll.u32 s0, $0x11  }
0xb9: {  	s0 =	sor.u32 s0, s1  }
0xba: {  	s0 =	sadd.s32 $0x8F2B, s0  }
0xbb: {  	[sflag:s0] =	ssyncadd.remote.s32 $0x1  }
0xbc: {  	_ =	sfence.sel $0xFFFF  }
0xbd: {  	[dreg:$0x0] =	wrdreg $0xFFFFFFFF;
	(pc) =	sbr.abs _section_cstart, $3  }
0xbe: {  	[dreg:$0x1] =	wrdreg $0xFFFFFFFF  }
0xbf: {  	_ =	task.clear_ibuf [dreg:s5], $0x2FFFF;
	_ =	strace $0x9FFFFFFF  }
0xc0: {  	(tm) =	ssettm $0x7FFFFFFF  }
0xc1: {  	_ =	shalt  }
tec
execute0_lowered:
.L_overlay_start_1:
0x0: {  	(tag) =	ssettag $0x1  }
0x1: {  	s0 =	stileid.u32  }
0x2: {  	s1 =	smin.u32 s0, $0x9  }
0x3: {  	s1 =	sadd.s32 s0, s1  }
0x4: {  	s2 =	simm.s32 $0x190;
	p0 =	slt.u32 s0, $0x9;
	s1 =	smul.u32 $0xC8, s1  }
0x5: {  	s2 =	simm.s32 @!p0 $0xC8  }
0x6: {  	s2 =	sadd.s32 s2, s1  }
0x7: {  	s3 =	smin.u32 s2, $0x1388  }
0x8: {  	s7 =	ssub.s32 s3, s1  }
0x9: {  	p0 =	sgt.s32 s7, $0x0  }
0xa: {  	s7 =	simm.s32 @!p0 $0x0  }
0xb: {  	s31 =	sand.u32 $0xFFF8, s7  }
0xc: {  	s2 =	sshrl.u32 s31, $0x3  }
0xd: {  	s4 =	rddreg [dreg:$0x0];
	s2 =	smul.u32 $0x147B, s2  }
0xe: {  	s9 =	rddreg [dreg:$0x1];
	s6 =	simm.s32 $0x1  }
0xf: {  	s11 =	simm.s32 $0x3;
	s13 =	simm.s32 $0x0;
	s8 =	sshrl.u32 s2, $0x11  }
0x10: {  	s12 =	simm.s32 $0x0;
	s5 =	sadd.s32 $0x2600, s9;
	s10 =	smul.u32 $0xC8, s8  }
.Ltmp0:
0x11: {  	s9 =	sadd.s32 $0x2A00, s9;
	s2 =	rddreg [dreg:$0x2];
	(pc) =	sbr.rel .LBB2_1-.Ltmp0, $4  }
0x12: {  	_ =	strace $0x80000047;
	p0 =	sne.s32 s7, s10;
	s10 =	simm.s32 $0x1  }
0x13: {  	[sflag:s6] =	ssyncpa.u1 $0x0;
	s7 =	simm.s32 $0x2;
	s10 =	simm.s32 @!p0 $0x0  }
0x14: {  	[sflag:s7] =	ssyncpa.u1 $0x0;
	p0 =	por $0x0, $0x0;
	s8 =	sadd.s32 s8, s10  }
0x15: {  	vm0 =	vmmov $0xff;
	vm1 =	vcmask $0x3F20;
	[sflag:s11] =	ssyncpa.u1 $0x0;
	s11 =	smov.u32 s1;
	s10 =	sadd.s32 $0x1, s8  }
.LBB2_6:
0x16: {  	[hbm:s17] =	stream.linear.scatter [tilespmem:s14], [sflag:$0x3], $0x400, $0x38;
	[tilespmem:$0xC990] =	vst v63  }
.LBB2_7:
0x17: {  	s13 =	sadd.s32 $0xC8, s11  }
0x18: {  	s15 =	smov.u32 s1;
	p2 =	slt.s32 s13, s3  }
0x19: {  	s15 =	smov.u32 @p2 s13;
	p2 =	sne.s32 s12, s10  }
.Ltmp1:
0x1a: {  	p1 =	slt.u32 s12, $0x2;
	(pc) =	sbr.rel @!p2 .LBB2_8-.Ltmp1, $4  }
0x1b: {  	s14 =	simm.s32 @!p1 $0x3  }
0x1c: {  	s16 =	sadd.s32 $0x1, s12;
	_ =	swait.ge @!p1 [sflag:s14], $0x6400  }
0x1d: {  	p0 =	por !p0, !p0;
	s13 =	smov.u32 s11;
	[sflag:s14] =	ssyncset.done @!p1 $0x0  }
0x1e: {  	s12 =	smov.u32 s16;
	s11 =	smov.u32 s15;
	[sflag:s14] =	ssyncadd.s32 @!p1 $0xFFFF9C00  }
.LBB2_1:
0x1f: {  	p1 =	sge.u32 s12, s8  }
0x20: {  	s14 =	sxor.u32 @!p1 $0xFFFFFFFF, s12  }
0x21: {  	s14 =	sand.u32 @!p1 $0x1, s14  }
0x22: {  	s14 =	smul.u32 @!p1 $0x320, s14  }
0x23: {  	s31 =	sadd.s32 $0xFFFFFFFF, s12;
	s15 =	sshrl.u32 @!p1 s11, $0x3  }
0x24: {  	s16 =	sand.u32 @!p1 $0x7, s11;
	s15 =	sadd.s32 @!p1 s5, s15;
	s14 =	sshrl.u32 @!p1 s14, $0x2  }
0x25: {  	[tilespmem:s14], [sflag:$0x2] =	stream.linear.gather @!p1 [hbm4b:s15+s16], $0xC8, $0x38;
	[tilespmem:$0xC990] =	vst v63  }
0x26: {  	p1 =	sge.u32 s31, s8  }
.Ltmp2:
0x27: {  	_ = 	snop;
	(pc) =	sbr.rel @p1 .LBB2_7-.Ltmp2, $1  }
0x28: {  	_ =	sdelay $0x3  }
0x29: {  	s14 =	simm.s32 $0x1  }
0x2a: {  	s14 =	simm.s32 @!p0 $0x0  }
0x2b: {  	s15 =	smul.u32 $0x320, s14  }
0x2c: {  	_ =	swait.ge [sflag:s7], $0xC8  }
0x2d: {  	[sflag:s7] =	ssyncset.done $0x0;
	s16 =	sshrl.u32 s15, $0x2  }
0x2e: {  	[sflag:s7] =	ssyncadd.s32 $0xFFFFFF38;
	s15 =	sadd.s32 $0x0, s16  }
0x2f: {  	v0 =	vld.msk [tilespmem:s15+$0x0 ss:$0x1], $0xffff;
	_ =	sdelay $0x4  }
0x30: {  	vm2 =	vgt.s32 v0, $0x0  }
0x31: {  	v0 =	vnsel vm2, $0x0, v0  }
0x32: {  	v0 =	vmin.u32 v0, $0x270F  }
0x33: {  	v0 =	vshll.u32 v0, $0x4  }
0x34: {  	s14 =	smul.u32 $0x19000, s14  }
0x35: {  	s31 =	sand.u32 $0x1, s12  }
0x36: {  	s17 =	smul.u32 $0x320, s31;
	s14 =	sshrl.u32 s14, $0x2  }
0x37: {  	s19 =	smul.u32 $0x19000, s31;
	s14 =	sor.u32 $0x190, s14  }
0x38: {  	[tilespmem:s14], [sflag:$0x1] =	stream.indirect_vreg.gather [hbm:s4], $0x80, v0, vm0, $0x38;
	[tilespmem:$0xC990] =	vst v63  }
0x39: {  	s18 =	sshrl.u32 s17, $0x2;
	s20 =	sadd.s32 $0x10, s16;
	s15 =	sadd.s32 $0x400, s14  }
0x3a: {  	[tilespmem:s15], [sflag:$0x1] =	stream.indirect_vreg.gather [hbm:s4], $0x80, v0, vm1, $0x38;
	[tilespmem:$0xC990] =	vst v63  }
0x3b: {  	s17 =	sshrl.u32 s19, $0x2;
	s19 =	smov.u32 s14;
	v0 =	vld.msk [tilespmem:s20+$0x0 ss:$0x1], $0xffff;
	s20 =	simm.s32 $0x80  }
.LBB2_3:
0x3c: {  	p1 =	sne.s32 s20, $0x2C0;
	_ =	sdelay $0x4  }
0x3d: {  	vm2 =	vgt.s32 v0, $0x0  }
0x3e: {  	v0 =	vnsel vm2, $0x0, v0  }
0x3f: {  	v0 =	vmin.u32 v0, $0x270F  }
0x40: {  	v0 =	vshll.u32 v0, $0x4;
	_ =	sdelay $0x3  }
.Ltmp3:
0x41: {  	s21 =	sshra.s32 s20, $0x2;
	s19 =	sadd.s32 $0x800, s19;
	(pc) =	sbr.rel @p1 .LBB2_3-.Ltmp3, $4  }
0x42: {  	[tilespmem:s19], [sflag:$0x1] =	stream.indirect_vreg.gather [hbm:s4], $0x80, v0, vm0, $0x38;
	[tilespmem:$0xC990] =	vst v63  }
0x43: {  	s21 =	sadd.s32 s21, s16;
	s22 =	sadd.s32 $0x400, s19  }
0x44: {  	[tilespmem:s22], [sflag:$0x1] =	stream.indirect_vreg.gather [hbm:s4], $0x80, v0, vm1, $0x38;
	[tilespmem:$0xC990] =	vst v63  }
0x45: {  	s20 =	sadd.s32 $0x40, s20;
	v0 =	vld.msk [tilespmem:s21+$0x0 ss:$0x1], $0xffff  }
0x46: {  	_ =	sdelay $0x3  }
0x47: {  	vm2 =	vgt.s32 v0, $0x0  }
0x48: {  	v0 =	vnsel vm2, $0x0, v0  }
0x49: {  	v0 =	vmin.u32 v0, $0x270F  }
0x4a: {  	v0 =	vshll.u32 v0, $0x4;
	_ =	sdelay $0x3  }
0x4b: {  	s16 =	sadd.s32 $0x800, s19  }
0x4c: {  	[tilespmem:s16], [sflag:$0x1] =	stream.indirect_vreg.gather [hbm:s4], $0x80, v0, vm0, $0x38;
	[tilespmem:$0xC990] =	vst v63  }
0x4d: {  	s16 =	sadd.s32 $0x400, s16  }
0x4e: {  	[tilespmem:s16], [sflag:$0x1] =	stream.indirect_vreg.gather [hbm:s4], $0x80, v0, vm1, $0x38;
	[tilespmem:$0xC990] =	vst v63  }
0x4f: {  	v0 =	vld.msk [tilespmem:s18+$0xC0 ss:$0x1], $0xff;
	_ =	sdelay $0x4  }
0x50: {  	vm2 =	vgt.s32 v0, $0x0  }
0x51: {  	v0 =	vnsel vm2, $0x0, v0  }
0x52: {  	v0 =	vmin.u32 v0, $0x270F  }
0x53: {  	v0 =	vshll.u32 v0, $0x4;
	_ =	sdelay $0x3  }
0x54: {  	s31 =	sadd.s32 $0x6190, s17  }
0x55: {  	[tilespmem:s31], [sflag:$0x1] =	stream.indirect_vreg.gather [hbm:s4], $0x80, v0, vm0, $0x38;
	[tilespmem:$0xC990] =	vst v63  }
0x56: {  	s13 =	sshll.u32 s13, $0x4;
	_ =	swait.ge [sflag:s6], $0x6400  }
0x57: {  	s13 =	sadd.s32 s13, s9;
	[sflag:s6] =	ssyncset.done $0x0  }
0x58: {  	s17 =	sadd.s32 $0x0, s13;
	s16 =	simm.s32 $0x80;
	[sflag:s6] =	ssyncadd.s32 $0xFFFF9C00  }
.LBB2_5:
0x59: {  	[hbm:s17] =	stream.linear.scatter [tilespmem:s14], [sflag:$0x3], $0x400, $0x38;
	[tilespmem:$0xC990] =	vst v63  }
0x5a: {  	s17 =	smov.u32 s16;
	s14 =	smov.u32 s15;
	p1 =	sne.s32 s16, $0xC00  }
.Ltmp4:
0x5b: {  	s16 =	sadd.s32 $0x80, s16;
	(pc) =	sbr.rel @p1 .LBB2_5-.Ltmp4, $2  }
0x5c: {  	_ =	sdelay $0x2  }
0x5d: {  	s15 =	sadd.s32 $0x400, s15;
	s17 =	sadd.s32 s17, s13  }
.Ltmp5:
0x5e: {  	_ = 	snop;
	(pc) =	sbr.rel .LBB2_6-.Ltmp5, $1  }
0x5f: {  	_ =	sdelay $0x3  }
.LBB2_8:
0x60: {  	_ =	sfence.sel $0x180000  }
0x61: {  	s1 =	simm.s32 $0x2;
	[bflag:$0x0] =	sbarrier.arrive $0xFFFF  }
0x62: {  	s30 =	simm.s32 $0x3;
	[sflag:s1] =	ssyncpa.u1 $0x1  }
0x63: {  	s31 =	simm.s32 $0x1;
	[sflag:s30] =	ssyncpa.u1 $0x1  }
0x64: {  	[sflag:s31] =	ssyncpa.u1 $0x1  }
0x65: {  	p0 =	sne.s32 s0, $0x0;
	_ =	strace $0x90000047  }
0x66: {  	s0 =	sadd.s32 @!p0 $0x100000, s2;
	[bflag:$0x2] =	sbarrier.arrive $0xFFFF  }
0x67: {  	[sflag:s0] =	ssyncadd.tile.s32 @!p0 $0x1;
	_ =	shalt  }
.Lfunc_end2:
_tile_overlayer_lowered:
.L_overlay_start_2:
0x68: {  	(tag) =	ssettag $0x2  }
0x69: {  	s0 =	rddreg [dreg:$0x0];
	s2 =	stileid.u32  }
0x6a: {  	s1 =	rddreg [dreg:$0x1];
	p0 =	sne.s32 s2, $0x0  }
0x6b: {  	s3 =	rddreg [dreg:$0x2];
	[bflag:$0x3] =	sbarrier.arrive $0xFFFF;
	s2 =	simm.s32 @!p0 $0x1C01  }
0x6c: {  	[timem:s3], [sflag:s2] =	dma.local @!p0 [hbm:s0], s1  }
0x6d: {  	s0 =	simm.s32 @!p0 $0x1  }
0x6e: {  	_ =	swait.ge @!p0 [sflag:s0], s1  }
0x6f: {  	s1 =	ssub.s32 @!p0 $0x0, s1;
	[sflag:s0] =	ssyncset.done @!p0 $0x0  }
0x70: {  	[sflag:s0] =	ssyncadd.s32 @!p0 s1  }
0x71: {  	[bflag:$0x3] =	sbarrier.arrive $0xFFFF  }
0x72: {  	_ =	shalt  }

// kernel: kernel.11.cloned.1.call-start
scs
__scs_entry_jumppad:
0x0: {  	(pc) =	sbr.rel $0x88, $3  }
0x1: {  	(tag) =	ssettag $0x0;
	lr =	simm.s32 $0x1  }
0x2: {  	[smem:$0x3F91] =	sst lr;
	_ =	strace $0xD0000000  }
0x3: {  	_ = 	snop  }
0x4: {  	_ = 	snop  }
0x5: {  	_ = 	snop  }
0x6: {  	_ = 	snop  }
0x7: {  	_ = 	snop  }
__scs_overlays_trampoline_lowered:
0x8: {  	[smem:$0x3FA0] =	sst s0  }
0x9: {  	[smem:$0x3FA1] =	sst s1  }
0xa: {  	[smem:$0x3FA2] =	sst s2  }
0xb: {  	[smem:$0x3FA3] =	sst s3  }
0xc: {  	[smem:$0x3FA4] =	sst s4  }
0xd: {  	[smem:$0x3FA5] =	sst s5  }
0xe: {  	[smem:$0x3FA6] =	sst s6  }
0xf: {  	[smem:$0x3FA7] =	sst s7  }
0x10: {  	[smem:$0x3FA8] =	sst s8  }
0x11: {  	[smem:$0x3FA9] =	sst s9;
	s0 =	simm.s32 @!p0 $0x0  }
0x12: {  	s1 =	sld [smem:$0x3F8F];
	s0 =	simm.s32 @p0 $0x1  }
0x13: {  	[smem:$0x3FAA] =	sst s0;
	s0 =	simm.s32 @!p1 $0x0  }
0x14: {  	s2 =	sld [smem:$0x3F8E];
	s0 =	simm.s32 @p1 $0x1  }
0x15: {  	[smem:$0x3FAB] =	sst s0;
	s0 =	simm.s32 @!p2 $0x0  }
0x16: {  	s3 =	sld [smem:$0x3FDB];
	s0 =	simm.s32 @p2 $0x1  }
0x17: {  	s4 =	simm.s32 $0x1BF5;
	[smem:$0x3FAD] =	sst s0  }
0x18: {  	s0 =	sld [smem:$0x3F90];
	_ =	swait.ge [sflag:s4], $0x0  }
0x19: {  	s7 =	sld [smem:$0x3F91]  }
0x1a: {  	s8 =	sadd.s32 $0xFFFFE003, lr  }
0x1b: {  	s9 =	sadd.s32 $0xFFFFFEF7, lr;
	s5 =	simm.s32 $0xFFFFFFFF;
	p2 =	slt.u32 s8, $0xFFFFF086  }
0x1c: {  	p1 =	slt.u32 s9, $0xF7A;
	s5 =	simm.s32 @!p2 $0x0  }
0x1d: {  	s5 =	simm.s32 @p1 $0x1;
	p0 =	seq.s32 s7, s2  }
0x1e: {  	s7 =	smul.u32 @!p0 $0xF7A, s2;
	p2 =	seq.s32 @!p0 s5, $0x0  }
0x1f: {  	s9 =	smul.u32 $0xF7A, s1;
	s8 =	simm.s32 @!p0 $0x1BF5;
	p2 =	por !p2, p0  }
0x20: {  	[sflag:s8] =	ssyncset.s32 @!p0 $0xFFFFF086;
	s6 =	sadd.s32 @!p0 s3, s7;
	s7 =	simm.s32 @!p0 $0x108  }
0x21: {  	s3 =	sadd.s32 s3, s9;
	s6 =	sadd.s32 @!p0 $0x88, s6;
	s7 =	simm.s32 @p2 $0x1082  }
0x22: {  	[simem:s7], [sflag:s8] =	dma.local @!p0 [hbm:s6], $0xF7A  }
0x23: {  	s9 =	sor.u32 $0xD0000000, s2;
	s6 =	simm.s32 $0x108;
	_ =	swait.ge @!p0 [sflag:s8], $0x0  }
0x24: {  	s3 =	sadd.s32 $0x88, s3;
	s6 =	simm.s32 @!p1 $0x1082;
	[sflag:s4] =	ssyncset.s32 $0xFFFFF086  }
0x25: {  	[simem:s6], [sflag:s4] =	dma.local [hbm:s3], $0xF7A  }
0x26: {  	[smem:$0x3F91] =	sst s1;
	(tag) =	ssettag s2;
	_ =	strace s9  }
0x27: {  	s1 =	sld [smem:$0x3FA1]  }
0x28: {  	s2 =	sld [smem:$0x3FA2]  }
0x29: {  	s4 =	sld [smem:$0x3FA4]  }
0x2a: {  	p0 =	seq.s32 s5, $0x0;
	s5 =	sld [smem:$0x3FA5]  }
0x2b: {  	s6 =	sld [smem:$0x3FA6]  }
0x2c: {  	s7 =	sld [smem:$0x3FA7]  }
0x2d: {  	s3 =	simm.s32 $0x108;
	s8 =	sld [smem:$0x3FA8]  }
0x2e: {  	s3 =	simm.s32 @!p0 $0x1082;
	s9 =	sld [smem:$0x3FA9]  }
0x2f: {  	lr =	sadd.s32 s0, s3;
	s0 =	sld [smem:$0x3FA0]  }
0x30: {  	s3 =	sld [smem:$0x3FA3]  }
0x31: {  	[smem:$0x3FAC] =	sst s10  }
0x32: {  	s10 =	sld [smem:$0x3FAA];
	_ =	sdelay $0x3  }
0x33: {  	p0 =	seq.s32 s10, $0x1;
	s10 =	sld [smem:$0x3FAC];
	_ =	sdelay $0x3  }
0x34: {  	[smem:$0x3FAC] =	sst s10  }
0x35: {  	s10 =	sld [smem:$0x3FAB];
	_ =	sdelay $0x3  }
0x36: {  	p1 =	seq.s32 s10, $0x1;
	s10 =	sld [smem:$0x3FAC];
	_ =	sdelay $0x3  }
0x37: {  	[smem:$0x3FAC] =	sst s10  }
0x38: {  	s10 =	sld [smem:$0x3FAD]  }
0x39: {  	_ = 	snop;
	(pc) =	sbr.ind lr, $3  }
0x3a: {  	_ = 	snop  }
0x3b: {  	_ = 	snop  }
0x3c: {  	p2 =	seq.s32 s10, $0x1;
	s10 =	sld [smem:$0x3FAC]  }
0x3d: {  	_ =	shalt  }
0x3e: {  	_ =	shalt  }
0x3f: {  	_ =	shalt  }
0x40: {  	_ =	shalt  }
0x41: {  	_ =	shalt  }
0x42: {  	_ =	shalt  }
0x43: {  	_ =	shalt  }
0x44: {  	_ =	shalt  }
0x45: {  	_ =	shalt  }
0x46: {  	_ =	shalt  }
0x47: {  	_ =	shalt  }
0x48: {  	_ =	shalt  }
0x49: {  	_ =	shalt  }
0x4a: {  	_ =	shalt  }
0x4b: {  	_ =	shalt  }
0x4c: {  	_ =	shalt  }
0x4d: {  	_ =	shalt  }
0x4e: {  	_ =	shalt  }
0x4f: {  	_ =	shalt  }
0x50: {  	_ =	shalt  }
0x51: {  	_ =	shalt  }
0x52: {  	_ =	shalt  }
0x53: {  	_ =	shalt  }
0x54: {  	_ =	shalt  }
0x55: {  	_ =	shalt  }
0x56: {  	_ =	shalt  }
0x57: {  	_ =	shalt  }
0x58: {  	_ =	shalt  }
0x59: {  	_ =	shalt  }
0x5a: {  	_ =	shalt  }
0x5b: {  	_ =	shalt  }
0x5c: {  	_ =	shalt  }
0x5d: {  	_ =	shalt  }
0x5e: {  	_ =	shalt  }
0x5f: {  	_ =	shalt  }
0x60: {  	_ =	shalt  }
0x61: {  	_ =	shalt  }
0x62: {  	_ =	shalt  }
0x63: {  	_ =	shalt  }
0x64: {  	_ =	shalt  }
0x65: {  	_ =	shalt  }
0x66: {  	_ =	shalt  }
0x67: {  	_ =	shalt  }
0x68: {  	_ =	shalt  }
0x69: {  	_ =	shalt  }
0x6a: {  	_ =	shalt  }
0x6b: {  	_ =	shalt  }
0x6c: {  	_ =	shalt  }
0x6d: {  	_ =	shalt  }
0x6e: {  	_ =	shalt  }
0x6f: {  	_ =	shalt  }
0x70: {  	_ =	shalt  }
0x71: {  	_ =	shalt  }
0x72: {  	_ =	shalt  }
0x73: {  	_ =	shalt  }
0x74: {  	_ =	shalt  }
0x75: {  	_ =	shalt  }
0x76: {  	_ =	shalt  }
0x77: {  	_ =	shalt  }
0x78: {  	_ =	shalt  }
0x79: {  	_ =	shalt  }
0x7a: {  	_ =	shalt  }
0x7b: {  	_ =	shalt  }
0x7c: {  	_ =	shalt  }
0x7d: {  	_ =	shalt  }
0x7e: {  	_ =	shalt  }
0x7f: {  	_ =	shalt  }
0x80: {  	_ =	shalt  }
0x81: {  	_ =	shalt  }
0x82: {  	_ =	shalt  }
0x83: {  	_ =	shalt  }
0x84: {  	_ =	shalt  }
0x85: {  	_ =	shalt  }
0x86: {  	_ =	shalt  }
0x87: {  	_ =	shalt  }
.Lfunc_end0:
.L_simem_size_0:
called_computation.1_lowered:
.L_overlay_start_0:
0x88: {  	s2 =	sld [smem:$0x3FD9]  }
0x89: {  	s3 =	sld [smem:$0x3FFE];
	_ =	sdelay $0x1  }
0x8a: {  	s1 =	srdreg.scid  }
0x8b: {  	s0 =	sand.u32 $0x1, s1  }
0x8c: {  	s17 =	sshll.u32 s0, $0xA;
	s2 =	sadd.s32 s3, s2  }
0x8d: {  	s2 =	sadd.s32 s2, s17  }
0x8e: {  	[smem:$0x3FB8] =	sst s2  }
0x8f: {  	_ = 	snop  }
0x90: {  	(tm) =	ssettm $0x1  }
0x91: {  	s18 =	sld [smem:$0x3FFB];
	_ =	sdelay $0x3  }
0x92: {  	_ =	strace s18  }
0x93: {  	s2 =	sld [smem:$0x3FFC];
	_ =	sdelay $0x3  }
0x94: {  	_ =	strace s2  }
0x95: {  	s2 =	sld [smem:$0x3FFD];
	_ =	sdelay $0x3  }
0x96: {  	_ =	strace s2  }
0x97: {  	_ =	strace $0x8FFFFFFF  }
0x98: {  	s19 =	sld [smem:$0x3FDB];
	_ =	sdelay $0x1  }
0x99: {  	s20 =	simm.s32 $_scs_section_size  }
0x9a: {  	s4 =	simm.s32 $_size__tile_overlayer_lowered;
	s5 =	simm.s32 $_tile_overlayer_lowered  }
0x9b: {  	s6 =	simm.s32 $0x1BFF;
	s21 =	sshll.u32 s5, $0x1;
	s3 =	sadd.s32 s20, s19  }
0x9c: {  	s22 =	simm.s32 $0x0;
	s4 =	sshll.u32 s4, $0x1;
	s5 =	sadd.s32 s21, s3  }
0x9d: {  	[timem:s22], [sflag:s6] =	dma.local [hbm:s5], s4  }
0x9e: {  	_ =	swait.ge [sflag:s6], s4  }
0x9f: {  	s4 =	ssub.s32 $0x0, s4;
	[sflag:s6] =	ssyncset.done $0x0  }
0xa0: {  	[sflag:s6] =	ssyncadd.s32 s4;
	_ =	sdelay $0x1  }
0xa1: {  	s23 =	simm.s32 $0x1B8B  }
0xa2: {  	_ =	swait.ge [sflag:s23], $0x1  }
0xa3: {  	[sflag:s23] =	ssyncset.done $0x0  }
0xa4: {  	[sflag:s23] =	ssyncadd.s32 $0xFFFFFFFF  }
0xa5: {  	s4 =	sld [smem:$0x0]  }
0xa6: {  	s5 =	sand.u32 $0xFFFFFFFE, s1  }
0xa7: {  	p0 =	sne.s32 s1, s5  }
0xa8: {  	s5 =	sshll.u32 @p0 s5, $0xE  }
0xa9: {  	s5 =	sadd.s32 @p0 $0x11B8D, s5;
	s6 =	sshll.u32 @p0 s4, $0x11  }
0xaa: {  	s5 =	sor.u32 @p0 s6, s5  }
0xab: {  	[sflag:s5] =	ssyncadd.remote.s32 @p0 $0x1;
	_ =	sdelay $0x1  }
0xac: {  	s5 =	simm.s32 @p0 $0x1B8D  }
0xad: {  	_ =	swait.eq @p0 [sflag:s5], $0x1  }
0xae: {  	[sflag:s5] =	ssyncadd.s32 @p0 $0xFFFFFFFF  }
0xaf: {  	s6 =	sshll.u32 @!p0 s1, $0xE  }
0xb0: {  	s6 =	sor.u32 @!p0 $0x4000, s6;
	s5 =	simm.s32 @!p0 $0x1B8D  }
0xb1: {  	s4 =	sshll.u32 @!p0 s4, $0x11;
	s6 =	sadd.s32 @!p0 $0x11B8D, s6;
	_ =	swait.eq @!p0 [sflag:s5], $0x1  }
0xb2: {  	s4 =	sor.u32 @!p0 s4, s6;
	[sflag:s5] =	ssyncadd.s32 @!p0 $0xFFFFFFFF  }
0xb3: {  	s25 =	simm.s32 $0x1B8E;
	s24 =	sld [smem:$0x3FFE];
	[sflag:s4] =	ssyncadd.remote.s32 @!p0 $0x1  }
0xb4: {  	s26 =	simm.s32 $execute0_lowered;
	[smem:$0x3FD2] =	sst s25  }
0xb5: {  	s5 =	sshll.u32 s26, $0x1;
	_ =	strace $0x80000049;
	[dreg:$0x1] =	wrdreg $0xFFFFFFFF  }
0xb6: {  	s28 =	simm.s32 $_size_execute0_lowered;
	s3 =	sadd.s32 s3, s5;
	[dreg:$0x0] =	wrdreg $0x0  }
0xb7: {  	s5 =	sshll.u32 s28, $0x1;
	[dreg:$0x2] =	wrdreg s3  }
0xb8: {  	[dreg:$0x3] =	wrdreg s5  }
0xb9: {  	[dreg:$0x4] =	wrdreg $0xC0  }
0xba: {  	_ =	task [dreg:s22], $0x5FFFF  }
0xbb: {  	[dreg:$0x1] =	wrdreg $0xFFFFFFFF  }
0xbc: {  	[dreg:$0x0] =	wrdreg $0x60  }
0xbd: {  	[dreg:$0x2] =	wrdreg s24  }
0xbe: {  	[dreg:$0x3] =	wrdreg $0x66800  }
0xbf: {  	[dreg:$0x4] =	wrdreg $0xA  }
0xc0: {  	_ =	task.clear_ibuf [dreg:s22], $0x5FFFF;
	_ =	strace $0x90000049  }
0xc1: {  	s29 =	simm.s32 $0xA;
	_ =	strace $0x8000004B  }
0xc2: {  	_ =	swait.ge [sflag:s29], $0x1  }
0xc3: {  	[sflag:s29] =	ssyncadd.s32 $0xFFFFFFFF  }
0xc4: {  	_ =	strace $0x9000004B  }
0xc5: {  	_ =	sfence  }
0xc6: {  	s30 =	sld [smem:$0x0];
	_ =	sdelay $0x2  }
0xc7: {  	s31 =	sshll.u32 s1, $0xD;
	s1 =	sshrl.u32 s1, $0x2  }
0xc8: {  	s4 =	sand.u32 $0x4000, s31;
	s1 =	sadd.s32 s1, s30  }
0xc9: {  	s0 =	sor.u32 s4, s0;
	s1 =	sshll.u32 s1, $0x11  }
0xca: {  	s0 =	sor.u32 s1, s0  }
0xcb: {  	s0 =	sadd.s32 $0x8F2B, s0  }
0xcc: {  	[sflag:s0] =	ssyncadd.remote.s32 $0x1  }
0xcd: {  	_ =	sfence.sel $0xFFFF  }
0xce: {  	[dreg:$0x0] =	wrdreg $0xFFFFFFFF;
	(pc) =	sbr.abs _section_cstart, $3  }
0xcf: {  	[dreg:$0x1] =	wrdreg $0xFFFFFFFF  }
0xd0: {  	_ =	task.clear_ibuf [dreg:s22], $0x2FFFF;
	_ =	strace $0x9FFFFFFF  }
0xd1: {  	(tm) =	ssettm $0x7FFFFFFF  }
tec
execute0_lowered:
.L_overlay_start_1:
0x0: {  	(tag) =	ssettag $0x1  }
0x1: {  	s6 =	rddreg [dreg:$0x0]  }
0x2: {  	s0 =	srdreg.scid;
	s2 =	rddreg [dreg:$0x1]  }
0x3: {  	s3 =	simm.s32 $0x0;
	s14 =	simm.s32 $0x7D;
	s15 =	simm.s32 $0x2800  }
0x4: {  	s16 =	simm.s32 $0x1;
	s17 =	simm.s32 $0x80;
	s18 =	simm.s32 $0x4740  }
0x5: {  	s19 =	simm.s32 $0x1480;
	s20 =	simm.s32 $0x2;
	s21 =	simm.s32 $0x100  }
0x6: {  	s22 =	simm.s32 $0x2700;
	s23 =	simm.s32 $0x1380;
	s24 =	simm.s32 $0x2780  }
0x7: {  	s25 =	simm.s32 $0x0;
	s5 =	sand.u32 $0x1, s0;
	s0 =	stileid.u32  }
0x8: {  	[smem:$0x7FF] =	sst s3;
	s4 =	sadd.s32 $0x16400, s6;
	s8 =	smul.u32 $0x5000, s0  }
0x9: {  	s1 =	sshll.u32 s5, $0x4;
	s9 =	smul.u32 $0x50000, s5;
	s10 =	ssub.s32 $0x2, s5  }
0xa: {  	s5 =	sadd.s32 $0x2A200, s6;
	s12 =	sshll.u32 s0, $0x6;
	s1 =	sor.u32 s0, s1  }
0xb: {  	s11 =	sshrl.u32 s10, $0x1;
	s12 =	sor.u32 $0x1C03, s12;
	s7 =	smul.u32 $0x280, s1  }
0xc: {  	s1 =	rddreg [dreg:$0x2];
	_ =	strace $0x8000004A;
	s9 =	sadd.s32 s8, s9  }
0xd: {  	s10 =	ssub.s32 s10, s11;
	s13 =	sadd.s32 s8, s2;
	s11 =	simm.s32 $0x1400  }
0xe: {  	s9 =	sshrl.u32 s9, $0x3;
	s13 =	sshrl.u32 s13, $0x3;
	s7 =	sadd.s32 s7, s6  }
0xf: {  	s9 =	sadd.s32 s9, s6;
	s6 =	sadd.s32 $0x25200, s7;
	s7 =	sadd.s32 $0x20200, s7  }
0x10: {  	s8 =	sadd.s32 $0x2AC00, s9;
	s9 =	smax.u32 s10, $0x1;
	s10 =	simm.s32 $0x3  }
.LBB2_1:
0x11: {  	[tilespmem:s3], [sflag:$0x3] =	stream.linear.gather [hbm4b:s6+s3], $0x1400, $0x38;
	[tilespmem:$0xB680] =	vst v63  }
0x12: {  	_ =	swait.ge [sflag:s10], $0x1400  }
0x13: {  	[sflag:s10] =	ssyncset.done $0x0  }
0x14: {  	[sflag:s10] =	ssyncadd.s32 $0xFFFFEC00  }
0x15: {  	[tilespmem:s11], [sflag:$0x3] =	stream.linear.gather [hbm4b:s7+s3], $0x1400, $0x38;
	[tilespmem:$0xB680] =	vst v63  }
0x16: {  	_ =	swait.ge [sflag:s10], $0x1400  }
0x17: {  	[sflag:s10] =	ssyncset.done $0x0  }
0x18: {  	[sflag:s10] =	ssyncadd.s32 $0xFFFFEC00  }
0x19: {  	[spmem:s13], [sflag:s12] =	dma.local [hbm:s5], $0xA00  }
0x1a: {  	_ =	swait.ge [sflag:s10], $0xA00  }
0x1b: {  	[sflag:s10] =	ssyncset.done $0x0  }
0x1c: {  	[sflag:s10] =	ssyncadd.s32 $0xFFFFF600  }
0x1d: {  	[bflag:$0x0] =	sbarrier.arrive $0xFFFF  }
0x1e: {  	[tilespmem:s15], [sflag:$0x1] =	stream.indirect.gather [hbm4b:s4+s14], $0x40, s3, s14, $0xb8;
	[tilespmem:$0xB680] =	vst v63  }
0x1f: {  	_ =	swait.ge [sflag:s16], $0x1F40  }
0x20: {  	[sflag:s16] =	ssyncset.done $0x0  }
0x21: {  	[sflag:s16] =	ssyncadd.s32 $0xFFFFE0C0  }
0x22: {  	[spmem:s2] =	stream.indirect.scatter.add.f32 [tilespmem:s15], [sflag:$0x2], $0x40, s11, s14, $0xb8;
	[tilespmem:$0xB680] =	vst v63  }
0x23: {  	_ = 	snop  }
0x24: {  	[tilespmem:s18], [sflag:$0x1] =	stream.indirect.gather [hbm4b:s4+s14], $0x40, s17, s14, $0xb8;
	[tilespmem:$0xB680] =	vst v63  }
0x25: {  	_ =	swait.ge [sflag:s16], $0x1F40  }
0x26: {  	[sflag:s16] =	ssyncset.done $0x0  }
0x27: {  	[sflag:s16] =	ssyncadd.s32 $0xFFFFE0C0  }
0x28: {  	[spmem:s2] =	stream.indirect.scatter.add.f32 [tilespmem:s18], [sflag:$0x2], $0x40, s19, s14, $0xb8;
	[tilespmem:$0xB680] =	vst v63  }
0x29: {  	_ =	swait.ge [sflag:s20], $0x1F40  }
0x2a: {  	[sflag:s20] =	ssyncset.done $0x0  }
0x2b: {  	[sflag:s20] =	ssyncadd.s32 $0xFFFFE0C0  }
0x2c: {  	[tilespmem:s15], [sflag:$0x1] =	stream.indirect.gather [hbm4b:s4+s14], $0x40, s21, s14, $0xb8;
	[tilespmem:$0xB680] =	vst v63  }
0x2d: {  	_ =	swait.ge [sflag:s16], $0x1F40  }
0x2e: {  	[sflag:s16] =	ssyncset.done $0x0  }
0x2f: {  	s26 =	simm.s32 $0x1500;
	[sflag:s16] =	ssyncadd.s32 $0xFFFFE0C0  }
0x30: {  	[spmem:s2] =	stream.indirect.scatter.add.f32 [tilespmem:s15], [sflag:$0x2], $0x40, s26, s14, $0xb8;
	[tilespmem:$0xB680] =	vst v63  }
0x31: {  	_ =	swait.ge [sflag:s20], $0x1F40  }
0x32: {  	[sflag:s20] =	ssyncset.done $0x0  }
0x33: {  	s30 =	simm.s32 $0x180;
	[sflag:s20] =	ssyncadd.s32 $0xFFFFE0C0  }
0x34: {  	[tilespmem:s18], [sflag:$0x1] =	stream.indirect.gather [hbm4b:s4+s14], $0x40, s30, s14, $0xb8;
	[tilespmem:$0xB680] =	vst v63  }
0x35: {  	_ =	swait.ge [sflag:s16], $0x1F40  }
0x36: {  	[sflag:s16] =	ssyncset.done $0x0  }
0x37: {  	s31 =	simm.s32 $0x1580;
	[sflag:s16] =	ssyncadd.s32 $0xFFFFE0C0  }
0x38: {  	[spmem:s2] =	stream.indirect.scatter.add.f32 [tilespmem:s18], [sflag:$0x2], $0x40, s31, s14, $0xb8;
	[tilespmem:$0xB680] =	vst v63  }
0x39: {  	_ =	swait.ge [sflag:s20], $0x1F40  }
0x3a: {  	[sflag:s20] =	ssyncset.done $0x0  }
0x3b: {  	s28 =	simm.s32 $0x200;
	s26 =	simm.s32 $0xFFFFBC00;
	[sflag:s20] =	ssyncadd.s32 $0xFFFFE0C0  }
.LBB2_2:
0x3c: {  	[tilespmem:s15], [sflag:$0x1] =	stream.indirect.gather [hbm4b:s4+s14], $0x40, s28, s14, $0xb8;
	[tilespmem:$0xB680] =	vst v63  }
0x3d: {  	s28 =	smov.u32 s26  }
0x3e: {  	p0 =	sne.s32 s26, $0xFFFFFC00;
	s26 =	sadd.s32 $0x400, s26;
	_ =	swait.ge [sflag:s16], $0x1F40  }
0x3f: {  	s28 =	sshra.s32 s28, $0x2;
	[sflag:s16] =	ssyncset.done $0x0  }
0x40: {  	s29 =	sadd.s32 $0x2700, s28;
	[sflag:s16] =	ssyncadd.s32 $0xFFFFE0C0  }
0x41: {  	[spmem:s2] =	stream.indirect.scatter.add.f32 [tilespmem:s15], [sflag:$0x2], $0x40, s29, s14, $0xb8;
	[tilespmem:$0xB680] =	vst v63  }
0x42: {  	_ =	swait.ge [sflag:s20], $0x1F40  }
0x43: {  	[sflag:s20] =	ssyncset.done $0x0  }
0x44: {  	s29 =	sadd.s32 $0x1380, s28;
	[sflag:s20] =	ssyncadd.s32 $0xFFFFE0C0  }
0x45: {  	[tilespmem:s18], [sflag:$0x1] =	stream.indirect.gather [hbm4b:s4+s14], $0x40, s29, s14, $0xb8;
	[tilespmem:$0xB680] =	vst v63  }
0x46: {  	_ =	swait.ge [sflag:s16], $0x1F40  }
0x47: {  	[sflag:s16] =	ssyncset.done $0x0  }
.Ltmp0:
0x48: {  	s29 =	sadd.s32 $0x2780, s28;
	[sflag:s16] =	ssyncadd.s32 $0xFFFFE0C0;
	(pc) =	sbr.rel @p0 .LBB2_2-.Ltmp0, $4  }
0x49: {  	[spmem:s2] =	stream.indirect.scatter.add.f32 [tilespmem:s18], [sflag:$0x2], $0x40, s29, s14, $0xb8;
	[tilespmem:$0xB680] =	vst v63  }
0x4a: {  	_ =	swait.ge [sflag:s20], $0x1F40  }
0x4b: {  	[sflag:s20] =	ssyncset.done $0x0  }
0x4c: {  	s28 =	sadd.s32 $0x1400, s28;
	[sflag:s20] =	ssyncadd.s32 $0xFFFFE0C0  }
0x4d: {  	[tilespmem:s15], [sflag:$0x1] =	stream.indirect.gather [hbm4b:s4+s14], $0x40, s28, s14, $0xb8;
	[tilespmem:$0xB680] =	vst v63  }
0x4e: {  	_ =	swait.ge [sflag:s16], $0x1F40  }
0x4f: {  	[sflag:s16] =	ssyncset.done $0x0  }
0x50: {  	[sflag:s16] =	ssyncadd.s32 $0xFFFFE0C0  }
0x51: {  	[spmem:s2] =	stream.indirect.scatter.add.f32 [tilespmem:s15], [sflag:$0x2], $0x40, s22, s14, $0xb8;
	[tilespmem:$0xB680] =	vst v63  }
0x52: {  	_ =	swait.ge [sflag:s20], $0x1F40  }
0x53: {  	[sflag:s20] =	ssyncset.done $0x0  }
0x54: {  	[sflag:s20] =	ssyncadd.s32 $0xFFFFE0C0  }
0x55: {  	[tilespmem:s18], [sflag:$0x1] =	stream.indirect.gather [hbm4b:s4+s14], $0x40, s23, s14, $0xb8;
	[tilespmem:$0xB680] =	vst v63  }
0x56: {  	_ =	swait.ge [sflag:s16], $0x1F40  }
0x57: {  	[sflag:s16] =	ssyncset.done $0x0  }
0x58: {  	[sflag:s16] =	ssyncadd.s32 $0xFFFFE0C0  }
0x59: {  	[spmem:s2] =	stream.indirect.scatter.add.f32 [tilespmem:s18], [sflag:$0x2], $0x40, s24, s14, $0xb8;
	[tilespmem:$0xB680] =	vst v63  }
0x5a: {  	_ =	swait.ge [sflag:s20], $0x1F40  }
0x5b: {  	[sflag:s20] =	ssyncset.done $0x0  }
0x5c: {  	[sflag:s20] =	ssyncadd.s32 $0xFFFFE0C0  }
0x5d: {  	[tilespmem:s15], [sflag:$0x1] =	stream.indirect.gather [hbm4b:s4+s14], $0x40, s23, s14, $0xb8;
	[tilespmem:$0xB680] =	vst v63  }
0x5e: {  	_ =	swait.ge [sflag:s16], $0x1F40  }
0x5f: {  	[sflag:s16] =	ssyncset.done $0x0  }
0x60: {  	[sflag:s16] =	ssyncadd.s32 $0xFFFFE0C0  }
0x61: {  	_ =	swait.ge [sflag:s20], $0x1F40  }
0x62: {  	s25 =	sadd.s32 $0x1, s25;
	[sflag:s20] =	ssyncset.done $0x0  }
0x63: {  	p0 =	sne.s32 s25, s9;
	[sflag:s20] =	ssyncadd.s32 $0xFFFFE0C0  }
.Ltmp1:
0x64: {  	[bflag:$0x0] =	sbarrier.arrive $0xFFFF;
	(pc) =	sbr.rel @p0 .LBB2_1-.Ltmp1, $4  }
0x65: {  	[hbm:s8], [sflag:s12] =	dma.local [spmem:s13], $0xA00  }
0x66: {  	_ =	swait.ge [sflag:s10], $0xA00  }
0x67: {  	[sflag:s10] =	ssyncset.done $0x0  }
0x68: {  	[sflag:s10] =	ssyncadd.s32 $0xFFFFF600  }
0x69: {  	_ =	sfence.sel $0x180000  }
0x6a: {  	[bflag:$0x0] =	sbarrier.arrive $0xFFFF  }
0x6b: {  	p0 =	sne.s32 s0, $0x0;
	_ =	strace $0x9000004A  }
0x6c: {  	s0 =	sadd.s32 @!p0 $0x100000, s1;
	[bflag:$0x2] =	sbarrier.arrive $0xFFFF  }
0x6d: {  	[sflag:s0] =	ssyncadd.tile.s32 @!p0 $0x1;
	_ =	shalt  }
.Lfunc_end2:
_tile_overlayer_lowered:
.L_overlay_start_2:
0x6e: {  	(tag) =	ssettag $0x2  }
0x6f: {  	s0 =	rddreg [dreg:$0x0];
	s2 =	stileid.u32  }
0x70: {  	s1 =	rddreg [dreg:$0x1];
	p0 =	sne.s32 s2, $0x0  }
0x71: {  	s3 =	rddreg [dreg:$0x2];
	[bflag:$0x3] =	sbarrier.arrive $0xFFFF;
	s2 =	simm.s32 @!p0 $0x1C03  }
0x72: {  	[timem:s3], [sflag:s2] =	dma.local @!p0 [hbm:s0], s1  }
0x73: {  	s0 =	simm.s32 @!p0 $0x3  }
0x74: {  	_ =	swait.ge @!p0 [sflag:s0], s1  }
0x75: {  	s1 =	ssub.s32 @!p0 $0x0, s1;
	[sflag:s0] =	ssyncset.done @!p0 $0x0  }
0x76: {  	[sflag:s0] =	ssyncadd.s32 @!p0 s1  }
0x77: {  	[bflag:$0x3] =	sbarrier.arrive $0xFFFF  }
0x78: {  	_ =	shalt  }

// kernel: kernel.14.cloned.1.call-start
scs
__scs_entry_jumppad:
0x0: {  	(pc) =	sbr.rel $0x88, $3  }
0x1: {  	(tag) =	ssettag $0x0;
	lr =	simm.s32 $0x1  }
0x2: {  	[smem:$0x3F91] =	sst lr;
	_ =	strace $0xD0000000  }
0x3: {  	_ = 	snop  }
0x4: {  	_ = 	snop  }
0x5: {  	_ = 	snop  }
0x6: {  	_ = 	snop  }
0x7: {  	_ = 	snop  }
__scs_overlays_trampoline_lowered:
0x8: {  	[smem:$0x3FA0] =	sst s0  }
0x9: {  	[smem:$0x3FA1] =	sst s1  }
0xa: {  	[smem:$0x3FA2] =	sst s2  }
0xb: {  	[smem:$0x3FA3] =	sst s3  }
0xc: {  	[smem:$0x3FA4] =	sst s4  }
0xd: {  	[smem:$0x3FA5] =	sst s5  }
0xe: {  	[smem:$0x3FA6] =	sst s6  }
0xf: {  	[smem:$0x3FA7] =	sst s7  }
0x10: {  	[smem:$0x3FA8] =	sst s8  }
0x11: {  	[smem:$0x3FA9] =	sst s9;
	s0 =	simm.s32 @!p0 $0x0  }
0x12: {  	s1 =	sld [smem:$0x3F8F];
	s0 =	simm.s32 @p0 $0x1  }
0x13: {  	[smem:$0x3FAA] =	sst s0;
	s0 =	simm.s32 @!p1 $0x0  }
0x14: {  	s2 =	sld [smem:$0x3F8E];
	s0 =	simm.s32 @p1 $0x1  }
0x15: {  	[smem:$0x3FAB] =	sst s0;
	s0 =	simm.s32 @!p2 $0x0  }
0x16: {  	s3 =	sld [smem:$0x3FDB];
	s0 =	simm.s32 @p2 $0x1  }
0x17: {  	s4 =	simm.s32 $0x1BF5;
	[smem:$0x3FAD] =	sst s0  }
0x18: {  	s0 =	sld [smem:$0x3F90];
	_ =	swait.ge [sflag:s4], $0x0  }
0x19: {  	s7 =	sld [smem:$0x3F91]  }
0x1a: {  	s8 =	sadd.s32 $0xFFFFE003, lr  }
0x1b: {  	s9 =	sadd.s32 $0xFFFFFEF7, lr;
	s5 =	simm.s32 $0xFFFFFFFF;
	p2 =	slt.u32 s8, $0xFFFFF086  }
0x1c: {  	p1 =	slt.u32 s9, $0xF7A;
	s5 =	simm.s32 @!p2 $0x0  }
0x1d: {  	s5 =	simm.s32 @p1 $0x1;
	p0 =	seq.s32 s7, s2  }
0x1e: {  	s7 =	smul.u32 @!p0 $0xF7A, s2;
	p2 =	seq.s32 @!p0 s5, $0x0  }
0x1f: {  	s9 =	smul.u32 $0xF7A, s1;
	s8 =	simm.s32 @!p0 $0x1BF5;
	p2 =	por !p2, p0  }
0x20: {  	[sflag:s8] =	ssyncset.s32 @!p0 $0xFFFFF086;
	s6 =	sadd.s32 @!p0 s3, s7;
	s7 =	simm.s32 @!p0 $0x108  }
0x21: {  	s3 =	sadd.s32 s3, s9;
	s6 =	sadd.s32 @!p0 $0x88, s6;
	s7 =	simm.s32 @p2 $0x1082  }
0x22: {  	[simem:s7], [sflag:s8] =	dma.local @!p0 [hbm:s6], $0xF7A  }
0x23: {  	s9 =	sor.u32 $0xD0000000, s2;
	s6 =	simm.s32 $0x108;
	_ =	swait.ge @!p0 [sflag:s8], $0x0  }
0x24: {  	s3 =	sadd.s32 $0x88, s3;
	s6 =	simm.s32 @!p1 $0x1082;
	[sflag:s4] =	ssyncset.s32 $0xFFFFF086  }
0x25: {  	[simem:s6], [sflag:s4] =	dma.local [hbm:s3], $0xF7A  }
0x26: {  	[smem:$0x3F91] =	sst s1;
	(tag) =	ssettag s2;
	_ =	strace s9  }
0x27: {  	s1 =	sld [smem:$0x3FA1]  }
0x28: {  	s2 =	sld [smem:$0x3FA2]  }
0x29: {  	s4 =	sld [smem:$0x3FA4]  }
0x2a: {  	p0 =	seq.s32 s5, $0x0;
	s5 =	sld [smem:$0x3FA5]  }
0x2b: {  	s6 =	sld [smem:$0x3FA6]  }
0x2c: {  	s7 =	sld [smem:$0x3FA7]  }
0x2d: {  	s3 =	simm.s32 $0x108;
	s8 =	sld [smem:$0x3FA8]  }
0x2e: {  	s3 =	simm.s32 @!p0 $0x1082;
	s9 =	sld [smem:$0x3FA9]  }
0x2f: {  	lr =	sadd.s32 s0, s3;
	s0 =	sld [smem:$0x3FA0]  }
0x30: {  	s3 =	sld [smem:$0x3FA3]  }
0x31: {  	[smem:$0x3FAC] =	sst s10  }
0x32: {  	s10 =	sld [smem:$0x3FAA];
	_ =	sdelay $0x3  }
0x33: {  	p0 =	seq.s32 s10, $0x1;
	s10 =	sld [smem:$0x3FAC];
	_ =	sdelay $0x3  }
0x34: {  	[smem:$0x3FAC] =	sst s10  }
0x35: {  	s10 =	sld [smem:$0x3FAB];
	_ =	sdelay $0x3  }
0x36: {  	p1 =	seq.s32 s10, $0x1;
	s10 =	sld [smem:$0x3FAC];
	_ =	sdelay $0x3  }
0x37: {  	[smem:$0x3FAC] =	sst s10  }
0x38: {  	s10 =	sld [smem:$0x3FAD]  }
0x39: {  	_ = 	snop;
	(pc) =	sbr.ind lr, $3  }
0x3a: {  	_ = 	snop  }
0x3b: {  	_ = 	snop  }
0x3c: {  	p2 =	seq.s32 s10, $0x1;
	s10 =	sld [smem:$0x3FAC]  }
0x3d: {  	_ =	shalt  }
0x3e: {  	_ =	shalt  }
0x3f: {  	_ =	shalt  }
0x40: {  	_ =	shalt  }
0x41: {  	_ =	shalt  }
0x42: {  	_ =	shalt  }
0x43: {  	_ =	shalt  }
0x44: {  	_ =	shalt  }
0x45: {  	_ =	shalt  }
0x46: {  	_ =	shalt  }
0x47: {  	_ =	shalt  }
0x48: {  	_ =	shalt  }
0x49: {  	_ =	shalt  }
0x4a: {  	_ =	shalt  }
0x4b: {  	_ =	shalt  }
0x4c: {  	_ =	shalt  }
0x4d: {  	_ =	shalt  }
0x4e: {  	_ =	shalt  }
0x4f: {  	_ =	shalt  }
0x50: {  	_ =	shalt  }
0x51: {  	_ =	shalt  }
0x52: {  	_ =	shalt  }
0x53: {  	_ =	shalt  }
0x54: {  	_ =	shalt  }
0x55: {  	_ =	shalt  }
0x56: {  	_ =	shalt  }
0x57: {  	_ =	shalt  }
0x58: {  	_ =	shalt  }
0x59: {  	_ =	shalt  }
0x5a: {  	_ =	shalt  }
0x5b: {  	_ =	shalt  }
0x5c: {  	_ =	shalt  }
0x5d: {  	_ =	shalt  }
0x5e: {  	_ =	shalt  }
0x5f: {  	_ =	shalt  }
0x60: {  	_ =	shalt  }
0x61: {  	_ =	shalt  }
0x62: {  	_ =	shalt  }
0x63: {  	_ =	shalt  }
0x64: {  	_ =	shalt  }
0x65: {  	_ =	shalt  }
0x66: {  	_ =	shalt  }
0x67: {  	_ =	shalt  }
0x68: {  	_ =	shalt  }
0x69: {  	_ =	shalt  }
0x6a: {  	_ =	shalt  }
0x6b: {  	_ =	shalt  }
0x6c: {  	_ =	shalt  }
0x6d: {  	_ =	shalt  }
0x6e: {  	_ =	shalt  }
0x6f: {  	_ =	shalt  }
0x70: {  	_ =	shalt  }
0x71: {  	_ =	shalt  }
0x72: {  	_ =	shalt  }
0x73: {  	_ =	shalt  }
0x74: {  	_ =	shalt  }
0x75: {  	_ =	shalt  }
0x76: {  	_ =	shalt  }
0x77: {  	_ =	shalt  }
0x78: {  	_ =	shalt  }
0x79: {  	_ =	shalt  }
0x7a: {  	_ =	shalt  }
0x7b: {  	_ =	shalt  }
0x7c: {  	_ =	shalt  }
0x7d: {  	_ =	shalt  }
0x7e: {  	_ =	shalt  }
0x7f: {  	_ =	shalt  }
0x80: {  	_ =	shalt  }
0x81: {  	_ =	shalt  }
0x82: {  	_ =	shalt  }
0x83: {  	_ =	shalt  }
0x84: {  	_ =	shalt  }
0x85: {  	_ =	shalt  }
0x86: {  	_ =	shalt  }
0x87: {  	_ =	shalt  }
.Lfunc_end0:
.L_simem_size_0:
called_computation.2_lowered:
.L_overlay_start_0:
0x88: {  	s2 =	sld [smem:$0x3FD9]  }
0x89: {  	s3 =	sld [smem:$0x3FFE];
	_ =	sdelay $0x1  }
0x8a: {  	s1 =	srdreg.scid  }
0x8b: {  	s0 =	sand.u32 $0x1, s1  }
0x8c: {  	s16 =	sshll.u32 s0, $0xA;
	s2 =	sadd.s32 s3, s2  }
0x8d: {  	s2 =	sadd.s32 s2, s16  }
0x8e: {  	[smem:$0x3FB8] =	sst s2  }
0x8f: {  	_ = 	snop  }
0x90: {  	(tm) =	ssettm $0x1  }
0x91: {  	s17 =	sld [smem:$0x3FFB];
	_ =	sdelay $0x3  }
0x92: {  	_ =	strace s17  }
0x93: {  	s2 =	sld [smem:$0x3FFC];
	_ =	sdelay $0x3  }
0x94: {  	_ =	strace s2  }
0x95: {  	s2 =	sld [smem:$0x3FFD];
	_ =	sdelay $0x3  }
0x96: {  	_ =	strace s2  }
0x97: {  	_ =	strace $0x8FFFFFFF  }
0x98: {  	s18 =	sld [smem:$0x3FDB];
	_ =	sdelay $0x1  }
0x99: {  	s19 =	simm.s32 $_scs_section_size  }
0x9a: {  	s4 =	simm.s32 $_size__tile_overlayer_lowered;
	s5 =	simm.s32 $_tile_overlayer_lowered  }
0x9b: {  	s22 =	simm.s32 $0x1BFF;
	s21 =	sshll.u32 s5, $0x1;
	s2 =	sadd.s32 s19, s18  }
0x9c: {  	s6 =	simm.s32 $0x0;
	s20 =	sshll.u32 s4, $0x1;
	s4 =	sadd.s32 s21, s2  }
0x9d: {  	[timem:s6], [sflag:s22] =	dma.local [hbm:s4], s20  }
0x9e: {  	_ =	swait.ge [sflag:s22], s20  }
0x9f: {  	s3 =	ssub.s32 $0x0, s20;
	[sflag:s22] =	ssyncset.done $0x0  }
0xa0: {  	[sflag:s22] =	ssyncadd.s32 s3;
	_ =	sdelay $0x1  }
0xa1: {  	s23 =	simm.s32 $0x1B8B  }
0xa2: {  	_ =	swait.ge [sflag:s23], $0x1  }
0xa3: {  	[sflag:s23] =	ssyncset.done $0x0  }
0xa4: {  	s25 =	simm.s32 $0x1B8E;
	s24 =	sld [smem:$0x3FFE];
	[sflag:s23] =	ssyncadd.s32 $0xFFFFFFFF  }
0xa5: {  	s26 =	simm.s32 $execute0_lowered;
	[smem:$0x3FD2] =	sst s25  }
0xa6: {  	s4 =	sshll.u32 s26, $0x1;
	_ =	strace $0x8000004C;
	[dreg:$0x1] =	wrdreg $0xFFFFFFFF  }
0xa7: {  	s28 =	simm.s32 $_size_execute0_lowered;
	s2 =	sadd.s32 s2, s4;
	[dreg:$0x0] =	wrdreg $0x0  }
0xa8: {  	s4 =	sshll.u32 s28, $0x1;
	[dreg:$0x2] =	wrdreg s2  }
0xa9: {  	[dreg:$0x3] =	wrdreg s4  }
0xaa: {  	[dreg:$0x4] =	wrdreg $0xC0  }
0xab: {  	_ =	task [dreg:s6], $0x5FFFF  }
0xac: {  	[dreg:$0x1] =	wrdreg $0xFFFFFFFF  }
0xad: {  	[dreg:$0x0] =	wrdreg $0x60  }
0xae: {  	[dreg:$0x2] =	wrdreg s24  }
0xaf: {  	[dreg:$0x3] =	wrdreg $0x9  }
0xb0: {  	_ =	task.clear_ibuf [dreg:s6], $0x4FFFF;
	_ =	strace $0x9000004C  }
0xb1: {  	s29 =	simm.s32 $0x9;
	_ =	strace $0x8000004E  }
0xb2: {  	_ =	swait.ge [sflag:s29], $0x1  }
0xb3: {  	[sflag:s29] =	ssyncadd.s32 $0xFFFFFFFF  }
0xb4: {  	_ =	strace $0x9000004E  }
0xb5: {  	_ =	sfence  }
0xb6: {  	s30 =	sld [smem:$0x0];
	_ =	sdelay $0x2  }
0xb7: {  	s31 =	sshll.u32 s1, $0xD;
	s1 =	sshrl.u32 s1, $0x2  }
0xb8: {  	s3 =	sand.u32 $0x4000, s31;
	s1 =	sadd.s32 s1, s30  }
0xb9: {  	s0 =	sor.u32 s3, s0;
	s1 =	sshll.u32 s1, $0x11  }
0xba: {  	s0 =	sor.u32 s1, s0  }
0xbb: {  	s0 =	sadd.s32 $0x8F2B, s0  }
0xbc: {  	[sflag:s0] =	ssyncadd.remote.s32 $0x1  }
0xbd: {  	_ =	sfence.sel $0xFFFF  }
0xbe: {  	[dreg:$0x0] =	wrdreg $0xFFFFFFFF;
	(pc) =	sbr.abs _section_cstart, $3  }
0xbf: {  	[dreg:$0x1] =	wrdreg $0xFFFFFFFF  }
0xc0: {  	_ =	task.clear_ibuf [dreg:s6], $0x2FFFF;
	_ =	strace $0x9FFFFFFF  }
0xc1: {  	(tm) =	ssettm $0x7FFFFFFF  }
tec
execute0_lowered:
.L_overlay_start_1:
0x0: {  	(tag) =	ssettag $0x1  }
0x1: {  	s0 =	srdreg.scid  }
0x2: {  	s26 =	sand.u32 $0x1, s0  }
0x3: {  	s0 =	stileid.u32;
	s1 =	sshll.u32 s26, $0x4  }
0x4: {  	s10 =	sor.u32 s0, s1  }
0x5: {  	s9 =	rddreg [dreg:$0x0];
	s2 =	simm.s32 $0x0;
	s3 =	sshll.u32 s10, $0x7  }
0x6: {  	s4 =	simm.s32 $0x3;
	[smem:$0x7FF] =	sst s2;
	s3 =	sadd.s32 s3, s9  }
0x7: {  	s1 =	rddreg [dreg:$0x1];
	_ =	strace $0x8000004D;
	s3 =	sadd.s32 $0x2600, s3  }
0x8: {  	[tilespmem:s2], [sflag:$0x3] =	stream.linear.gather [hbm4b:s3+s2], $0x400, $0x38;
	[tilespmem:$0xBF80] =	vst v63  }
0x9: {  	_ =	swait.ge [sflag:s4], $0x400  }
0xa: {  	s6 =	simm.s32 $0x7D;
	s7 =	simm.s32 $0x400;
	[sflag:s4] =	ssyncset.done $0x0  }
0xb: {  	s8 =	simm.s32 $0x1;
	s5 =	sadd.s32 $0x3600, s9;
	[sflag:s4] =	ssyncadd.s32 $0xFFFFFC00  }
0xc: {  	[tilespmem:s7], [sflag:$0x1] =	stream.indirect.gather [hbm4b:s5+s6], $0xC0, s2, s6, $0xb8;
	[tilespmem:$0xBF80] =	vst v63  }
0xd: {  	s11 =	smul.u32 $0x5DC0, s10;
	_ =	swait.ge [sflag:s8], $0x5DC0  }
0xe: {  	s12 =	sadd.s32 $0x20C00, s9;
	[sflag:s8] =	ssyncset.done $0x0  }
0xf: {  	s9 =	sadd.s32 s12, s11;
	[sflag:s8] =	ssyncadd.s32 $0xFFFFA240  }
0x10: {  	[hbm4b:s9+s2] =	stream.linear.scatter [tilespmem:s7], [sflag:$0x2], $0x5DC0, $0x38;
	[tilespmem:$0xBF80] =	vst v63  }
0x11: {  	s13 =	smul.u32 $0x2EE00, s10;
	s10 =	simm.s32 $0x80;
	s11 =	simm.s32 $0x61C0  }
0x12: {  	[tilespmem:s11], [sflag:$0x1] =	stream.indirect.gather [hbm4b:s5+s6], $0xC0, s10, s6, $0xb8;
	[tilespmem:$0xBF80] =	vst v63  }
0x13: {  	s13 =	sshrl.u32 s13, $0x3;
	_ =	swait.ge [sflag:s8], $0x5DC0  }
0x14: {  	s12 =	sadd.s32 s12, s13;
	[sflag:s8] =	ssyncset.done $0x0  }
0x15: {  	s13 =	sadd.s32 $0xBB8, s12;
	s12 =	simm.s32 $0x2;
	[sflag:s8] =	ssyncadd.s32 $0xFFFFA240  }
0x16: {  	[hbm4b:s13+s2] =	stream.linear.scatter [tilespmem:s11], [sflag:$0x2], $0x5DC0, $0x38;
	[tilespmem:$0xBF80] =	vst v63  }
0x17: {  	_ =	swait.ge [sflag:s12], $0x5DC0  }
0x18: {  	[sflag:s12] =	ssyncset.done $0x0  }
0x19: {  	s14 =	simm.s32 $0x100;
	[sflag:s12] =	ssyncadd.s32 $0xFFFFA240  }
0x1a: {  	[tilespmem:s7], [sflag:$0x1] =	stream.indirect.gather [hbm4b:s5+s6], $0xC0, s14, s6, $0xb8;
	[tilespmem:$0xBF80] =	vst v63  }
0x1b: {  	_ =	swait.ge [sflag:s8], $0x5DC0  }
0x1c: {  	[sflag:s8] =	ssyncset.done $0x0  }
0x1d: {  	s15 =	sadd.s32 $0x1770, s9;
	[sflag:s8] =	ssyncadd.s32 $0xFFFFA240  }
0x1e: {  	[hbm4b:s15+s2] =	stream.linear.scatter [tilespmem:s7], [sflag:$0x2], $0x5DC0, $0x38;
	[tilespmem:$0xBF80] =	vst v63  }
0x1f: {  	_ =	swait.ge [sflag:s12], $0x5DC0  }
0x20: {  	[sflag:s12] =	ssyncset.done $0x0  }
0x21: {  	s16 =	simm.s32 $0x180;
	[sflag:s12] =	ssyncadd.s32 $0xFFFFA240  }
0x22: {  	[tilespmem:s11], [sflag:$0x1] =	stream.indirect.gather [hbm4b:s5+s6], $0xC0, s16, s6, $0xb8;
	[tilespmem:$0xBF80] =	vst v63  }
0x23: {  	_ =	swait.ge [sflag:s8], $0x5DC0  }
0x24: {  	[sflag:s8] =	ssyncset.done $0x0  }
0x25: {  	s17 =	sadd.s32 $0x2328, s9;
	[sflag:s8] =	ssyncadd.s32 $0xFFFFA240  }
0x26: {  	[hbm4b:s17+s2] =	stream.linear.scatter [tilespmem:s11], [sflag:$0x2], $0x5DC0, $0x38;
	[tilespmem:$0xBF80] =	vst v63  }
0x27: {  	_ =	swait.ge [sflag:s12], $0x5DC0  }
0x28: {  	[sflag:s12] =	ssyncset.done $0x0  }
0x29: {  	s18 =	simm.s32 $0x200;
	[sflag:s12] =	ssyncadd.s32 $0xFFFFA240  }
0x2a: {  	[tilespmem:s7], [sflag:$0x1] =	stream.indirect.gather [hbm4b:s5+s6], $0xC0, s18, s6, $0xb8;
	[tilespmem:$0xBF80] =	vst v63  }
0x2b: {  	_ =	swait.ge [sflag:s8], $0x5DC0  }
0x2c: {  	[sflag:s8] =	ssyncset.done $0x0  }
0x2d: {  	s19 =	sadd.s32 $0x2EE0, s9;
	[sflag:s8] =	ssyncadd.s32 $0xFFFFA240  }
0x2e: {  	[hbm4b:s19+s2] =	stream.linear.scatter [tilespmem:s7], [sflag:$0x2], $0x5DC0, $0x38;
	[tilespmem:$0xBF80] =	vst v63  }
0x2f: {  	_ =	swait.ge [sflag:s12], $0x5DC0  }
0x30: {  	[sflag:s12] =	ssyncset.done $0x0  }
0x31: {  	s20 =	simm.s32 $0x280;
	[sflag:s12] =	ssyncadd.s32 $0xFFFFA240  }
0x32: {  	[tilespmem:s11], [sflag:$0x1] =	stream.indirect.gather [hbm4b:s5+s6], $0xC0, s20, s6, $0xb8;
	[tilespmem:$0xBF80] =	vst v63  }
0x33: {  	_ =	swait.ge [sflag:s8], $0x5DC0  }
0x34: {  	[sflag:s8] =	ssyncset.done $0x0  }
0x35: {  	s21 =	sadd.s32 $0x3A98, s9;
	[sflag:s8] =	ssyncadd.s32 $0xFFFFA240  }
0x36: {  	[hbm4b:s21+s2] =	stream.linear.scatter [tilespmem:s11], [sflag:$0x2], $0x5DC0, $0x38;
	[tilespmem:$0xBF80] =	vst v63  }
0x37: {  	_ =	swait.ge [sflag:s12], $0x5DC0  }
0x38: {  	[sflag:s12] =	ssyncset.done $0x0  }
0x39: {  	s22 =	simm.s32 $0x300;
	[sflag:s12] =	ssyncadd.s32 $0xFFFFA240  }
0x3a: {  	[tilespmem:s7], [sflag:$0x1] =	stream.indirect.gather [hbm4b:s5+s6], $0xC0, s22, s6, $0xb8;
	[tilespmem:$0xBF80] =	vst v63  }
0x3b: {  	_ =	swait.ge [sflag:s8], $0x5DC0  }
0x3c: {  	[sflag:s8] =	ssyncset.done $0x0  }
0x3d: {  	s23 =	sadd.s32 $0x4650, s9;
	[sflag:s8] =	ssyncadd.s32 $0xFFFFA240  }
0x3e: {  	[hbm4b:s23+s2] =	stream.linear.scatter [tilespmem:s7], [sflag:$0x2], $0x5DC0, $0x38;
	[tilespmem:$0xBF80] =	vst v63  }
0x3f: {  	_ =	swait.ge [sflag:s12], $0x5DC0  }
0x40: {  	[sflag:s12] =	ssyncset.done $0x0  }
0x41: {  	s24 =	simm.s32 $0x380;
	[sflag:s12] =	ssyncadd.s32 $0xFFFFA240  }
0x42: {  	[tilespmem:s11], [sflag:$0x1] =	stream.indirect.gather [hbm4b:s5+s6], $0xC0, s24, s6, $0xb8;
	[tilespmem:$0xBF80] =	vst v63  }
0x43: {  	_ =	swait.ge [sflag:s8], $0x5DC0  }
0x44: {  	s26 =	ssub.s32 $0x2, s26;
	[sflag:s8] =	ssyncset.done $0x0  }
0x45: {  	s28 =	sshrl.u32 s26, $0x1;
	s25 =	sadd.s32 $0x5208, s9;
	[sflag:s8] =	ssyncadd.s32 $0xFFFFA240  }
0x46: {  	[hbm4b:s25+s2] =	stream.linear.scatter [tilespmem:s11], [sflag:$0x2], $0x5DC0, $0x38;
	[tilespmem:$0xBF80] =	vst v63  }
0x47: {  	s26 =	ssub.s32 s26, s28;
	_ =	swait.ge [sflag:s12], $0x5DC0  }
0x48: {  	s26 =	smax.u32 s26, $0x1;
	[sflag:s12] =	ssyncset.done $0x0  }
0x49: {  	p0 =	sne.s32 s26, $0x1;
	[sflag:s12] =	ssyncadd.s32 $0xFFFFA240  }
0x4a: {  	[tilespmem:s7], [sflag:$0x1] =	stream.indirect.gather [hbm4b:s5+s6], $0xC0, s24, s6, $0xb8;
	[tilespmem:$0xBF80] =	vst v63  }
.Ltmp0:
0x4b: {  	_ =	swait.ge [sflag:s8], $0x5DC0;
	(pc) =	sbr.rel @!p0 .LBB2_2-.Ltmp0, $4  }
0x4c: {  	[sflag:s8] =	ssyncset.done $0x0  }
0x4d: {  	[sflag:s8] =	ssyncadd.s32 $0xFFFFA240  }
0x4e: {  	_ =	swait.ge [sflag:s12], $0x5DC0  }
0x4f: {  	s26 =	sadd.s32 $0xFFFFFFFF, s26;
	[sflag:s12] =	ssyncset.done $0x0  }
.LBB2_1:
0x50: {  	p0 =	sne.s32 s26, $0x1;
	s26 =	sadd.s32 $0xFFFFFFFF, s26;
	[sflag:s12] =	ssyncadd.s32 $0xFFFFA240  }
0x51: {  	[tilespmem:s2], [sflag:$0x3] =	stream.linear.gather [hbm4b:s3+s2], $0x400, $0x38;
	[tilespmem:$0xBF80] =	vst v63  }
0x52: {  	_ =	swait.ge [sflag:s4], $0x400  }
0x53: {  	[sflag:s4] =	ssyncset.done $0x0  }
0x54: {  	[sflag:s4] =	ssyncadd.s32 $0xFFFFFC00  }
0x55: {  	[tilespmem:s7], [sflag:$0x1] =	stream.indirect.gather [hbm4b:s5+s6], $0xC0, s2, s6, $0xb8;
	[tilespmem:$0xBF80] =	vst v63  }
0x56: {  	_ =	swait.ge [sflag:s8], $0x5DC0  }
0x57: {  	[sflag:s8] =	ssyncset.done $0x0  }
0x58: {  	[sflag:s8] =	ssyncadd.s32 $0xFFFFA240  }
0x59: {  	[hbm4b:s9+s2] =	stream.linear.scatter [tilespmem:s7], [sflag:$0x2], $0x5DC0, $0x38;
	[tilespmem:$0xBF80] =	vst v63  }
0x5a: {  	_ = 	snop  }
0x5b: {  	[tilespmem:s11], [sflag:$0x1] =	stream.indirect.gather [hbm4b:s5+s6], $0xC0, s10, s6, $0xb8;
	[tilespmem:$0xBF80] =	vst v63  }
0x5c: {  	_ =	swait.ge [sflag:s8], $0x5DC0  }
0x5d: {  	[sflag:s8] =	ssyncset.done $0x0  }
0x5e: {  	[sflag:s8] =	ssyncadd.s32 $0xFFFFA240  }
0x5f: {  	[hbm4b:s13+s2] =	stream.linear.scatter [tilespmem:s11], [sflag:$0x2], $0x5DC0, $0x38;
	[tilespmem:$0xBF80] =	vst v63  }
0x60: {  	_ =	swait.ge [sflag:s12], $0x5DC0  }
0x61: {  	[sflag:s12] =	ssyncset.done $0x0  }
0x62: {  	[sflag:s12] =	ssyncadd.s32 $0xFFFFA240  }
0x63: {  	[tilespmem:s7], [sflag:$0x1] =	stream.indirect.gather [hbm4b:s5+s6], $0xC0, s14, s6, $0xb8;
	[tilespmem:$0xBF80] =	vst v63  }
0x64: {  	_ =	swait.ge [sflag:s8], $0x5DC0  }
0x65: {  	[sflag:s8] =	ssyncset.done $0x0  }
0x66: {  	[sflag:s8] =	ssyncadd.s32 $0xFFFFA240  }
0x67: {  	[hbm4b:s15+s2] =	stream.linear.scatter [tilespmem:s7], [sflag:$0x2], $0x5DC0, $0x38;
	[tilespmem:$0xBF80] =	vst v63  }
0x68: {  	_ =	swait.ge [sflag:s12], $0x5DC0  }
0x69: {  	[sflag:s12] =	ssyncset.done $0x0  }
0x6a: {  	[sflag:s12] =	ssyncadd.s32 $0xFFFFA240  }
0x6b: {  	[tilespmem:s11], [sflag:$0x1] =	stream.indirect.gather [hbm4b:s5+s6], $0xC0, s16, s6, $0xb8;
	[tilespmem:$0xBF80] =	vst v63  }
0x6c: {  	_ =	swait.ge [sflag:s8], $0x5DC0  }
0x6d: {  	[sflag:s8] =	ssyncset.done $0x0  }
0x6e: {  	[sflag:s8] =	ssyncadd.s32 $0xFFFFA240  }
0x6f: {  	[hbm4b:s17+s2] =	stream.linear.scatter [tilespmem:s11], [sflag:$0x2], $0x5DC0, $0x38;
	[tilespmem:$0xBF80] =	vst v63  }
0x70: {  	_ =	swait.ge [sflag:s12], $0x5DC0  }
0x71: {  	[sflag:s12] =	ssyncset.done $0x0  }
0x72: {  	[sflag:s12] =	ssyncadd.s32 $0xFFFFA240  }
0x73: {  	[tilespmem:s7], [sflag:$0x1] =	stream.indirect.gather [hbm4b:s5+s6], $0xC0, s18, s6, $0xb8;
	[tilespmem:$0xBF80] =	vst v63  }
0x74: {  	_ =	swait.ge [sflag:s8], $0x5DC0  }
0x75: {  	[sflag:s8] =	ssyncset.done $0x0  }
0x76: {  	[sflag:s8] =	ssyncadd.s32 $0xFFFFA240  }
0x77: {  	[hbm4b:s19+s2] =	stream.linear.scatter [tilespmem:s7], [sflag:$0x2], $0x5DC0, $0x38;
	[tilespmem:$0xBF80] =	vst v63  }
0x78: {  	_ =	swait.ge [sflag:s12], $0x5DC0  }
0x79: {  	[sflag:s12] =	ssyncset.done $0x0  }
0x7a: {  	[sflag:s12] =	ssyncadd.s32 $0xFFFFA240  }
0x7b: {  	[tilespmem:s11], [sflag:$0x1] =	stream.indirect.gather [hbm4b:s5+s6], $0xC0, s20, s6, $0xb8;
	[tilespmem:$0xBF80] =	vst v63  }
0x7c: {  	_ =	swait.ge [sflag:s8], $0x5DC0  }
0x7d: {  	[sflag:s8] =	ssyncset.done $0x0  }
0x7e: {  	[sflag:s8] =	ssyncadd.s32 $0xFFFFA240  }
0x7f: {  	[hbm4b:s21+s2] =	stream.linear.scatter [tilespmem:s11], [sflag:$0x2], $0x5DC0, $0x38;
	[tilespmem:$0xBF80] =	vst v63  }
0x80: {  	_ =	swait.ge [sflag:s12], $0x5DC0  }
0x81: {  	[sflag:s12] =	ssyncset.done $0x0  }
0x82: {  	[sflag:s12] =	ssyncadd.s32 $0xFFFFA240  }
0x83: {  	[tilespmem:s7], [sflag:$0x1] =	stream.indirect.gather [hbm4b:s5+s6], $0xC0, s22, s6, $0xb8;
	[tilespmem:$0xBF80] =	vst v63  }
0x84: {  	_ =	swait.ge [sflag:s8], $0x5DC0  }
0x85: {  	[sflag:s8] =	ssyncset.done $0x0  }
0x86: {  	[sflag:s8] =	ssyncadd.s32 $0xFFFFA240  }
0x87: {  	[hbm4b:s23+s2] =	stream.linear.scatter [tilespmem:s7], [sflag:$0x2], $0x5DC0, $0x38;
	[tilespmem:$0xBF80] =	vst v63  }
0x88: {  	_ =	swait.ge [sflag:s12], $0x5DC0  }
0x89: {  	[sflag:s12] =	ssyncset.done $0x0  }
0x8a: {  	[sflag:s12] =	ssyncadd.s32 $0xFFFFA240  }
0x8b: {  	[tilespmem:s11], [sflag:$0x1] =	stream.indirect.gather [hbm4b:s5+s6], $0xC0, s24, s6, $0xb8;
	[tilespmem:$0xBF80] =	vst v63  }
0x8c: {  	_ =	swait.ge [sflag:s8], $0x5DC0  }
0x8d: {  	[sflag:s8] =	ssyncset.done $0x0  }
0x8e: {  	[sflag:s8] =	ssyncadd.s32 $0xFFFFA240  }
0x8f: {  	[hbm4b:s25+s2] =	stream.linear.scatter [tilespmem:s11], [sflag:$0x2], $0x5DC0, $0x38;
	[tilespmem:$0xBF80] =	vst v63  }
0x90: {  	_ =	swait.ge [sflag:s12], $0x5DC0  }
0x91: {  	[sflag:s12] =	ssyncset.done $0x0  }
0x92: {  	[sflag:s12] =	ssyncadd.s32 $0xFFFFA240  }
0x93: {  	[tilespmem:s7], [sflag:$0x1] =	stream.indirect.gather [hbm4b:s5+s6], $0xC0, s24, s6, $0xb8;
	[tilespmem:$0xBF80] =	vst v63  }
.Ltmp1:
0x94: {  	_ =	swait.ge [sflag:s8], $0x5DC0;
	(pc) =	sbr.rel @p0 .LBB2_1-.Ltmp1, $4  }
0x95: {  	[sflag:s8] =	ssyncset.done $0x0  }
0x96: {  	[sflag:s8] =	ssyncadd.s32 $0xFFFFA240  }
0x97: {  	_ =	swait.ge [sflag:s12], $0x5DC0  }
0x98: {  	[sflag:s12] =	ssyncset.done $0x0  }
.LBB2_2:
0x99: {  	[sflag:s12] =	ssyncadd.s32 $0xFFFFA240  }
0x9a: {  	_ =	sfence.sel $0x180000  }
0x9b: {  	[bflag:$0x0] =	sbarrier.arrive $0xFFFF  }
0x9c: {  	p0 =	sne.s32 s0, $0x0;
	_ =	strace $0x9000004D  }
0x9d: {  	s0 =	sadd.s32 @!p0 $0x100000, s1;
	[bflag:$0x2] =	sbarrier.arrive $0xFFFF  }
0x9e: {  	[sflag:s0] =	ssyncadd.tile.s32 @!p0 $0x1;
	_ =	shalt  }
.Lfunc_end2:
_tile_overlayer_lowered:
.L_overlay_start_2:
0x9f: {  	(tag) =	ssettag $0x2  }
0xa0: {  	s0 =	rddreg [dreg:$0x0];
	s2 =	stileid.u32  }
0xa1: {  	s1 =	rddreg [dreg:$0x1];
	p0 =	sne.s32 s2, $0x0  }
0xa2: {  	s3 =	rddreg [dreg:$0x2];
	[bflag:$0x3] =	sbarrier.arrive $0xFFFF;
	s2 =	simm.s32 @!p0 $0x1C03  }
0xa3: {  	[timem:s3], [sflag:s2] =	dma.local @!p0 [hbm:s0], s1  }
0xa4: {  	s0 =	simm.s32 @!p0 $0x3  }
0xa5: {  	_ =	swait.ge @!p0 [sflag:s0], s1  }
0xa6: {  	s1 =	ssub.s32 @!p0 $0x0, s1;
	[sflag:s0] =	ssyncset.done @!p0 $0x0  }
0xa7: {  	[sflag:s0] =	ssyncadd.s32 @!p0 s1  }
0xa8: {  	[bflag:$0x3] =	sbarrier.arrive $0xFFFF  }
0xa9: {  	_ =	shalt  }

// kernel: kernel.17.cloned.1.call-start
scs
__scs_entry_jumppad:
0x0: {  	(pc) =	sbr.rel $0x88, $3  }
0x1: {  	(tag) =	ssettag $0x0;
	lr =	simm.s32 $0x1  }
0x2: {  	[smem:$0x3F91] =	sst lr;
	_ =	strace $0xD0000000  }
0x3: {  	_ = 	snop  }
0x4: {  	_ = 	snop  }
0x5: {  	_ = 	snop  }
0x6: {  	_ = 	snop  }
0x7: {  	_ = 	snop  }
__scs_overlays_trampoline_lowered:
0x8: {  	[smem:$0x3FA0] =	sst s0  }
0x9: {  	[smem:$0x3FA1] =	sst s1  }
0xa: {  	[smem:$0x3FA2] =	sst s2  }
0xb: {  	[smem:$0x3FA3] =	sst s3  }
0xc: {  	[smem:$0x3FA4] =	sst s4  }
0xd: {  	[smem:$0x3FA5] =	sst s5  }
0xe: {  	[smem:$0x3FA6] =	sst s6  }
0xf: {  	[smem:$0x3FA7] =	sst s7  }
0x10: {  	[smem:$0x3FA8] =	sst s8  }
0x11: {  	[smem:$0x3FA9] =	sst s9;
	s0 =	simm.s32 @!p0 $0x0  }
0x12: {  	s1 =	sld [smem:$0x3F8F];
	s0 =	simm.s32 @p0 $0x1  }
0x13: {  	[smem:$0x3FAA] =	sst s0;
	s0 =	simm.s32 @!p1 $0x0  }
0x14: {  	s2 =	sld [smem:$0x3F8E];
	s0 =	simm.s32 @p1 $0x1  }
0x15: {  	[smem:$0x3FAB] =	sst s0;
	s0 =	simm.s32 @!p2 $0x0  }
0x16: {  	s3 =	sld [smem:$0x3FDB];
	s0 =	simm.s32 @p2 $0x1  }
0x17: {  	s4 =	simm.s32 $0x1BF5;
	[smem:$0x3FAD] =	sst s0  }
0x18: {  	s0 =	sld [smem:$0x3F90];
	_ =	swait.ge [sflag:s4], $0x0  }
0x19: {  	s7 =	sld [smem:$0x3F91]  }
0x1a: {  	s8 =	sadd.s32 $0xFFFFE003, lr  }
0x1b: {  	s9 =	sadd.s32 $0xFFFFFEF7, lr;
	s5 =	simm.s32 $0xFFFFFFFF;
	p2 =	slt.u32 s8, $0xFFFFF086  }
0x1c: {  	p1 =	slt.u32 s9, $0xF7A;
	s5 =	simm.s32 @!p2 $0x0  }
0x1d: {  	s5 =	simm.s32 @p1 $0x1;
	p0 =	seq.s32 s7, s2  }
0x1e: {  	s7 =	smul.u32 @!p0 $0xF7A, s2;
	p2 =	seq.s32 @!p0 s5, $0x0  }
0x1f: {  	s9 =	smul.u32 $0xF7A, s1;
	s8 =	simm.s32 @!p0 $0x1BF5;
	p2 =	por !p2, p0  }
0x20: {  	[sflag:s8] =	ssyncset.s32 @!p0 $0xFFFFF086;
	s6 =	sadd.s32 @!p0 s3, s7;
	s7 =	simm.s32 @!p0 $0x108  }
0x21: {  	s3 =	sadd.s32 s3, s9;
	s6 =	sadd.s32 @!p0 $0x88, s6;
	s7 =	simm.s32 @p2 $0x1082  }
0x22: {  	[simem:s7], [sflag:s8] =	dma.local @!p0 [hbm:s6], $0xF7A  }
0x23: {  	s9 =	sor.u32 $0xD0000000, s2;
	s6 =	simm.s32 $0x108;
	_ =	swait.ge @!p0 [sflag:s8], $0x0  }
0x24: {  	s3 =	sadd.s32 $0x88, s3;
	s6 =	simm.s32 @!p1 $0x1082;
	[sflag:s4] =	ssyncset.s32 $0xFFFFF086  }
0x25: {  	[simem:s6], [sflag:s4] =	dma.local [hbm:s3], $0xF7A  }
0x26: {  	[smem:$0x3F91] =	sst s1;
	(tag) =	ssettag s2;
	_ =	strace s9  }
0x27: {  	s1 =	sld [smem:$0x3FA1]  }
0x28: {  	s2 =	sld [smem:$0x3FA2]  }
0x29: {  	s4 =	sld [smem:$0x3FA4]  }
0x2a: {  	p0 =	seq.s32 s5, $0x0;
	s5 =	sld [smem:$0x3FA5]  }
0x2b: {  	s6 =	sld [smem:$0x3FA6]  }
0x2c: {  	s7 =	sld [smem:$0x3FA7]  }
0x2d: {  	s3 =	simm.s32 $0x108;
	s8 =	sld [smem:$0x3FA8]  }
0x2e: {  	s3 =	simm.s32 @!p0 $0x1082;
	s9 =	sld [smem:$0x3FA9]  }
0x2f: {  	lr =	sadd.s32 s0, s3;
	s0 =	sld [smem:$0x3FA0]  }
0x30: {  	s3 =	sld [smem:$0x3FA3]  }
0x31: {  	[smem:$0x3FAC] =	sst s10  }
0x32: {  	s10 =	sld [smem:$0x3FAA];
	_ =	sdelay $0x3  }
0x33: {  	p0 =	seq.s32 s10, $0x1;
	s10 =	sld [smem:$0x3FAC];
	_ =	sdelay $0x3  }
0x34: {  	[smem:$0x3FAC] =	sst s10  }
0x35: {  	s10 =	sld [smem:$0x3FAB];
	_ =	sdelay $0x3  }
0x36: {  	p1 =	seq.s32 s10, $0x1;
	s10 =	sld [smem:$0x3FAC];
	_ =	sdelay $0x3  }
0x37: {  	[smem:$0x3FAC] =	sst s10  }
0x38: {  	s10 =	sld [smem:$0x3FAD]  }
0x39: {  	_ = 	snop;
	(pc) =	sbr.ind lr, $3  }
0x3a: {  	_ = 	snop  }
0x3b: {  	_ = 	snop  }
0x3c: {  	p2 =	seq.s32 s10, $0x1;
	s10 =	sld [smem:$0x3FAC]  }
0x3d: {  	_ =	shalt  }
0x3e: {  	_ =	shalt  }
0x3f: {  	_ =	shalt  }
0x40: {  	_ =	shalt  }
0x41: {  	_ =	shalt  }
0x42: {  	_ =	shalt  }
0x43: {  	_ =	shalt  }
0x44: {  	_ =	shalt  }
0x45: {  	_ =	shalt  }
0x46: {  	_ =	shalt  }
0x47: {  	_ =	shalt  }
0x48: {  	_ =	shalt  }
0x49: {  	_ =	shalt  }
0x4a: {  	_ =	shalt  }
0x4b: {  	_ =	shalt  }
0x4c: {  	_ =	shalt  }
0x4d: {  	_ =	shalt  }
0x4e: {  	_ =	shalt  }
0x4f: {  	_ =	shalt  }
0x50: {  	_ =	shalt  }
0x51: {  	_ =	shalt  }
0x52: {  	_ =	shalt  }
0x53: {  	_ =	shalt  }
0x54: {  	_ =	shalt  }
0x55: {  	_ =	shalt  }
0x56: {  	_ =	shalt  }
0x57: {  	_ =	shalt  }
0x58: {  	_ =	shalt  }
0x59: {  	_ =	shalt  }
0x5a: {  	_ =	shalt  }
0x5b: {  	_ =	shalt  }
0x5c: {  	_ =	shalt  }
0x5d: {  	_ =	shalt  }
0x5e: {  	_ =	shalt  }
0x5f: {  	_ =	shalt  }
0x60: {  	_ =	shalt  }
0x61: {  	_ =	shalt  }
0x62: {  	_ =	shalt  }
0x63: {  	_ =	shalt  }
0x64: {  	_ =	shalt  }
0x65: {  	_ =	shalt  }
0x66: {  	_ =	shalt  }
0x67: {  	_ =	shalt  }
0x68: {  	_ =	shalt  }
0x69: {  	_ =	shalt  }
0x6a: {  	_ =	shalt  }
0x6b: {  	_ =	shalt  }
0x6c: {  	_ =	shalt  }
0x6d: {  	_ =	shalt  }
0x6e: {  	_ =	shalt  }
0x6f: {  	_ =	shalt  }
0x70: {  	_ =	shalt  }
0x71: {  	_ =	shalt  }
0x72: {  	_ =	shalt  }
0x73: {  	_ =	shalt  }
0x74: {  	_ =	shalt  }
0x75: {  	_ =	shalt  }
0x76: {  	_ =	shalt  }
0x77: {  	_ =	shalt  }
0x78: {  	_ =	shalt  }
0x79: {  	_ =	shalt  }
0x7a: {  	_ =	shalt  }
0x7b: {  	_ =	shalt  }
0x7c: {  	_ =	shalt  }
0x7d: {  	_ =	shalt  }
0x7e: {  	_ =	shalt  }
0x7f: {  	_ =	shalt  }
0x80: {  	_ =	shalt  }
0x81: {  	_ =	shalt  }
0x82: {  	_ =	shalt  }
0x83: {  	_ =	shalt  }
0x84: {  	_ =	shalt  }
0x85: {  	_ =	shalt  }
0x86: {  	_ =	shalt  }
0x87: {  	_ =	shalt  }
.Lfunc_end0:
.L_simem_size_0:
called_computation.3_lowered:
.L_overlay_start_0:
0x88: {  	s2 =	sld [smem:$0x3FD9]  }
0x89: {  	s3 =	sld [smem:$0x3FFE];
	_ =	sdelay $0x1  }
0x8a: {  	s1 =	srdreg.scid  }
0x8b: {  	s0 =	sand.u32 $0x1, s1  }
0x8c: {  	s17 =	sshll.u32 s0, $0xA;
	s2 =	sadd.s32 s3, s2  }
0x8d: {  	s2 =	sadd.s32 s2, s17  }
0x8e: {  	[smem:$0x3FB8] =	sst s2  }
0x8f: {  	_ = 	snop  }
0x90: {  	s18 =	sld [smem:$0x3FD0];
	(tm) =	ssettm $0x1  }
0x91: {  	s19 =	sld [smem:$0x3FFB];
	_ =	sdelay $0x3  }
0x92: {  	_ =	strace s19  }
0x93: {  	s2 =	sld [smem:$0x3FFC];
	_ =	sdelay $0x3  }
0x94: {  	_ =	strace s2  }
0x95: {  	s2 =	sld [smem:$0x3FFD];
	_ =	sdelay $0x3  }
0x96: {  	_ =	strace s2  }
0x97: {  	_ =	strace $0x8FFFFFFF  }
0x98: {  	s20 =	sld [smem:$0x3FDB];
	_ =	sdelay $0x1  }
0x99: {  	s4 =	simm.s32 $_scs_section_size  }
0x9a: {  	s5 =	simm.s32 $_size__tile_overlayer_lowered;
	s6 =	simm.s32 $_tile_overlayer_lowered  }
0x9b: {  	s7 =	simm.s32 $0x1BFF;
	s21 =	sshll.u32 s6, $0x1;
	s4 =	sadd.s32 s4, s20  }
0x9c: {  	s22 =	simm.s32 $0x0;
	s5 =	sshll.u32 s5, $0x1;
	s6 =	sadd.s32 s21, s4  }
0x9d: {  	[timem:s22], [sflag:s7] =	dma.local [hbm:s6], s5  }
0x9e: {  	_ =	swait.ge [sflag:s7], s5  }
0x9f: {  	s5 =	ssub.s32 $0x0, s5;
	[sflag:s7] =	ssyncset.done $0x0  }
0xa0: {  	[sflag:s7] =	ssyncadd.s32 s5;
	_ =	sdelay $0x1  }
0xa1: {  	s23 =	simm.s32 $0x1B8B  }
0xa2: {  	_ =	swait.ge [sflag:s23], $0x1  }
0xa3: {  	[sflag:s23] =	ssyncset.done $0x0  }
0xa4: {  	[sflag:s23] =	ssyncadd.s32 $0xFFFFFFFF  }
0xa5: {  	s5 =	sld [smem:$0x0]  }
0xa6: {  	s6 =	sand.u32 $0xFFFFFFFE, s1  }
0xa7: {  	p0 =	sne.s32 s1, s6  }
0xa8: {  	s6 =	sshll.u32 @p0 s6, $0xE  }
0xa9: {  	s6 =	sadd.s32 @p0 $0x11B8D, s6;
	s7 =	sshll.u32 @p0 s5, $0x11  }
0xaa: {  	s6 =	sor.u32 @p0 s7, s6  }
0xab: {  	[sflag:s6] =	ssyncadd.remote.s32 @p0 $0x1;
	_ =	sdelay $0x1  }
0xac: {  	s6 =	simm.s32 @p0 $0x1B8D  }
0xad: {  	_ =	swait.eq @p0 [sflag:s6], $0x1  }
0xae: {  	[sflag:s6] =	ssyncadd.s32 @p0 $0xFFFFFFFF  }
0xaf: {  	s7 =	sshll.u32 @!p0 s1, $0xE  }
0xb0: {  	s7 =	sor.u32 @!p0 $0x4000, s7;
	s6 =	simm.s32 @!p0 $0x1B8D  }
0xb1: {  	s5 =	sshll.u32 @!p0 s5, $0x11;
	s7 =	sadd.s32 @!p0 $0x11B8D, s7;
	_ =	swait.eq @!p0 [sflag:s6], $0x1  }
0xb2: {  	s5 =	sor.u32 @!p0 s5, s7;
	[sflag:s6] =	ssyncadd.s32 @!p0 $0xFFFFFFFF  }
0xb3: {  	s25 =	simm.s32 $0x1B8E;
	s24 =	sld [smem:$0x3FFE];
	[sflag:s5] =	ssyncadd.remote.s32 @!p0 $0x1  }
0xb4: {  	s26 =	simm.s32 $execute0_lowered;
	[smem:$0x3FD2] =	sst s25  }
0xb5: {  	s6 =	sshll.u32 s26, $0x1;
	_ =	strace $0x80000052;
	[dreg:$0x1] =	wrdreg $0xFFFFFFFF  }
0xb6: {  	s28 =	simm.s32 $_size_execute0_lowered;
	s4 =	sadd.s32 s4, s6;
	[dreg:$0x0] =	wrdreg $0x0  }
0xb7: {  	s6 =	sshll.u32 s28, $0x1;
	[dreg:$0x2] =	wrdreg s4  }
0xb8: {  	[dreg:$0x3] =	wrdreg s6  }
0xb9: {  	[dreg:$0x4] =	wrdreg $0xC0  }
0xba: {  	_ =	task [dreg:s22], $0x5FFFF  }
0xbb: {  	[dreg:$0x1] =	wrdreg $0xFFFFFFFF  }
0xbc: {  	[dreg:$0x0] =	wrdreg $0x60  }
0xbd: {  	[dreg:$0x2] =	wrdreg s18  }
0xbe: {  	[dreg:$0x3] =	wrdreg s24  }
0xbf: {  	[dreg:$0x4] =	wrdreg $0xB5400  }
0xc0: {  	[dreg:$0x5] =	wrdreg $0x9  }
0xc1: {  	_ =	task.clear_ibuf [dreg:s22], $0x6FFFF;
	_ =	strace $0x90000052  }
0xc2: {  	s29 =	simm.s32 $0x9;
	_ =	strace $0x80000054  }
0xc3: {  	_ =	swait.ge [sflag:s29], $0x1  }
0xc4: {  	[sflag:s29] =	ssyncadd.s32 $0xFFFFFFFF  }
0xc5: {  	_ =	strace $0x90000054  }
0xc6: {  	_ =	sfence  }
0xc7: {  	s30 =	sld [smem:$0x0];
	_ =	sdelay $0x2  }
0xc8: {  	s31 =	sshll.u32 s1, $0xD;
	s1 =	sshrl.u32 s1, $0x2  }
0xc9: {  	s4 =	sand.u32 $0x4000, s31;
	s1 =	sadd.s32 s1, s30  }
0xca: {  	s0 =	sor.u32 s4, s0;
	s1 =	sshll.u32 s1, $0x11  }
0xcb: {  	s0 =	sor.u32 s1, s0  }
0xcc: {  	s0 =	sadd.s32 $0x8F2B, s0  }
0xcd: {  	[sflag:s0] =	ssyncadd.remote.s32 $0x1  }
0xce: {  	_ =	sfence.sel $0xFFFF  }
0xcf: {  	[dreg:$0x0] =	wrdreg $0xFFFFFFFF;
	(pc) =	sbr.abs _section_cstart, $3  }
0xd0: {  	[dreg:$0x1] =	wrdreg $0xFFFFFFFF  }
0xd1: {  	_ =	task.clear_ibuf [dreg:s22], $0x2FFFF;
	_ =	strace $0x9FFFFFFF  }
0xd2: {  	(tm) =	ssettm $0x7FFFFFFF  }
0xd3: {  	_ =	shalt  }
tec
execute0_lowered:
.L_overlay_start_1:
0x0: {  	(tag) =	ssettag $0x1  }
0x1: {  	s1 =	rddreg [dreg:$0x0]  }
0x2: {  	s0 =	srdreg.scid;
	s6 =	rddreg [dreg:$0x1]  }
0x3: {  	s3 =	rddreg [dreg:$0x2];
	s4 =	simm.s32 $0x0;
	s14 =	simm.s32 $0x64  }
0x4: {  	s15 =	simm.s32 $0x5140;
	s16 =	simm.s32 $0x1;
	s17 =	simm.s32 $0x68  }
0x5: {  	s18 =	simm.s32 $0x8340;
	s19 =	simm.s32 $0x2908;
	s20 =	simm.s32 $0x2  }
0x6: {  	s21 =	simm.s32 $0xD0;
	s22 =	simm.s32 $0x5070;
	s23 =	simm.s32 $0x2838  }
0x7: {  	s24 =	simm.s32 $0x50D8;
	s5 =	sand.u32 $0x1, s0;
	s0 =	stileid.u32  }
0x8: {  	s25 =	simm.s32 $0x0;
	[smem:$0x7FF] =	sst s4;
	s8 =	smul.u32 $0x13C00, s0  }
0x9: {  	s2 =	sshll.u32 s5, $0x4;
	s9 =	smul.u32 $0x13C000, s5;
	s10 =	ssub.s32 $0x2, s5  }
0xa: {  	s5 =	sadd.s32 $0x53400, s6;
	s12 =	sshll.u32 s0, $0x6;
	s2 =	sor.u32 s0, s2  }
0xb: {  	s11 =	sshrl.u32 s10, $0x1;
	s12 =	sor.u32 $0x1C03, s12;
	s7 =	smul.u32 $0x514, s2  }
0xc: {  	s2 =	rddreg [dreg:$0x3];
	_ =	strace $0x80000053;
	s9 =	sadd.s32 s8, s9  }
0xd: {  	s10 =	ssub.s32 s10, s11;
	s13 =	sadd.s32 s8, s3;
	s11 =	simm.s32 $0x28A0  }
0xe: {  	s9 =	sshrl.u32 s9, $0x3;
	s13 =	sshrl.u32 s13, $0x3;
	s7 =	sadd.s32 s7, s6  }
0xf: {  	s9 =	sadd.s32 s9, s6;
	s6 =	sadd.s32 $0x49000, s7;
	s7 =	sadd.s32 $0x3EC00, s7  }
0x10: {  	s8 =	sadd.s32 $0x55C00, s9;
	s9 =	smax.u32 s10, $0x1;
	s10 =	simm.s32 $0x3  }
.LBB2_1:
0x11: {  	[tilespmem:s4], [sflag:$0x3] =	stream.linear.gather [hbm4b:s6+s4], $0x28A0, $0x38;
	[tilespmem:$0x1F140] =	vst v63  }
0x12: {  	_ =	swait.ge [sflag:s10], $0x28A0  }
0x13: {  	[sflag:s10] =	ssyncset.done $0x0  }
0x14: {  	[sflag:s10] =	ssyncadd.s32 $0xFFFFD760  }
0x15: {  	[tilespmem:s11], [sflag:$0x3] =	stream.linear.gather [hbm4b:s7+s4], $0x28A0, $0x38;
	[tilespmem:$0x1F140] =	vst v63  }
0x16: {  	_ =	swait.ge [sflag:s10], $0x28A0  }
0x17: {  	[sflag:s10] =	ssyncset.done $0x0  }
0x18: {  	[sflag:s10] =	ssyncadd.s32 $0xFFFFD760  }
0x19: {  	[spmem:s13], [sflag:s12] =	dma.local [hbm:s5], $0x2780  }
0x1a: {  	_ =	swait.ge [sflag:s10], $0x2780  }
0x1b: {  	[sflag:s10] =	ssyncset.done $0x0  }
0x1c: {  	[sflag:s10] =	ssyncadd.s32 $0xFFFFD880  }
0x1d: {  	[bflag:$0x0] =	sbarrier.arrive $0xFFFF  }
0x1e: {  	[tilespmem:s15], [sflag:$0x1] =	stream.indirect.gather [hbm4b:s1+s14], $0x80, s4, s14, $0xb8;
	[tilespmem:$0x1F140] =	vst v63  }
0x1f: {  	_ =	swait.ge [sflag:s16], $0x3200  }
0x20: {  	[sflag:s16] =	ssyncset.done $0x0  }
0x21: {  	[sflag:s16] =	ssyncadd.s32 $0xFFFFCE00  }
0x22: {  	[spmem:s3] =	stream.indirect.scatter.add.f32 [tilespmem:s15], [sflag:$0x2], $0x80, s11, s14, $0xb8;
	[tilespmem:$0x1F140] =	vst v63  }
0x23: {  	_ = 	snop  }
0x24: {  	[tilespmem:s18], [sflag:$0x1] =	stream.indirect.gather [hbm4b:s1+s14], $0x80, s17, s14, $0xb8;
	[tilespmem:$0x1F140] =	vst v63  }
0x25: {  	_ =	swait.ge [sflag:s16], $0x3200  }
0x26: {  	[sflag:s16] =	ssyncset.done $0x0  }
0x27: {  	[sflag:s16] =	ssyncadd.s32 $0xFFFFCE00  }
0x28: {  	[spmem:s3] =	stream.indirect.scatter.add.f32 [tilespmem:s18], [sflag:$0x2], $0x80, s19, s14, $0xb8;
	[tilespmem:$0x1F140] =	vst v63  }
0x29: {  	_ =	swait.ge [sflag:s20], $0x3200  }
0x2a: {  	[sflag:s20] =	ssyncset.done $0x0  }
0x2b: {  	[sflag:s20] =	ssyncadd.s32 $0xFFFFCE00  }
0x2c: {  	[tilespmem:s15], [sflag:$0x1] =	stream.indirect.gather [hbm4b:s1+s14], $0x80, s21, s14, $0xb8;
	[tilespmem:$0x1F140] =	vst v63  }
0x2d: {  	_ =	swait.ge [sflag:s16], $0x3200  }
0x2e: {  	[sflag:s16] =	ssyncset.done $0x0  }
0x2f: {  	s26 =	simm.s32 $0x2970;
	[sflag:s16] =	ssyncadd.s32 $0xFFFFCE00  }
0x30: {  	[spmem:s3] =	stream.indirect.scatter.add.f32 [tilespmem:s15], [sflag:$0x2], $0x80, s26, s14, $0xb8;
	[tilespmem:$0x1F140] =	vst v63  }
0x31: {  	_ =	swait.ge [sflag:s20], $0x3200  }
0x32: {  	[sflag:s20] =	ssyncset.done $0x0  }
0x33: {  	s30 =	simm.s32 $0x138;
	[sflag:s20] =	ssyncadd.s32 $0xFFFFCE00  }
0x34: {  	[tilespmem:s18], [sflag:$0x1] =	stream.indirect.gather [hbm4b:s1+s14], $0x80, s30, s14, $0xb8;
	[tilespmem:$0x1F140] =	vst v63  }
0x35: {  	_ =	swait.ge [sflag:s16], $0x3200  }
0x36: {  	[sflag:s16] =	ssyncset.done $0x0  }
0x37: {  	s31 =	simm.s32 $0x29D8;
	[sflag:s16] =	ssyncadd.s32 $0xFFFFCE00  }
0x38: {  	[spmem:s3] =	stream.indirect.scatter.add.f32 [tilespmem:s18], [sflag:$0x2], $0x80, s31, s14, $0xb8;
	[tilespmem:$0x1F140] =	vst v63  }
0x39: {  	_ =	swait.ge [sflag:s20], $0x3200  }
0x3a: {  	[sflag:s20] =	ssyncset.done $0x0  }
0x3b: {  	s28 =	simm.s32 $0x1A0;
	s26 =	simm.s32 $0xFFFF6740;
	[sflag:s20] =	ssyncadd.s32 $0xFFFFCE00  }
.LBB2_2:
0x3c: {  	[tilespmem:s15], [sflag:$0x1] =	stream.indirect.gather [hbm4b:s1+s14], $0x80, s28, s14, $0xb8;
	[tilespmem:$0x1F140] =	vst v63  }
0x3d: {  	s28 =	smov.u32 s26  }
0x3e: {  	p0 =	sne.s32 s26, $0xFFFFFCC0;
	s26 =	sadd.s32 $0x340, s26;
	_ =	swait.ge [sflag:s16], $0x3200  }
0x3f: {  	s28 =	sshra.s32 s28, $0x2;
	[sflag:s16] =	ssyncset.done $0x0  }
0x40: {  	s29 =	sadd.s32 $0x5070, s28;
	[sflag:s16] =	ssyncadd.s32 $0xFFFFCE00  }
0x41: {  	[spmem:s3] =	stream.indirect.scatter.add.f32 [tilespmem:s15], [sflag:$0x2], $0x80, s29, s14, $0xb8;
	[tilespmem:$0x1F140] =	vst v63  }
0x42: {  	_ =	swait.ge [sflag:s20], $0x3200  }
0x43: {  	[sflag:s20] =	ssyncset.done $0x0  }
0x44: {  	s29 =	sadd.s32 $0x2838, s28;
	[sflag:s20] =	ssyncadd.s32 $0xFFFFCE00  }
0x45: {  	[tilespmem:s18], [sflag:$0x1] =	stream.indirect.gather [hbm4b:s1+s14], $0x80, s29, s14, $0xb8;
	[tilespmem:$0x1F140] =	vst v63  }
0x46: {  	_ =	swait.ge [sflag:s16], $0x3200  }
0x47: {  	[sflag:s16] =	ssyncset.done $0x0  }
.Ltmp0:
0x48: {  	s29 =	sadd.s32 $0x50D8, s28;
	[sflag:s16] =	ssyncadd.s32 $0xFFFFCE00;
	(pc) =	sbr.rel @p0 .LBB2_2-.Ltmp0, $4  }
0x49: {  	[spmem:s3] =	stream.indirect.scatter.add.f32 [tilespmem:s18], [sflag:$0x2], $0x80, s29, s14, $0xb8;
	[tilespmem:$0x1F140] =	vst v63  }
0x4a: {  	_ =	swait.ge [sflag:s20], $0x3200  }
0x4b: {  	[sflag:s20] =	ssyncset.done $0x0  }
0x4c: {  	s28 =	sadd.s32 $0x28A0, s28;
	[sflag:s20] =	ssyncadd.s32 $0xFFFFCE00  }
0x4d: {  	[tilespmem:s15], [sflag:$0x1] =	stream.indirect.gather [hbm4b:s1+s14], $0x80, s28, s14, $0xb8;
	[tilespmem:$0x1F140] =	vst v63  }
0x4e: {  	_ =	swait.ge [sflag:s16], $0x3200  }
0x4f: {  	[sflag:s16] =	ssyncset.done $0x0  }
0x50: {  	[sflag:s16] =	ssyncadd.s32 $0xFFFFCE00  }
0x51: {  	[spmem:s3] =	stream.indirect.scatter.add.f32 [tilespmem:s15], [sflag:$0x2], $0x80, s22, s14, $0xb8;
	[tilespmem:$0x1F140] =	vst v63  }
0x52: {  	_ =	swait.ge [sflag:s20], $0x3200  }
0x53: {  	[sflag:s20] =	ssyncset.done $0x0  }
0x54: {  	[sflag:s20] =	ssyncadd.s32 $0xFFFFCE00  }
0x55: {  	[tilespmem:s18], [sflag:$0x1] =	stream.indirect.gather [hbm4b:s1+s14], $0x80, s23, s14, $0xb8;
	[tilespmem:$0x1F140] =	vst v63  }
0x56: {  	_ =	swait.ge [sflag:s16], $0x3200  }
0x57: {  	[sflag:s16] =	ssyncset.done $0x0  }
0x58: {  	[sflag:s16] =	ssyncadd.s32 $0xFFFFCE00  }
0x59: {  	[spmem:s3] =	stream.indirect.scatter.add.f32 [tilespmem:s18], [sflag:$0x2], $0x80, s24, s14, $0xb8;
	[tilespmem:$0x1F140] =	vst v63  }
0x5a: {  	_ =	swait.ge [sflag:s20], $0x3200  }
0x5b: {  	[sflag:s20] =	ssyncset.done $0x0  }
0x5c: {  	[sflag:s20] =	ssyncadd.s32 $0xFFFFCE00  }
0x5d: {  	[tilespmem:s15], [sflag:$0x1] =	stream.indirect.gather [hbm4b:s1+s14], $0x80, s23, s14, $0xb8;
	[tilespmem:$0x1F140] =	vst v63  }
0x5e: {  	_ =	swait.ge [sflag:s16], $0x3200  }
0x5f: {  	[sflag:s16] =	ssyncset.done $0x0  }
0x60: {  	[sflag:s16] =	ssyncadd.s32 $0xFFFFCE00  }
0x61: {  	_ =	swait.ge [sflag:s20], $0x3200  }
0x62: {  	s25 =	sadd.s32 $0x1, s25;
	[sflag:s20] =	ssyncset.done $0x0  }
0x63: {  	p0 =	sne.s32 s25, s9;
	[sflag:s20] =	ssyncadd.s32 $0xFFFFCE00  }
.Ltmp1:
0x64: {  	[bflag:$0x0] =	sbarrier.arrive $0xFFFF;
	(pc) =	sbr.rel @p0 .LBB2_1-.Ltmp1, $4  }
0x65: {  	[hbm:s8], [sflag:s12] =	dma.local [spmem:s13], $0x2780  }
0x66: {  	_ =	swait.ge [sflag:s10], $0x2780  }
0x67: {  	[sflag:s10] =	ssyncset.done $0x0  }
0x68: {  	[sflag:s10] =	ssyncadd.s32 $0xFFFFD880  }
0x69: {  	_ =	sfence.sel $0x180000  }
0x6a: {  	[bflag:$0x0] =	sbarrier.arrive $0xFFFF  }
0x6b: {  	p0 =	sne.s32 s0, $0x0;
	_ =	strace $0x90000053  }
0x6c: {  	s0 =	sadd.s32 @!p0 $0x100000, s2;
	[bflag:$0x2] =	sbarrier.arrive $0xFFFF  }
0x6d: {  	[sflag:s0] =	ssyncadd.tile.s32 @!p0 $0x1;
	_ =	shalt  }
.Lfunc_end2:
_tile_overlayer_lowered:
.L_overlay_start_2:
0x6e: {  	(tag) =	ssettag $0x2  }
0x6f: {  	s0 =	rddreg [dreg:$0x0];
	s2 =	stileid.u32  }
0x70: {  	s1 =	rddreg [dreg:$0x1];
	p0 =	sne.s32 s2, $0x0  }
0x71: {  	s3 =	rddreg [dreg:$0x2];
	[bflag:$0x3] =	sbarrier.arrive $0xFFFF;
	s2 =	simm.s32 @!p0 $0x1C03  }
0x72: {  	[timem:s3], [sflag:s2] =	dma.local @!p0 [hbm:s0], s1  }
0x73: {  	s0 =	simm.s32 @!p0 $0x3  }
0x74: {  	_ =	swait.ge @!p0 [sflag:s0], s1  }
0x75: {  	s1 =	ssub.s32 @!p0 $0x0, s1;
	[sflag:s0] =	ssyncset.done @!p0 $0x0  }
0x76: {  	[sflag:s0] =	ssyncadd.s32 @!p0 s1  }
0x77: {  	[bflag:$0x3] =	sbarrier.arrive $0xFFFF  }
0x78: {  	_ =	shalt  }

// kernel: kernel.20.cloned.1.call-start
scs
__scs_entry_jumppad:
0x0: {  	(pc) =	sbr.rel $0x88, $3  }
0x1: {  	(tag) =	ssettag $0x0;
	lr =	simm.s32 $0x1  }
0x2: {  	[smem:$0x3F91] =	sst lr;
	_ =	strace $0xD0000000  }
0x3: {  	_ = 	snop  }
0x4: {  	_ = 	snop  }
0x5: {  	_ = 	snop  }
0x6: {  	_ = 	snop  }
0x7: {  	_ = 	snop  }
__scs_overlays_trampoline_lowered:
0x8: {  	[smem:$0x3FA0] =	sst s0  }
0x9: {  	[smem:$0x3FA1] =	sst s1  }
0xa: {  	[smem:$0x3FA2] =	sst s2  }
0xb: {  	[smem:$0x3FA3] =	sst s3  }
0xc: {  	[smem:$0x3FA4] =	sst s4  }
0xd: {  	[smem:$0x3FA5] =	sst s5  }
0xe: {  	[smem:$0x3FA6] =	sst s6  }
0xf: {  	[smem:$0x3FA7] =	sst s7  }
0x10: {  	[smem:$0x3FA8] =	sst s8  }
0x11: {  	[smem:$0x3FA9] =	sst s9;
	s0 =	simm.s32 @!p0 $0x0  }
0x12: {  	s1 =	sld [smem:$0x3F8F];
	s0 =	simm.s32 @p0 $0x1  }
0x13: {  	[smem:$0x3FAA] =	sst s0;
	s0 =	simm.s32 @!p1 $0x0  }
0x14: {  	s2 =	sld [smem:$0x3F8E];
	s0 =	simm.s32 @p1 $0x1  }
0x15: {  	[smem:$0x3FAB] =	sst s0;
	s0 =	simm.s32 @!p2 $0x0  }
0x16: {  	s3 =	sld [smem:$0x3FDB];
	s0 =	simm.s32 @p2 $0x1  }
0x17: {  	s4 =	simm.s32 $0x1BF5;
	[smem:$0x3FAD] =	sst s0  }
0x18: {  	s0 =	sld [smem:$0x3F90];
	_ =	swait.ge [sflag:s4], $0x0  }
0x19: {  	s7 =	sld [smem:$0x3F91]  }
0x1a: {  	s8 =	sadd.s32 $0xFFFFE003, lr  }
0x1b: {  	s9 =	sadd.s32 $0xFFFFFEF7, lr;
	s5 =	simm.s32 $0xFFFFFFFF;
	p2 =	slt.u32 s8, $0xFFFFF086  }
0x1c: {  	p1 =	slt.u32 s9, $0xF7A;
	s5 =	simm.s32 @!p2 $0x0  }
0x1d: {  	s5 =	simm.s32 @p1 $0x1;
	p0 =	seq.s32 s7, s2  }
0x1e: {  	s7 =	smul.u32 @!p0 $0xF7A, s2;
	p2 =	seq.s32 @!p0 s5, $0x0  }
0x1f: {  	s9 =	smul.u32 $0xF7A, s1;
	s8 =	simm.s32 @!p0 $0x1BF5;
	p2 =	por !p2, p0  }
0x20: {  	[sflag:s8] =	ssyncset.s32 @!p0 $0xFFFFF086;
	s6 =	sadd.s32 @!p0 s3, s7;
	s7 =	simm.s32 @!p0 $0x108  }
0x21: {  	s3 =	sadd.s32 s3, s9;
	s6 =	sadd.s32 @!p0 $0x88, s6;
	s7 =	simm.s32 @p2 $0x1082  }
0x22: {  	[simem:s7], [sflag:s8] =	dma.local @!p0 [hbm:s6], $0xF7A  }
0x23: {  	s9 =	sor.u32 $0xD0000000, s2;
	s6 =	simm.s32 $0x108;
	_ =	swait.ge @!p0 [sflag:s8], $0x0  }
0x24: {  	s3 =	sadd.s32 $0x88, s3;
	s6 =	simm.s32 @!p1 $0x1082;
	[sflag:s4] =	ssyncset.s32 $0xFFFFF086  }
0x25: {  	[simem:s6], [sflag:s4] =	dma.local [hbm:s3], $0xF7A  }
0x26: {  	[smem:$0x3F91] =	sst s1;
	(tag) =	ssettag s2;
	_ =	strace s9  }
0x27: {  	s1 =	sld [smem:$0x3FA1]  }
0x28: {  	s2 =	sld [smem:$0x3FA2]  }
0x29: {  	s4 =	sld [smem:$0x3FA4]  }
0x2a: {  	p0 =	seq.s32 s5, $0x0;
	s5 =	sld [smem:$0x3FA5]  }
0x2b: {  	s6 =	sld [smem:$0x3FA6]  }
0x2c: {  	s7 =	sld [smem:$0x3FA7]  }
0x2d: {  	s3 =	simm.s32 $0x108;
	s8 =	sld [smem:$0x3FA8]  }
0x2e: {  	s3 =	simm.s32 @!p0 $0x1082;
	s9 =	sld [smem:$0x3FA9]  }
0x2f: {  	lr =	sadd.s32 s0, s3;
	s0 =	sld [smem:$0x3FA0]  }
0x30: {  	s3 =	sld [smem:$0x3FA3]  }
0x31: {  	[smem:$0x3FAC] =	sst s10  }
0x32: {  	s10 =	sld [smem:$0x3FAA];
	_ =	sdelay $0x3  }
0x33: {  	p0 =	seq.s32 s10, $0x1;
	s10 =	sld [smem:$0x3FAC];
	_ =	sdelay $0x3  }
0x34: {  	[smem:$0x3FAC] =	sst s10  }
0x35: {  	s10 =	sld [smem:$0x3FAB];
	_ =	sdelay $0x3  }
0x36: {  	p1 =	seq.s32 s10, $0x1;
	s10 =	sld [smem:$0x3FAC];
	_ =	sdelay $0x3  }
0x37: {  	[smem:$0x3FAC] =	sst s10  }
0x38: {  	s10 =	sld [smem:$0x3FAD]  }
0x39: {  	_ = 	snop;
	(pc) =	sbr.ind lr, $3  }
0x3a: {  	_ = 	snop  }
0x3b: {  	_ = 	snop  }
0x3c: {  	p2 =	seq.s32 s10, $0x1;
	s10 =	sld [smem:$0x3FAC]  }
0x3d: {  	_ =	shalt  }
0x3e: {  	_ =	shalt  }
0x3f: {  	_ =	shalt  }
0x40: {  	_ =	shalt  }
0x41: {  	_ =	shalt  }
0x42: {  	_ =	shalt  }
0x43: {  	_ =	shalt  }
0x44: {  	_ =	shalt  }
0x45: {  	_ =	shalt  }
0x46: {  	_ =	shalt  }
0x47: {  	_ =	shalt  }
0x48: {  	_ =	shalt  }
0x49: {  	_ =	shalt  }
0x4a: {  	_ =	shalt  }
0x4b: {  	_ =	shalt  }
0x4c: {  	_ =	shalt  }
0x4d: {  	_ =	shalt  }
0x4e: {  	_ =	shalt  }
0x4f: {  	_ =	shalt  }
0x50: {  	_ =	shalt  }
0x51: {  	_ =	shalt  }
0x52: {  	_ =	shalt  }
0x53: {  	_ =	shalt  }
0x54: {  	_ =	shalt  }
0x55: {  	_ =	shalt  }
0x56: {  	_ =	shalt  }
0x57: {  	_ =	shalt  }
0x58: {  	_ =	shalt  }
0x59: {  	_ =	shalt  }
0x5a: {  	_ =	shalt  }
0x5b: {  	_ =	shalt  }
0x5c: {  	_ =	shalt  }
0x5d: {  	_ =	shalt  }
0x5e: {  	_ =	shalt  }
0x5f: {  	_ =	shalt  }
0x60: {  	_ =	shalt  }
0x61: {  	_ =	shalt  }
0x62: {  	_ =	shalt  }
0x63: {  	_ =	shalt  }
0x64: {  	_ =	shalt  }
0x65: {  	_ =	shalt  }
0x66: {  	_ =	shalt  }
0x67: {  	_ =	shalt  }
0x68: {  	_ =	shalt  }
0x69: {  	_ =	shalt  }
0x6a: {  	_ =	shalt  }
0x6b: {  	_ =	shalt  }
0x6c: {  	_ =	shalt  }
0x6d: {  	_ =	shalt  }
0x6e: {  	_ =	shalt  }
0x6f: {  	_ =	shalt  }
0x70: {  	_ =	shalt  }
0x71: {  	_ =	shalt  }
0x72: {  	_ =	shalt  }
0x73: {  	_ =	shalt  }
0x74: {  	_ =	shalt  }
0x75: {  	_ =	shalt  }
0x76: {  	_ =	shalt  }
0x77: {  	_ =	shalt  }
0x78: {  	_ =	shalt  }
0x79: {  	_ =	shalt  }
0x7a: {  	_ =	shalt  }
0x7b: {  	_ =	shalt  }
0x7c: {  	_ =	shalt  }
0x7d: {  	_ =	shalt  }
0x7e: {  	_ =	shalt  }
0x7f: {  	_ =	shalt  }
0x80: {  	_ =	shalt  }
0x81: {  	_ =	shalt  }
0x82: {  	_ =	shalt  }
0x83: {  	_ =	shalt  }
0x84: {  	_ =	shalt  }
0x85: {  	_ =	shalt  }
0x86: {  	_ =	shalt  }
0x87: {  	_ =	shalt  }
.Lfunc_end0:
.L_simem_size_0:
called_computation.4_lowered:
.L_overlay_start_0:
0x88: {  	s2 =	sld [smem:$0x3FD9]  }
0x89: {  	s3 =	sld [smem:$0x3FFE];
	_ =	sdelay $0x1  }
0x8a: {  	s1 =	srdreg.scid  }
0x8b: {  	s0 =	sand.u32 $0x1, s1  }
0x8c: {  	s16 =	sshll.u32 s0, $0xA;
	s2 =	sadd.s32 s3, s2  }
0x8d: {  	s2 =	sadd.s32 s2, s16  }
0x8e: {  	[smem:$0x3FB8] =	sst s2  }
0x8f: {  	_ = 	snop  }
0x90: {  	(tm) =	ssettm $0x1  }
0x91: {  	s17 =	sld [smem:$0x3FFB];
	_ =	sdelay $0x3  }
0x92: {  	_ =	strace s17  }
0x93: {  	s2 =	sld [smem:$0x3FFC];
	_ =	sdelay $0x3  }
0x94: {  	_ =	strace s2  }
0x95: {  	s2 =	sld [smem:$0x3FFD];
	_ =	sdelay $0x3  }
0x96: {  	_ =	strace s2  }
0x97: {  	_ =	strace $0x8FFFFFFF  }
0x98: {  	s18 =	sld [smem:$0x3FDB];
	_ =	sdelay $0x1  }
0x99: {  	s19 =	simm.s32 $_scs_section_size  }
0x9a: {  	s4 =	simm.s32 $_size__tile_overlayer_lowered;
	s5 =	simm.s32 $_tile_overlayer_lowered  }
0x9b: {  	s22 =	simm.s32 $0x1BFF;
	s21 =	sshll.u32 s5, $0x1;
	s2 =	sadd.s32 s19, s18  }
0x9c: {  	s6 =	simm.s32 $0x0;
	s20 =	sshll.u32 s4, $0x1;
	s4 =	sadd.s32 s21, s2  }
0x9d: {  	[timem:s6], [sflag:s22] =	dma.local [hbm:s4], s20  }
0x9e: {  	_ =	swait.ge [sflag:s22], s20  }
0x9f: {  	s3 =	ssub.s32 $0x0, s20;
	[sflag:s22] =	ssyncset.done $0x0  }
0xa0: {  	[sflag:s22] =	ssyncadd.s32 s3;
	_ =	sdelay $0x1  }
0xa1: {  	s23 =	simm.s32 $0x1B8B  }
0xa2: {  	_ =	swait.ge [sflag:s23], $0x1  }
0xa3: {  	[sflag:s23] =	ssyncset.done $0x0  }
0xa4: {  	s25 =	simm.s32 $0x1B8E;
	s24 =	sld [smem:$0x3FFE];
	[sflag:s23] =	ssyncadd.s32 $0xFFFFFFFF  }
0xa5: {  	s26 =	simm.s32 $execute0_lowered;
	[smem:$0x3FD2] =	sst s25  }
0xa6: {  	s4 =	sshll.u32 s26, $0x1;
	_ =	strace $0x8000004F;
	[dreg:$0x1] =	wrdreg $0xFFFFFFFF  }
0xa7: {  	s28 =	simm.s32 $_size_execute0_lowered;
	s2 =	sadd.s32 s2, s4;
	[dreg:$0x0] =	wrdreg $0x0  }
0xa8: {  	s4 =	sshll.u32 s28, $0x1;
	[dreg:$0x2] =	wrdreg s2  }
0xa9: {  	[dreg:$0x3] =	wrdreg s4  }
0xaa: {  	[dreg:$0x4] =	wrdreg $0xC0  }
0xab: {  	_ =	task [dreg:s6], $0x5FFFF  }
0xac: {  	[dreg:$0x1] =	wrdreg $0xFFFFFFFF  }
0xad: {  	[dreg:$0x0] =	wrdreg $0x60  }
0xae: {  	[dreg:$0x2] =	wrdreg s24  }
0xaf: {  	[dreg:$0x3] =	wrdreg $0x8E800  }
0xb0: {  	[dreg:$0x4] =	wrdreg $0xA  }
0xb1: {  	_ =	task.clear_ibuf [dreg:s6], $0x5FFFF;
	_ =	strace $0x9000004F  }
0xb2: {  	s29 =	simm.s32 $0xA;
	_ =	strace $0x80000051  }
0xb3: {  	_ =	swait.ge [sflag:s29], $0x1  }
0xb4: {  	[sflag:s29] =	ssyncadd.s32 $0xFFFFFFFF  }
0xb5: {  	_ =	strace $0x90000051  }
0xb6: {  	_ =	sfence  }
0xb7: {  	s30 =	sld [smem:$0x0];
	_ =	sdelay $0x2  }
0xb8: {  	s31 =	sshll.u32 s1, $0xD;
	s1 =	sshrl.u32 s1, $0x2  }
0xb9: {  	s3 =	sand.u32 $0x4000, s31;
	s1 =	sadd.s32 s1, s30  }
0xba: {  	s0 =	sor.u32 s3, s0;
	s1 =	sshll.u32 s1, $0x11  }
0xbb: {  	s0 =	sor.u32 s1, s0  }
0xbc: {  	s0 =	sadd.s32 $0x8F2B, s0  }
0xbd: {  	[sflag:s0] =	ssyncadd.remote.s32 $0x1  }
0xbe: {  	_ =	sfence.sel $0xFFFF  }
0xbf: {  	[dreg:$0x0] =	wrdreg $0xFFFFFFFF;
	(pc) =	sbr.abs _section_cstart, $3  }
0xc0: {  	[dreg:$0x1] =	wrdreg $0xFFFFFFFF  }
0xc1: {  	_ =	task.clear_ibuf [dreg:s6], $0x2FFFF;
	_ =	strace $0x9FFFFFFF  }
0xc2: {  	(tm) =	ssettm $0x7FFFFFFF  }
0xc3: {  	_ =	shalt  }
tec
execute0_lowered:
.L_overlay_start_1:
0x0: {  	(tag) =	ssettag $0x1  }
0x1: {  	s6 =	rddreg [dreg:$0x0]  }
0x2: {  	s0 =	srdreg.scid;
	s2 =	rddreg [dreg:$0x1]  }
0x3: {  	s3 =	simm.s32 $0x0;
	s14 =	simm.s32 $0x7D;
	s15 =	simm.s32 $0x5000  }
0x4: {  	s16 =	simm.s32 $0x1;
	s17 =	simm.s32 $0x80;
	s18 =	simm.s32 $0x6F40  }
0x5: {  	s19 =	simm.s32 $0x2880;
	s20 =	simm.s32 $0x2;
	s21 =	simm.s32 $0x100  }
0x6: {  	s22 =	simm.s32 $0x4F00;
	s23 =	simm.s32 $0x2780;
	s24 =	simm.s32 $0x4F80  }
0x7: {  	s25 =	simm.s32 $0x0;
	s5 =	sand.u32 $0x1, s0;
	s0 =	stileid.u32  }
0x8: {  	[smem:$0x7FF] =	sst s3;
	s4 =	sadd.s32 $0x2600, s6;
	s8 =	smul.u32 $0x9E00, s0  }
0x9: {  	s1 =	sshll.u32 s5, $0x4;
	s9 =	smul.u32 $0x9E000, s5;
	s10 =	ssub.s32 $0x2, s5  }
0xa: {  	s5 =	sadd.s32 $0x16000, s6;
	s12 =	sshll.u32 s0, $0x6;
	s1 =	sor.u32 s0, s1  }
0xb: {  	s11 =	sshrl.u32 s10, $0x1;
	s12 =	sor.u32 $0x1C03, s12;
	s7 =	smul.u32 $0x500, s1  }
0xc: {  	s1 =	rddreg [dreg:$0x2];
	_ =	strace $0x80000050;
	s9 =	sadd.s32 s8, s9  }
0xd: {  	s10 =	ssub.s32 s10, s11;
	s13 =	sadd.s32 s8, s2;
	s11 =	simm.s32 $0x2800  }
0xe: {  	s9 =	sshrl.u32 s9, $0x3;
	s13 =	sshrl.u32 s13, $0x3;
	s7 =	sadd.s32 s7, s6  }
0xf: {  	s9 =	sadd.s32 s9, s6;
	s6 =	sadd.s32 $0xE6400, s7;
	s7 =	sadd.s32 $0xDC400, s7  }
0x10: {  	s8 =	sadd.s32 $0x17400, s9;
	s9 =	smax.u32 s10, $0x1;
	s10 =	simm.s32 $0x3  }
.LBB2_1:
0x11: {  	[tilespmem:s3], [sflag:$0x3] =	stream.linear.gather [hbm4b:s6+s3], $0x2800, $0x38;
	[tilespmem:$0x12C80] =	vst v63  }
0x12: {  	_ =	swait.ge [sflag:s10], $0x2800  }
0x13: {  	[sflag:s10] =	ssyncset.done $0x0  }
0x14: {  	[sflag:s10] =	ssyncadd.s32 $0xFFFFD800  }
0x15: {  	[tilespmem:s11], [sflag:$0x3] =	stream.linear.gather [hbm4b:s7+s3], $0x2800, $0x38;
	[tilespmem:$0x12C80] =	vst v63  }
0x16: {  	_ =	swait.ge [sflag:s10], $0x2800  }
0x17: {  	[sflag:s10] =	ssyncset.done $0x0  }
0x18: {  	[sflag:s10] =	ssyncadd.s32 $0xFFFFD800  }
0x19: {  	[spmem:s13], [sflag:s12] =	dma.local [hbm:s5], $0x13C0  }
0x1a: {  	_ =	swait.ge [sflag:s10], $0x13C0  }
0x1b: {  	[sflag:s10] =	ssyncset.done $0x0  }
0x1c: {  	[sflag:s10] =	ssyncadd.s32 $0xFFFFEC40  }
0x1d: {  	[bflag:$0x0] =	sbarrier.arrive $0xFFFF  }
0x1e: {  	[tilespmem:s15], [sflag:$0x1] =	stream.indirect.gather [hbm4b:s4+s14], $0x40, s3, s14, $0xb8;
	[tilespmem:$0x12C80] =	vst v63  }
0x1f: {  	_ =	swait.ge [sflag:s16], $0x1F40  }
0x20: {  	[sflag:s16] =	ssyncset.done $0x0  }
0x21: {  	[sflag:s16] =	ssyncadd.s32 $0xFFFFE0C0  }
0x22: {  	[spmem:s2] =	stream.indirect.scatter.add.f32 [tilespmem:s15], [sflag:$0x2], $0x40, s11, s14, $0xb8;
	[tilespmem:$0x12C80] =	vst v63  }
0x23: {  	_ = 	snop  }
0x24: {  	[tilespmem:s18], [sflag:$0x1] =	stream.indirect.gather [hbm4b:s4+s14], $0x40, s17, s14, $0xb8;
	[tilespmem:$0x12C80] =	vst v63  }
0x25: {  	_ =	swait.ge [sflag:s16], $0x1F40  }
0x26: {  	[sflag:s16] =	ssyncset.done $0x0  }
0x27: {  	[sflag:s16] =	ssyncadd.s32 $0xFFFFE0C0  }
0x28: {  	[spmem:s2] =	stream.indirect.scatter.add.f32 [tilespmem:s18], [sflag:$0x2], $0x40, s19, s14, $0xb8;
	[tilespmem:$0x12C80] =	vst v63  }
0x29: {  	_ =	swait.ge [sflag:s20], $0x1F40  }
0x2a: {  	[sflag:s20] =	ssyncset.done $0x0  }
0x2b: {  	[sflag:s20] =	ssyncadd.s32 $0xFFFFE0C0  }
0x2c: {  	[tilespmem:s15], [sflag:$0x1] =	stream.indirect.gather [hbm4b:s4+s14], $0x40, s21, s14, $0xb8;
	[tilespmem:$0x12C80] =	vst v63  }
0x2d: {  	_ =	swait.ge [sflag:s16], $0x1F40  }
0x2e: {  	[sflag:s16] =	ssyncset.done $0x0  }
0x2f: {  	s26 =	simm.s32 $0x2900;
	[sflag:s16] =	ssyncadd.s32 $0xFFFFE0C0  }
0x30: {  	[spmem:s2] =	stream.indirect.scatter.add.f32 [tilespmem:s15], [sflag:$0x2], $0x40, s26, s14, $0xb8;
	[tilespmem:$0x12C80] =	vst v63  }
0x31: {  	_ =	swait.ge [sflag:s20], $0x1F40  }
0x32: {  	[sflag:s20] =	ssyncset.done $0x0  }
0x33: {  	s30 =	simm.s32 $0x180;
	[sflag:s20] =	ssyncadd.s32 $0xFFFFE0C0  }
0x34: {  	[tilespmem:s18], [sflag:$0x1] =	stream.indirect.gather [hbm4b:s4+s14], $0x40, s30, s14, $0xb8;
	[tilespmem:$0x12C80] =	vst v63  }
0x35: {  	_ =	swait.ge [sflag:s16], $0x1F40  }
0x36: {  	[sflag:s16] =	ssyncset.done $0x0  }
0x37: {  	s31 =	simm.s32 $0x2980;
	[sflag:s16] =	ssyncadd.s32 $0xFFFFE0C0  }
0x38: {  	[spmem:s2] =	stream.indirect.scatter.add.f32 [tilespmem:s18], [sflag:$0x2], $0x40, s31, s14, $0xb8;
	[tilespmem:$0x12C80] =	vst v63  }
0x39: {  	_ =	swait.ge [sflag:s20], $0x1F40  }
0x3a: {  	[sflag:s20] =	ssyncset.done $0x0  }
0x3b: {  	s28 =	simm.s32 $0x200;
	s26 =	simm.s32 $0xFFFF6C00;
	[sflag:s20] =	ssyncadd.s32 $0xFFFFE0C0  }
.LBB2_2:
0x3c: {  	[tilespmem:s15], [sflag:$0x1] =	stream.indirect.gather [hbm4b:s4+s14], $0x40, s28, s14, $0xb8;
	[tilespmem:$0x12C80] =	vst v63  }
0x3d: {  	s28 =	smov.u32 s26  }
0x3e: {  	p0 =	sne.s32 s26, $0xFFFFFC00;
	s26 =	sadd.s32 $0x400, s26;
	_ =	swait.ge [sflag:s16], $0x1F40  }
0x3f: {  	s28 =	sshra.s32 s28, $0x2;
	[sflag:s16] =	ssyncset.done $0x0  }
0x40: {  	s29 =	sadd.s32 $0x4F00, s28;
	[sflag:s16] =	ssyncadd.s32 $0xFFFFE0C0  }
0x41: {  	[spmem:s2] =	stream.indirect.scatter.add.f32 [tilespmem:s15], [sflag:$0x2], $0x40, s29, s14, $0xb8;
	[tilespmem:$0x12C80] =	vst v63  }
0x42: {  	_ =	swait.ge [sflag:s20], $0x1F40  }
0x43: {  	[sflag:s20] =	ssyncset.done $0x0  }
0x44: {  	s29 =	sadd.s32 $0x2780, s28;
	[sflag:s20] =	ssyncadd.s32 $0xFFFFE0C0  }
0x45: {  	[tilespmem:s18], [sflag:$0x1] =	stream.indirect.gather [hbm4b:s4+s14], $0x40, s29, s14, $0xb8;
	[tilespmem:$0x12C80] =	vst v63  }
0x46: {  	_ =	swait.ge [sflag:s16], $0x1F40  }
0x47: {  	[sflag:s16] =	ssyncset.done $0x0  }
.Ltmp0:
0x48: {  	s29 =	sadd.s32 $0x4F80, s28;
	[sflag:s16] =	ssyncadd.s32 $0xFFFFE0C0;
	(pc) =	sbr.rel @p0 .LBB2_2-.Ltmp0, $4  }
0x49: {  	[spmem:s2] =	stream.indirect.scatter.add.f32 [tilespmem:s18], [sflag:$0x2], $0x40, s29, s14, $0xb8;
	[tilespmem:$0x12C80] =	vst v63  }
0x4a: {  	_ =	swait.ge [sflag:s20], $0x1F40  }
0x4b: {  	[sflag:s20] =	ssyncset.done $0x0  }
0x4c: {  	s28 =	sadd.s32 $0x2800, s28;
	[sflag:s20] =	ssyncadd.s32 $0xFFFFE0C0  }
0x4d: {  	[tilespmem:s15], [sflag:$0x1] =	stream.indirect.gather [hbm4b:s4+s14], $0x40, s28, s14, $0xb8;
	[tilespmem:$0x12C80] =	vst v63  }
0x4e: {  	_ =	swait.ge [sflag:s16], $0x1F40  }
0x4f: {  	[sflag:s16] =	ssyncset.done $0x0  }
0x50: {  	[sflag:s16] =	ssyncadd.s32 $0xFFFFE0C0  }
0x51: {  	[spmem:s2] =	stream.indirect.scatter.add.f32 [tilespmem:s15], [sflag:$0x2], $0x40, s22, s14, $0xb8;
	[tilespmem:$0x12C80] =	vst v63  }
0x52: {  	_ =	swait.ge [sflag:s20], $0x1F40  }
0x53: {  	[sflag:s20] =	ssyncset.done $0x0  }
0x54: {  	[sflag:s20] =	ssyncadd.s32 $0xFFFFE0C0  }
0x55: {  	[tilespmem:s18], [sflag:$0x1] =	stream.indirect.gather [hbm4b:s4+s14], $0x40, s23, s14, $0xb8;
	[tilespmem:$0x12C80] =	vst v63  }
0x56: {  	_ =	swait.ge [sflag:s16], $0x1F40  }
0x57: {  	[sflag:s16] =	ssyncset.done $0x0  }
0x58: {  	[sflag:s16] =	ssyncadd.s32 $0xFFFFE0C0  }
0x59: {  	[spmem:s2] =	stream.indirect.scatter.add.f32 [tilespmem:s18], [sflag:$0x2], $0x40, s24, s14, $0xb8;
	[tilespmem:$0x12C80] =	vst v63  }
0x5a: {  	_ =	swait.ge [sflag:s20], $0x1F40  }
0x5b: {  	[sflag:s20] =	ssyncset.done $0x0  }
0x5c: {  	[sflag:s20] =	ssyncadd.s32 $0xFFFFE0C0  }
0x5d: {  	[tilespmem:s15], [sflag:$0x1] =	stream.indirect.gather [hbm4b:s4+s14], $0x40, s23, s14, $0xb8;
	[tilespmem:$0x12C80] =	vst v63  }
0x5e: {  	_ =	swait.ge [sflag:s16], $0x1F40  }
0x5f: {  	[sflag:s16] =	ssyncset.done $0x0  }
0x60: {  	[sflag:s16] =	ssyncadd.s32 $0xFFFFE0C0  }
0x61: {  	_ =	swait.ge [sflag:s20], $0x1F40  }
0x62: {  	s25 =	sadd.s32 $0x1, s25;
	[sflag:s20] =	ssyncset.done $0x0  }
0x63: {  	p0 =	sne.s32 s25, s9;
	[sflag:s20] =	ssyncadd.s32 $0xFFFFE0C0  }
.Ltmp1:
0x64: {  	[bflag:$0x0] =	sbarrier.arrive $0xFFFF;
	(pc) =	sbr.rel @p0 .LBB2_1-.Ltmp1, $4  }
0x65: {  	[hbm:s8], [sflag:s12] =	dma.local [spmem:s13], $0x13C0  }
0x66: {  	_ =	swait.ge [sflag:s10], $0x13C0  }
0x67: {  	[sflag:s10] =	ssyncset.done $0x0  }
0x68: {  	[sflag:s10] =	ssyncadd.s32 $0xFFFFEC40  }
0x69: {  	_ =	sfence.sel $0x180000  }
0x6a: {  	[bflag:$0x0] =	sbarrier.arrive $0xFFFF  }
0x6b: {  	p0 =	sne.s32 s0, $0x0;
	_ =	strace $0x90000050  }
0x6c: {  	s0 =	sadd.s32 @!p0 $0x100000, s1;
	[bflag:$0x2] =	sbarrier.arrive $0xFFFF  }
0x6d: {  	[sflag:s0] =	ssyncadd.tile.s32 @!p0 $0x1;
	_ =	shalt  }
.Lfunc_end2:
_tile_overlayer_lowered:
.L_overlay_start_2:
0x6e: {  	(tag) =	ssettag $0x2  }
0x6f: {  	s0 =	rddreg [dreg:$0x0];
	s2 =	stileid.u32  }
0x70: {  	s1 =	rddreg [dreg:$0x1];
	p0 =	sne.s32 s2, $0x0  }
0x71: {  	s3 =	rddreg [dreg:$0x2];
	[bflag:$0x3] =	sbarrier.arrive $0xFFFF;
	s2 =	simm.s32 @!p0 $0x1C03  }
0x72: {  	[timem:s3], [sflag:s2] =	dma.local @!p0 [hbm:s0], s1  }
0x73: {  	s0 =	simm.s32 @!p0 $0x3  }
0x74: {  	_ =	swait.ge @!p0 [sflag:s0], s1  }
0x75: {  	s1 =	ssub.s32 @!p0 $0x0, s1;
	[sflag:s0] =	ssyncset.done @!p0 $0x0  }
0x76: {  	[sflag:s0] =	ssyncadd.s32 @!p0 s1  }
0x77: {  	[bflag:$0x3] =	sbarrier.arrive $0xFFFF  }
0x78: {  	_ =	shalt  }

</sc_bundles>
